<compile_context>
chip_gen: v7x
topology: tpu7x:2x2x1
jax: 0.10.2.dev20260603
libtpu: 0.0.44.dev20260713+nightly
codegen_flags: <defaults>
</compile_context>

<pallas_src>
import functools

import jax
import jax.numpy as jnp
from jax import lax
from jax.experimental import pallas as pl
from jax.experimental.pallas import tpu as pltpu
from jax.experimental.pallas import tpu_sc as plsc

_N = 300
_NPAD = 304
_LANES = 16
_NWIN = _NPAD // _LANES

_NW = 32
_CH = 40


def _rbf_sc(d_hbm, c_hbm, out_hbm, d_v, c_v, ob, sems):
    rows_pw = d_v.shape[0] - _LANES
    nch = rows_pw // _CH
    wid = lax.axis_index("s") * 2 + lax.axis_index("c")
    base = wid * rows_pw

    pltpu.sync_copy(d_hbm.at[pl.ds(base, rows_pw)], d_v.at[pl.ds(0, rows_pw)])
    pltpu.sync_copy(c_hbm, c_v)

    c_head = c_v[pl.ds(0, _LANES)]
    gap_v = jnp.broadcast_to(c_head[1] - c_head[0], (_LANES,))
    coef = -1.0 / gap_v

    lane_iota = lax.iota(jnp.int32, _LANES)
    tail0 = (_NWIN - 1) * _LANES
    tail_cols = tail0 + lane_iota
    tail_mask = tail_cols < _N
    cs = [c_v[pl.ds(w * _LANES, _LANES)] for w in range(_NWIN)]

    def chunk_body(k, carry):
        b = lax.rem(k, 4)

        @pl.when(k >= 4)
        def _():
            pltpu.make_async_copy(
                ob.at[b], out_hbm.at[pl.ds(base + (k - 4) * _CH, _CH)],
                sems.at[b]).wait()

        def row8_body(q, carry2):
            dvec = d_v[pl.ds(k * _CH + q * 8, _LANES)]
            for rr in range(8):
                r = q * 8 + rr
                d_s = dvec[rr]
                for w in range(_NWIN - 1):
                    x = d_s - cs[w]
                    ob[b, r, pl.ds(w * _LANES, _LANES)] = jnp.exp(coef * (x * x))
                xt = d_s - cs[_NWIN - 1]
                vt = jnp.exp(coef * (xt * xt))
                plsc.store_scatter(
                    ob,
                    [jnp.broadcast_to(b, (_LANES,)),
                     jnp.broadcast_to(r, (_LANES,)),
                     tail_cols],
                    vt, mask=tail_mask)
            return carry2

        lax.fori_loop(0, _CH // 8, row8_body, 0)

        pltpu.make_async_copy(
            ob.at[b], out_hbm.at[pl.ds(base + k * _CH, _CH)],
            sems.at[b]).start()
        return carry

    lax.fori_loop(0, nch, chunk_body, 0)

    for b2 in range(4):
        k = nch - 4 + b2
        b = k % 4
        pltpu.make_async_copy(
            ob.at[b], out_hbm.at[pl.ds(base + k * _CH, _CH)],
            sems.at[b]).wait()


def kernel(distance, centers):
    E = distance.shape[0]
    n = centers.shape[0]
    rows_pw = E // _NW
    d1 = distance.reshape(E)
    cpad = jnp.pad(centers, (0, _NPAD - n), constant_values=1e4)

    mesh = plsc.VectorSubcoreMesh(core_axis_name="c", subcore_axis_name="s")
    f = functools.partial(
        pl.kernel,
        mesh=mesh,
        out_type=jax.ShapeDtypeStruct((E, n), jnp.float32),
        scratch_types=[
            pltpu.VMEM((rows_pw + _LANES,), jnp.float32),
            pltpu.VMEM((_NPAD,), jnp.float32),
            pltpu.VMEM((4, _CH, n), jnp.float32),
            pltpu.SemaphoreType.DMA((4,)),
        ],
        compiler_params=pltpu.CompilerParams(
            needs_layout_passes=False),
    )(_rbf_sc)
    return f(d1, cpad)

# --- scband reference (transcript-rebuilt; emitter-appended) ---
"""Pipeline reference for scband-rbflayer-83743272337866 (READ-ONLY COPY).

The authoritative reference and input builder live on the scoring server;
editing this copy changes nothing except your own understanding.
"""

import jax, jax.numpy as jnp
import numpy as np

E = 160000
LOW, HIGH, GAP = 0.0, 30.0, 0.1
N_CENTERS = int(np.ceil((HIGH - LOW) / GAP))  # 300


def setup_inputs(seed: int = 0) -> dict:
    key = jax.random.key(seed)
    k1 = jax.random.fold_in(key, 1)
    # edge distances in [0, 30), matching the RBF center range
    distance = jax.random.uniform(k1, (E, 1), dtype=jnp.float32, minval=0.0, maxval=30.0)
    # non-trainable parameter: centers = linspace(low, high, n_centers)
    centers = jnp.asarray(np.linspace(LOW, HIGH, N_CENTERS), dtype=jnp.float32)
    return {"distance": distance, "centers": centers}


def reference(distance, centers):
    # recomputed gap = centers[1] - centers[0] (as in the torch __init__)
    gap = centers[1] - centers[0]
    # coef == 'p' branch: coef = -1 / gap
    coef = -1.0 / gap
    # radial: [E, 1] - [n_centers] -> [E, n_centers]
    radial = distance - centers[None, :]
    rbf = jnp.exp(coef * radial ** 2)
    return rbf

if __name__ == "__main__":
    import jax
    _d = setup_inputs()
    print(jax.jit(kernel)(*tuple(_d.values())))

</pallas_src>

<mosaic_0001>
#map = affine_map<(d0, d1) -> (0)>
#map1 = affine_map<(d0, d1) -> (0, 0)>
module attributes {stable_mosaic.version = 14 : i64} {
  func.func @_rbf_sc(%arg0: i32, %arg1: i32, %arg2: memref<160000xf32, #tpu.memory_space<hbm>>, %arg3: memref<304xf32, #tpu.memory_space<hbm>>, %arg4: memref<160000x300xf32, #tpu.memory_space<hbm>>, %arg5: memref<5016xf32, #tpu.memory_space<vmem>>, %arg6: memref<304xf32, #tpu.memory_space<vmem>>, %arg7: memref<4x40x300xf32, #tpu.memory_space<vmem>>, %arg8: memref<4x!tpu.dma_semaphore, #tpu.memory_space<semaphore_mem>>) attributes {dimension_semantics = [#tpu.dimension_semantics<core_parallel>, #tpu.dimension_semantics<subcore_parallel>], iteration_bounds = array<i64: 2, 16>, scalar_prefetch = 0 : i64, scratch_operands = 4 : i64, tpu.core_type = #tpu.core_type<sc_vector_subcore>, window_params = [{transform_indices = #map}, {transform_indices = #map}, {transform_indices = #map1}]} {
    %mul3A = arith.constant 2 : i32
    %mul3A_0 = arith.muli %arg1, %mul3A : i32
    %add3A = arith.addi %mul3A_0, %arg0 : i32
    %mul3A_1 = arith.constant 5000 : i32
    %mul3A_2 = arith.muli %add3A, %mul3A_1 : i32
    "tpu.region"() ({
      %run_scoped3A = tpu.sem_alloc : memref<!tpu.dma_semaphore, #tpu.memory_space<semaphore_mem>>
      %dma_start3A = arith.constant 0 : i32
      %dma_start3A_127 = tpu.memref_slice %arg5[%dma_start3A] : memref<5016xf32, #tpu.memory_space<vmem>> -> memref<5000xf32, #tpu.memory_space<vmem>>
      %dma_start3A_128 = tpu.memref_slice %arg2[%mul3A_2] : memref<160000xf32, #tpu.memory_space<hbm>> -> memref<5000xf32, #tpu.memory_space<hbm>>
      %dma_start3A_129 = arith.constant 0 : i32
      %dma_start3A_130 = tpu.memref_slice %arg5[%dma_start3A_129] : memref<5016xf32, #tpu.memory_space<vmem>> -> memref<5000xf32, #tpu.memory_space<vmem>>
      %dma_start3A_131 = tpu.memref_slice %arg2[%mul3A_2] : memref<160000xf32, #tpu.memory_space<hbm>> -> memref<5000xf32, #tpu.memory_space<hbm>>
      tpu.enqueue_dma source(%dma_start3A_131 : memref<5000xf32, #tpu.memory_space<hbm>>) target(%dma_start3A_130 : memref<5000xf32, #tpu.memory_space<vmem>>) target_semaphore(%run_scoped3A : memref<!tpu.dma_semaphore, #tpu.memory_space<semaphore_mem>>)
      %dma_wait3A_132 = arith.constant 0 : i32
      %dma_wait3A_133 = tpu.memref_slice %arg5[%dma_wait3A_132] : memref<5016xf32, #tpu.memory_space<vmem>> -> memref<5000xf32, #tpu.memory_space<vmem>>
      %dma_wait3A_134 = tpu.memref_slice %arg2[%mul3A_2] : memref<160000xf32, #tpu.memory_space<hbm>> -> memref<5000xf32, #tpu.memory_space<hbm>>
      %dma_wait3A_135 = arith.constant 0 : i32
      %dma_wait3A_136 = tpu.memref_slice %arg5[%dma_wait3A_135] : memref<5016xf32, #tpu.memory_space<vmem>> -> memref<5000xf32, #tpu.memory_space<vmem>>
      %dma_wait3A_137 = tpu.memref_slice %arg2[%mul3A_2] : memref<160000xf32, #tpu.memory_space<hbm>> -> memref<5000xf32, #tpu.memory_space<hbm>>
      tpu.wait_dma2 semaphore(%run_scoped3A : memref<!tpu.dma_semaphore, #tpu.memory_space<semaphore_mem>>) src(%dma_wait3A_137 : memref<5000xf32, #tpu.memory_space<hbm>>) dst(%dma_wait3A_136 : memref<5000xf32, #tpu.memory_space<vmem>>)
      tpu.yield
    }) : () -> ()
    "tpu.region"() ({
      %run_scoped3A = tpu.sem_alloc : memref<!tpu.dma_semaphore, #tpu.memory_space<semaphore_mem>>
      tpu.enqueue_dma source(%arg3 : memref<304xf32, #tpu.memory_space<hbm>>) target(%arg6 : memref<304xf32, #tpu.memory_space<vmem>>) target_semaphore(%run_scoped3A : memref<!tpu.dma_semaphore, #tpu.memory_space<semaphore_mem>>)
      tpu.wait_dma2 semaphore(%run_scoped3A : memref<!tpu.dma_semaphore, #tpu.memory_space<semaphore_mem>>) src(%arg3 : memref<304xf32, #tpu.memory_space<hbm>>) dst(%arg6 : memref<304xf32, #tpu.memory_space<vmem>>)
      tpu.yield
    }) : () -> ()
    %get3A = arith.constant 0 : index
    %get3A_3 = tpu.vector_load %arg6[%get3A] {strides = array<i32>} : memref<304xf32, #tpu.memory_space<vmem>>, vector<16xf32>,
    %slice3A = vector.extract_strided_slice %get3A_3 {offsets = [1], sizes = [1], strides = [1]} : vector<16xf32> to vector<1xf32>
    %squeeze3A = vector.extract %slice3A[0] : f32 from vector<1xf32>
    %slice3A_4 = vector.extract_strided_slice %get3A_3 {offsets = [0], sizes = [1], strides = [1]} : vector<16xf32> to vector<1xf32>
    %squeeze3A_5 = vector.extract %slice3A_4[0] : f32 from vector<1xf32>
    %sub3A = arith.subf %squeeze3A, %squeeze3A_5 : f32
    %broadcast_in_dim3A = vector.broadcast %sub3A : f32 to vector<16xf32>
    %div3A = arith.constant -1.000000e+00 : f32
    %div3A_6 = vector.broadcast %div3A : f32 to vector<16xf32>
    %div3A_7 = arith.divf %div3A_6, %broadcast_in_dim3A : vector<16xf32>
    %iota3A = tpu.iota {dimensions = array<i32: 0>} : vector<16xi32>
    %add3A_8 = arith.constant 288 : i32
    %add3A_9 = vector.broadcast %add3A_8 : i32 to vector<16xi32>
    %add3A_10 = arith.addi %add3A_9, %iota3A : vector<16xi32>
    %lt3A = arith.constant 300 : i32
    %lt3A_11 = vector.broadcast %lt3A : i32 to vector<16xi32>
    %lt3A_12 = arith.cmpi slt, %add3A_10, %lt3A_11 : vector<16xi32>
    %get3A_13 = arith.constant 0 : index
    %get3A_14 = tpu.vector_load %arg6[%get3A_13] {strides = array<i32>} : memref<304xf32, #tpu.memory_space<vmem>>, vector<16xf32>,
    %get3A_15 = arith.constant 16 : index
    %get3A_16 = tpu.vector_load %arg6[%get3A_15] {strides = array<i32>} : memref<304xf32, #tpu.memory_space<vmem>>, vector<16xf32>,
    %get3A_17 = arith.constant 32 : index
    %get3A_18 = tpu.vector_load %arg6[%get3A_17] {strides = array<i32>} : memref<304xf32, #tpu.memory_space<vmem>>, vector<16xf32>,
    %get3A_19 = arith.constant 48 : index
    %get3A_20 = tpu.vector_load %arg6[%get3A_19] {strides = array<i32>} : memref<304xf32, #tpu.memory_space<vmem>>, vector<16xf32>,
    %get3A_21 = arith.constant 64 : index
    %get3A_22 = tpu.vector_load %arg6[%get3A_21] {strides = array<i32>} : memref<304xf32, #tpu.memory_space<vmem>>, vector<16xf32>,
    %get3A_23 = arith.constant 80 : index
    %get3A_24 = tpu.vector_load %arg6[%get3A_23] {strides = array<i32>} : memref<304xf32, #tpu.memory_space<vmem>>, vector<16xf32>,
    %get3A_25 = arith.constant 96 : index
    %get3A_26 = tpu.vector_load %arg6[%get3A_25] {strides = array<i32>} : memref<304xf32, #tpu.memory_space<vmem>>, vector<16xf32>,
    %get3A_27 = arith.constant 112 : index
    %get3A_28 = tpu.vector_load %arg6[%get3A_27] {strides = array<i32>} : memref<304xf32, #tpu.memory_space<vmem>>, vector<16xf32>,
    %get3A_29 = arith.constant 128 : index
    %get3A_30 = tpu.vector_load %arg6[%get3A_29] {strides = array<i32>} : memref<304xf32, #tpu.memory_space<vmem>>, vector<16xf32>,
    %get3A_31 = arith.constant 144 : index
    %get3A_32 = tpu.vector_load %arg6[%get3A_31] {strides = array<i32>} : memref<304xf32, #tpu.memory_space<vmem>>, vector<16xf32>,
    %get3A_33 = arith.constant 160 : index
    %get3A_34 = tpu.vector_load %arg6[%get3A_33] {strides = array<i32>} : memref<304xf32, #tpu.memory_space<vmem>>, vector<16xf32>,
    %get3A_35 = arith.constant 176 : index
    %get3A_36 = tpu.vector_load %arg6[%get3A_35] {strides = array<i32>} : memref<304xf32, #tpu.memory_space<vmem>>, vector<16xf32>,
    %get3A_37 = arith.constant 192 : index
    %get3A_38 = tpu.vector_load %arg6[%get3A_37] {strides = array<i32>} : memref<304xf32, #tpu.memory_space<vmem>>, vector<16xf32>,
    %get3A_39 = arith.constant 208 : index
    %get3A_40 = tpu.vector_load %arg6[%get3A_39] {strides = array<i32>} : memref<304xf32, #tpu.memory_space<vmem>>, vector<16xf32>,
    %get3A_41 = arith.constant 224 : index
    %get3A_42 = tpu.vector_load %arg6[%get3A_41] {strides = array<i32>} : memref<304xf32, #tpu.memory_space<vmem>>, vector<16xf32>,
    %get3A_43 = arith.constant 240 : index
    %get3A_44 = tpu.vector_load %arg6[%get3A_43] {strides = array<i32>} : memref<304xf32, #tpu.memory_space<vmem>>, vector<16xf32>,
    %get3A_45 = arith.constant 256 : index
    %get3A_46 = tpu.vector_load %arg6[%get3A_45] {strides = array<i32>} : memref<304xf32, #tpu.memory_space<vmem>>, vector<16xf32>,
    %get3A_47 = arith.constant 272 : index
    %get3A_48 = tpu.vector_load %arg6[%get3A_47] {strides = array<i32>} : memref<304xf32, #tpu.memory_space<vmem>>, vector<16xf32>,
    %get3A_49 = arith.constant 288 : index
    %get3A_50 = tpu.vector_load %arg6[%get3A_49] {strides = array<i32>} : memref<304xf32, #tpu.memory_space<vmem>>, vector<16xf32>,
    %scan3A = arith.constant 0 : i32
    %scan3A_51 = arith.constant 0 : i32
    %scan3A_52 = arith.constant 125 : i32
    %scan3A_53 = arith.addi %scan3A_51, %scan3A_52 : i32
    %scan3A_54 = arith.constant 1 : i32
    scf.for %scan3A_127 = %scan3A_51 to %scan3A_53 step %scan3A_54  : i32 {
      %rem3A = arith.constant 4 : i32
      %rem3A_128 = arith.remsi %scan3A_127, %rem3A : i32
      %ge3A = arith.constant 4 : i32
      %ge3A_129 = arith.cmpi sge, %scan3A_127, %ge3A : i32
      %convert_element_type3A = arith.extui %ge3A_129 : i1 to i32
      %cond3A = arith.constant 0 : i32
      %cond3A_130 = arith.cmpi ne, %convert_element_type3A, %cond3A : i32
      scf.if %cond3A_130 {
        %sub3A_153 = arith.constant 4 : i32
        %sub3A_154 = arith.subi %scan3A_127, %sub3A_153 : i32
        %mul3A_155 = arith.constant 40 : i32
        %mul3A_156 = arith.muli %sub3A_154, %mul3A_155 : i32
        %add3A_157 = arith.addi %mul3A_2, %mul3A_156 : i32
        %dma_wait3A_158 = arith.constant 0 : i32
        %dma_wait3A_159 = arith.constant 0 : i32
        %dma_wait3A_160 = tpu.memref_slice %arg7[%rem3A_128, %dma_wait3A_158, %dma_wait3A_159] : memref<4x40x300xf32, #tpu.memory_space<vmem>> -> memref<1x40x300xf32, #tpu.memory_space<vmem>>
        %dma_wait3A_161 = tpu.memref_squeeze %dma_wait3A_160 : memref<1x40x300xf32, #tpu.memory_space<vmem>> -> memref<40x300xf32, #tpu.memory_space<vmem>>
        %dma_wait3A_162 = arith.constant 0 : i32
        %dma_wait3A_163 = tpu.memref_slice %arg4[%add3A_157, %dma_wait3A_162] : memref<160000x300xf32, #tpu.memory_space<hbm>> -> memref<40x300xf32, #tpu.memory_space<hbm>>
        %dma_wait3A_164 = tpu.memref_slice %arg8[%rem3A_128] : memref<4x!tpu.dma_semaphore, #tpu.memory_space<semaphore_mem>> -> memref<1x!tpu.dma_semaphore, #tpu.memory_space<semaphore_mem>>
        %dma_wait3A_165 = tpu.memref_squeeze %dma_wait3A_164 : memref<1x!tpu.dma_semaphore, #tpu.memory_space<semaphore_mem>> -> memref<!tpu.dma_semaphore, #tpu.memory_space<semaphore_mem>>
        %dma_wait3A_166 = arith.constant 0 : i32
        %dma_wait3A_167 = tpu.memref_slice %arg4[%add3A_157, %dma_wait3A_166] : memref<160000x300xf32, #tpu.memory_space<hbm>> -> memref<40x300xf32, #tpu.memory_space<hbm>>
        %dma_wait3A_168 = arith.constant 0 : i32
        %dma_wait3A_169 = arith.constant 0 : i32
        %dma_wait3A_170 = tpu.memref_slice %arg7[%rem3A_128, %dma_wait3A_168, %dma_wait3A_169] : memref<4x40x300xf32, #tpu.memory_space<vmem>> -> memref<1x40x300xf32, #tpu.memory_space<vmem>>
        %dma_wait3A_171 = tpu.memref_squeeze %dma_wait3A_170 : memref<1x40x300xf32, #tpu.memory_space<vmem>> -> memref<40x300xf32, #tpu.memory_space<vmem>>
        tpu.wait_dma2 semaphore(%dma_wait3A_165 : memref<!tpu.dma_semaphore, #tpu.memory_space<semaphore_mem>>) src(%dma_wait3A_171 : memref<40x300xf32, #tpu.memory_space<vmem>>) dst(%dma_wait3A_167 : memref<40x300xf32, #tpu.memory_space<hbm>>)
      } else {
      }
      %scan3A_131 = arith.constant 0 : i32
      %scan3A_132 = arith.constant 0 : i32
      %scan3A_133 = arith.constant 5 : i32
      %scan3A_134 = arith.addi %scan3A_132, %scan3A_133 : i32
      %scan3A_135 = arith.constant 1 : i32
      scf.for %scan3A_153 = %scan3A_132 to %scan3A_134 step %scan3A_135  : i32 {
        %mul3A_154 = arith.constant 40 : i32
        %mul3A_155 = arith.muli %scan3A_127, %mul3A_154 : i32
        %mul3A_156 = arith.constant 8 : i32
        %mul3A_157 = arith.muli %scan3A_153, %mul3A_156 : i32
        %add3A_158 = arith.addi %mul3A_155, %mul3A_157 : i32
        %get3A_159 = arith.index_cast %add3A_158 : i32 to index
        %get3A_160 = tpu.vector_load %arg5[%get3A_159] {strides = array<i32>} : memref<5016xf32, #tpu.memory_space<vmem>>, vector<16xf32>,
        %mul3A_161 = arith.constant 8 : i32
        %mul3A_162 = arith.muli %scan3A_153, %mul3A_161 : i32
        %add3A_163 = arith.constant 0 : i32
        %add3A_164 = arith.addi %mul3A_162, %add3A_163 : i32
        %slice3A_165 = vector.extract_strided_slice %get3A_160 {offsets = [0], sizes = [1], strides = [1]} : vector<16xf32> to vector<1xf32>
        %squeeze3A_166 = vector.extract %slice3A_165[0] : f32 from vector<1xf32>
        %sub3A_167 = vector.broadcast %squeeze3A_166 : f32 to vector<16xf32>
        %sub3A_168 = arith.subf %sub3A_167, %get3A_14 : vector<16xf32>
        %mul3A_169 = arith.mulf %sub3A_168, %sub3A_168 : vector<16xf32>
        %mul3A_170 = arith.mulf %div3A_7, %mul3A_169 : vector<16xf32>
        %exp3A = math.exp %mul3A_170 : vector<16xf32>
        %swap3A = arith.index_cast %rem3A_128 : i32 to index
        %swap3A_171 = arith.index_cast %add3A_164 : i32 to index
        %swap3A_172 = arith.constant 0 : index
        %swap3A_173 = tpu.vector_load %arg7[%swap3A, %swap3A_171, %swap3A_172] {strides = array<i32>} : memref<4x40x300xf32, #tpu.memory_space<vmem>>, vector<16xf32>,
        tpu.vector_store %arg7[%swap3A, %swap3A_171, %swap3A_172], %exp3A {strides = array<i32>} : memref<4x40x300xf32, #tpu.memory_space<vmem>>, vector<16xf32>,
        %sub3A_174 = vector.broadcast %squeeze3A_166 : f32 to vector<16xf32>
        %sub3A_175 = arith.subf %sub3A_174, %get3A_16 : vector<16xf32>
        %mul3A_176 = arith.mulf %sub3A_175, %sub3A_175 : vector<16xf32>
        %mul3A_177 = arith.mulf %div3A_7, %mul3A_176 : vector<16xf32>
        %exp3A_178 = math.exp %mul3A_177 : vector<16xf32>
        %swap3A_179 = arith.index_cast %rem3A_128 : i32 to index
        %swap3A_180 = arith.index_cast %add3A_164 : i32 to index
        %swap3A_181 = arith.constant 16 : index
        %swap3A_182 = tpu.vector_load %arg7[%swap3A_179, %swap3A_180, %swap3A_181] {strides = array<i32>} : memref<4x40x300xf32, #tpu.memory_space<vmem>>, vector<16xf32>,
        tpu.vector_store %arg7[%swap3A_179, %swap3A_180, %swap3A_181], %exp3A_178 {strides = array<i32>} : memref<4x40x300xf32, #tpu.memory_space<vmem>>, vector<16xf32>,
        %sub3A_183 = vector.broadcast %squeeze3A_166 : f32 to vector<16xf32>
        %sub3A_184 = arith.subf %sub3A_183, %get3A_18 : vector<16xf32>
        %mul3A_185 = arith.mulf %sub3A_184, %sub3A_184 : vector<16xf32>
        %mul3A_186 = arith.mulf %div3A_7, %mul3A_185 : vector<16xf32>
        %exp3A_187 = math.exp %mul3A_186 : vector<16xf32>
        %swap3A_188 = arith.index_cast %rem3A_128 : i32 to index
        %swap3A_189 = arith.index_cast %add3A_164 : i32 to index
        %swap3A_190 = arith.constant 32 : index
        %swap3A_191 = tpu.vector_load %arg7[%swap3A_188, %swap3A_189, %swap3A_190] {strides = array<i32>} : memref<4x40x300xf32, #tpu.memory_space<vmem>>, vector<16xf32>,
        tpu.vector_store %arg7[%swap3A_188, %swap3A_189, %swap3A_190], %exp3A_187 {strides = array<i32>} : memref<4x40x300xf32, #tpu.memory_space<vmem>>, vector<16xf32>,
        %sub3A_192 = vector.broadcast %squeeze3A_166 : f32 to vector<16xf32>
        %sub3A_193 = arith.subf %sub3A_192, %get3A_20 : vector<16xf32>
        %mul3A_194 = arith.mulf %sub3A_193, %sub3A_193 : vector<16xf32>
        %mul3A_195 = arith.mulf %div3A_7, %mul3A_194 : vector<16xf32>
        %exp3A_196 = math.exp %mul3A_195 : vector<16xf32>
        %swap3A_197 = arith.index_cast %rem3A_128 : i32 to index
        %swap3A_198 = arith.index_cast %add3A_164 : i32 to index
        %swap3A_199 = arith.constant 48 : index
        %swap3A_200 = tpu.vector_load %arg7[%swap3A_197, %swap3A_198, %swap3A_199] {strides = array<i32>} : memref<4x40x300xf32, #tpu.memory_space<vmem>>, vector<16xf32>,
        tpu.vector_store %arg7[%swap3A_197, %swap3A_198, %swap3A_199], %exp3A_196 {strides = array<i32>} : memref<4x40x300xf32, #tpu.memory_space<vmem>>, vector<16xf32>,
        %sub3A_201 = vector.broadcast %squeeze3A_166 : f32 to vector<16xf32>
        %sub3A_202 = arith.subf %sub3A_201, %get3A_22 : vector<16xf32>
        %mul3A_203 = arith.mulf %sub3A_202, %sub3A_202 : vector<16xf32>
        %mul3A_204 = arith.mulf %div3A_7, %mul3A_203 : vector<16xf32>
        %exp3A_205 = math.exp %mul3A_204 : vector<16xf32>
        %swap3A_206 = arith.index_cast %rem3A_128 : i32 to index
        %swap3A_207 = arith.index_cast %add3A_164 : i32 to index
        %swap3A_208 = arith.constant 64 : index
        %swap3A_209 = tpu.vector_load %arg7[%swap3A_206, %swap3A_207, %swap3A_208] {strides = array<i32>} : memref<4x40x300xf32, #tpu.memory_space<vmem>>, vector<16xf32>,
        tpu.vector_store %arg7[%swap3A_206, %swap3A_207, %swap3A_208], %exp3A_205 {strides = array<i32>} : memref<4x40x300xf32, #tpu.memory_space<vmem>>, vector<16xf32>,
        %sub3A_210 = vector.broadcast %squeeze3A_166 : f32 to vector<16xf32>
        %sub3A_211 = arith.subf %sub3A_210, %get3A_24 : vector<16xf32>
        %mul3A_212 = arith.mulf %sub3A_211, %sub3A_211 : vector<16xf32>
        %mul3A_213 = arith.mulf %div3A_7, %mul3A_212 : vector<16xf32>
        %exp3A_214 = math.exp %mul3A_213 : vector<16xf32>
        %swap3A_215 = arith.index_cast %rem3A_128 : i32 to index
        %swap3A_216 = arith.index_cast %add3A_164 : i32 to index
        %swap3A_217 = arith.constant 80 : index
        %swap3A_218 = tpu.vector_load %arg7[%swap3A_215, %swap3A_216, %swap3A_217] {strides = array<i32>} : memref<4x40x300xf32, #tpu.memory_space<vmem>>, vector<16xf32>,
        tpu.vector_store %arg7[%swap3A_215, %swap3A_216, %swap3A_217], %exp3A_214 {strides = array<i32>} : memref<4x40x300xf32, #tpu.memory_space<vmem>>, vector<16xf32>,
        %sub3A_219 = vector.broadcast %squeeze3A_166 : f32 to vector<16xf32>
        %sub3A_220 = arith.subf %sub3A_219, %get3A_26 : vector<16xf32>
        %mul3A_221 = arith.mulf %sub3A_220, %sub3A_220 : vector<16xf32>
        %mul3A_222 = arith.mulf %div3A_7, %mul3A_221 : vector<16xf32>
        %exp3A_223 = math.exp %mul3A_222 : vector<16xf32>
        %swap3A_224 = arith.index_cast %rem3A_128 : i32 to index
        %swap3A_225 = arith.index_cast %add3A_164 : i32 to index
        %swap3A_226 = arith.constant 96 : index
        %swap3A_227 = tpu.vector_load %arg7[%swap3A_224, %swap3A_225, %swap3A_226] {strides = array<i32>} : memref<4x40x300xf32, #tpu.memory_space<vmem>>, vector<16xf32>,
        tpu.vector_store %arg7[%swap3A_224, %swap3A_225, %swap3A_226], %exp3A_223 {strides = array<i32>} : memref<4x40x300xf32, #tpu.memory_space<vmem>>, vector<16xf32>,
        %sub3A_228 = vector.broadcast %squeeze3A_166 : f32 to vector<16xf32>
        %sub3A_229 = arith.subf %sub3A_228, %get3A_28 : vector<16xf32>
        %mul3A_230 = arith.mulf %sub3A_229, %sub3A_229 : vector<16xf32>
        %mul3A_231 = arith.mulf %div3A_7, %mul3A_230 : vector<16xf32>
        %exp3A_232 = math.exp %mul3A_231 : vector<16xf32>
        %swap3A_233 = arith.index_cast %rem3A_128 : i32 to index
        %swap3A_234 = arith.index_cast %add3A_164 : i32 to index
        %swap3A_235 = arith.constant 112 : index
        %swap3A_236 = tpu.vector_load %arg7[%swap3A_233, %swap3A_234, %swap3A_235] {strides = array<i32>} : memref<4x40x300xf32, #tpu.memory_space<vmem>>, vector<16xf32>,
        tpu.vector_store %arg7[%swap3A_233, %swap3A_234, %swap3A_235], %exp3A_232 {strides = array<i32>} : memref<4x40x300xf32, #tpu.memory_space<vmem>>, vector<16xf32>,
        %sub3A_237 = vector.broadcast %squeeze3A_166 : f32 to vector<16xf32>
        %sub3A_238 = arith.subf %sub3A_237, %get3A_30 : vector<16xf32>
        %mul3A_239 = arith.mulf %sub3A_238, %sub3A_238 : vector<16xf32>
        %mul3A_240 = arith.mulf %div3A_7, %mul3A_239 : vector<16xf32>
        %exp3A_241 = math.exp %mul3A_240 : vector<16xf32>
        %swap3A_242 = arith.index_cast %rem3A_128 : i32 to index
        %swap3A_243 = arith.index_cast %add3A_164 : i32 to index
        %swap3A_244 = arith.constant 128 : index
        %swap3A_245 = tpu.vector_load %arg7[%swap3A_242, %swap3A_243, %swap3A_244] {strides = array<i32>} : memref<4x40x300xf32, #tpu.memory_space<vmem>>, vector<16xf32>,
        tpu.vector_store %arg7[%swap3A_242, %swap3A_243, %swap3A_244], %exp3A_241 {strides = array<i32>} : memref<4x40x300xf32, #tpu.memory_space<vmem>>, vector<16xf32>,
        %sub3A_246 = vector.broadcast %squeeze3A_166 : f32 to vector<16xf32>
        %sub3A_247 = arith.subf %sub3A_246, %get3A_32 : vector<16xf32>
        %mul3A_248 = arith.mulf %sub3A_247, %sub3A_247 : vector<16xf32>
        %mul3A_249 = arith.mulf %div3A_7, %mul3A_248 : vector<16xf32>
        %exp3A_250 = math.exp %mul3A_249 : vector<16xf32>
        %swap3A_251 = arith.index_cast %rem3A_128 : i32 to index
        %swap3A_252 = arith.index_cast %add3A_164 : i32 to index
        %swap3A_253 = arith.constant 144 : index
        %swap3A_254 = tpu.vector_load %arg7[%swap3A_251, %swap3A_252, %swap3A_253] {strides = array<i32>} : memref<4x40x300xf32, #tpu.memory_space<vmem>>, vector<16xf32>,
        tpu.vector_store %arg7[%swap3A_251, %swap3A_252, %swap3A_253], %exp3A_250 {strides = array<i32>} : memref<4x40x300xf32, #tpu.memory_space<vmem>>, vector<16xf32>,
        %sub3A_255 = vector.broadcast %squeeze3A_166 : f32 to vector<16xf32>
        %sub3A_256 = arith.subf %sub3A_255, %get3A_34 : vector<16xf32>
        %mul3A_257 = arith.mulf %sub3A_256, %sub3A_256 : vector<16xf32>
        %mul3A_258 = arith.mulf %div3A_7, %mul3A_257 : vector<16xf32>
        %exp3A_259 = math.exp %mul3A_258 : vector<16xf32>
        %swap3A_260 = arith.index_cast %rem3A_128 : i32 to index
        %swap3A_261 = arith.index_cast %add3A_164 : i32 to index
        %swap3A_262 = arith.constant 160 : index
        %swap3A_263 = tpu.vector_load %arg7[%swap3A_260, %swap3A_261, %swap3A_262] {strides = array<i32>} : memref<4x40x300xf32, #tpu.memory_space<vmem>>, vector<16xf32>,
        tpu.vector_store %arg7[%swap3A_260, %swap3A_261, %swap3A_262], %exp3A_259 {strides = array<i32>} : memref<4x40x300xf32, #tpu.memory_space<vmem>>, vector<16xf32>,
        %sub3A_264 = vector.broadcast %squeeze3A_166 : f32 to vector<16xf32>
        %sub3A_265 = arith.subf %sub3A_264, %get3A_36 : vector<16xf32>
        %mul3A_266 = arith.mulf %sub3A_265, %sub3A_265 : vector<16xf32>
        %mul3A_267 = arith.mulf %div3A_7, %mul3A_266 : vector<16xf32>
        %exp3A_268 = math.exp %mul3A_267 : vector<16xf32>
        %swap3A_269 = arith.index_cast %rem3A_128 : i32 to index
        %swap3A_270 = arith.index_cast %add3A_164 : i32 to index
        %swap3A_271 = arith.constant 176 : index
        %swap3A_272 = tpu.vector_load %arg7[%swap3A_269, %swap3A_270, %swap3A_271] {strides = array<i32>} : memref<4x40x300xf32, #tpu.memory_space<vmem>>, vector<16xf32>,
        tpu.vector_store %arg7[%swap3A_269, %swap3A_270, %swap3A_271], %exp3A_268 {strides = array<i32>} : memref<4x40x300xf32, #tpu.memory_space<vmem>>, vector<16xf32>,
        %sub3A_273 = vector.broadcast %squeeze3A_166 : f32 to vector<16xf32>
        %sub3A_274 = arith.subf %sub3A_273, %get3A_38 : vector<16xf32>
        %mul3A_275 = arith.mulf %sub3A_274, %sub3A_274 : vector<16xf32>
        %mul3A_276 = arith.mulf %div3A_7, %mul3A_275 : vector<16xf32>
        %exp3A_277 = math.exp %mul3A_276 : vector<16xf32>
        %swap3A_278 = arith.index_cast %rem3A_128 : i32 to index
        %swap3A_279 = arith.index_cast %add3A_164 : i32 to index
        %swap3A_280 = arith.constant 192 : index
        %swap3A_281 = tpu.vector_load %arg7[%swap3A_278, %swap3A_279, %swap3A_280] {strides = array<i32>} : memref<4x40x300xf32, #tpu.memory_space<vmem>>, vector<16xf32>,
        tpu.vector_store %arg7[%swap3A_278, %swap3A_279, %swap3A_280], %exp3A_277 {strides = array<i32>} : memref<4x40x300xf32, #tpu.memory_space<vmem>>, vector<16xf32>,
        %sub3A_282 = vector.broadcast %squeeze3A_166 : f32 to vector<16xf32>
        %sub3A_283 = arith.subf %sub3A_282, %get3A_40 : vector<16xf32>
        %mul3A_284 = arith.mulf %sub3A_283, %sub3A_283 : vector<16xf32>
        %mul3A_285 = arith.mulf %div3A_7, %mul3A_284 : vector<16xf32>
        %exp3A_286 = math.exp %mul3A_285 : vector<16xf32>
        %swap3A_287 = arith.index_cast %rem3A_128 : i32 to index
        %swap3A_288 = arith.index_cast %add3A_164 : i32 to index
        %swap3A_289 = arith.constant 208 : index
        %swap3A_290 = tpu.vector_load %arg7[%swap3A_287, %swap3A_288, %swap3A_289] {strides = array<i32>} : memref<4x40x300xf32, #tpu.memory_space<vmem>>, vector<16xf32>,
        tpu.vector_store %arg7[%swap3A_287, %swap3A_288, %swap3A_289], %exp3A_286 {strides = array<i32>} : memref<4x40x300xf32, #tpu.memory_space<vmem>>, vector<16xf32>,
        %sub3A_291 = vector.broadcast %squeeze3A_166 : f32 to vector<16xf32>
        %sub3A_292 = arith.subf %sub3A_291, %get3A_42 : vector<16xf32>
        %mul3A_293 = arith.mulf %sub3A_292, %sub3A_292 : vector<16xf32>
        %mul3A_294 = arith.mulf %div3A_7, %mul3A_293 : vector<16xf32>
        %exp3A_295 = math.exp %mul3A_294 : vector<16xf32>
        %swap3A_296 = arith.index_cast %rem3A_128 : i32 to index
        %swap3A_297 = arith.index_cast %add3A_164 : i32 to index
        %swap3A_298 = arith.constant 224 : index
        %swap3A_299 = tpu.vector_load %arg7[%swap3A_296, %swap3A_297, %swap3A_298] {strides = array<i32>} : memref<4x40x300xf32, #tpu.memory_space<vmem>>, vector<16xf32>,
        tpu.vector_store %arg7[%swap3A_296, %swap3A_297, %swap3A_298], %exp3A_295 {strides = array<i32>} : memref<4x40x300xf32, #tpu.memory_space<vmem>>, vector<16xf32>,
        %sub3A_300 = vector.broadcast %squeeze3A_166 : f32 to vector<16xf32>
        %sub3A_301 = arith.subf %sub3A_300, %get3A_44 : vector<16xf32>
        %mul3A_302 = arith.mulf %sub3A_301, %sub3A_301 : vector<16xf32>
        %mul3A_303 = arith.mulf %div3A_7, %mul3A_302 : vector<16xf32>
        %exp3A_304 = math.exp %mul3A_303 : vector<16xf32>
        %swap3A_305 = arith.index_cast %rem3A_128 : i32 to index
        %swap3A_306 = arith.index_cast %add3A_164 : i32 to index
        %swap3A_307 = arith.constant 240 : index
        %swap3A_308 = tpu.vector_load %arg7[%swap3A_305, %swap3A_306, %swap3A_307] {strides = array<i32>} : memref<4x40x300xf32, #tpu.memory_space<vmem>>, vector<16xf32>,
        tpu.vector_store %arg7[%swap3A_305, %swap3A_306, %swap3A_307], %exp3A_304 {strides = array<i32>} : memref<4x40x300xf32, #tpu.memory_space<vmem>>, vector<16xf32>,
        %sub3A_309 = vector.broadcast %squeeze3A_166 : f32 to vector<16xf32>
        %sub3A_310 = arith.subf %sub3A_309, %get3A_46 : vector<16xf32>
        %mul3A_311 = arith.mulf %sub3A_310, %sub3A_310 : vector<16xf32>
        %mul3A_312 = arith.mulf %div3A_7, %mul3A_311 : vector<16xf32>
        %exp3A_313 = math.exp %mul3A_312 : vector<16xf32>
        %swap3A_314 = arith.index_cast %rem3A_128 : i32 to index
        %swap3A_315 = arith.index_cast %add3A_164 : i32 to index
        %swap3A_316 = arith.constant 256 : index
        %swap3A_317 = tpu.vector_load %arg7[%swap3A_314, %swap3A_315, %swap3A_316] {strides = array<i32>} : memref<4x40x300xf32, #tpu.memory_space<vmem>>, vector<16xf32>,
        tpu.vector_store %arg7[%swap3A_314, %swap3A_315, %swap3A_316], %exp3A_313 {strides = array<i32>} : memref<4x40x300xf32, #tpu.memory_space<vmem>>, vector<16xf32>,
        %sub3A_318 = vector.broadcast %squeeze3A_166 : f32 to vector<16xf32>
        %sub3A_319 = arith.subf %sub3A_318, %get3A_48 : vector<16xf32>
        %mul3A_320 = arith.mulf %sub3A_319, %sub3A_319 : vector<16xf32>
        %mul3A_321 = arith.mulf %div3A_7, %mul3A_320 : vector<16xf32>
        %exp3A_322 = math.exp %mul3A_321 : vector<16xf32>
        %swap3A_323 = arith.index_cast %rem3A_128 : i32 to index
        %swap3A_324 = arith.index_cast %add3A_164 : i32 to index
        %swap3A_325 = arith.constant 272 : index
        %swap3A_326 = tpu.vector_load %arg7[%swap3A_323, %swap3A_324, %swap3A_325] {strides = array<i32>} : memref<4x40x300xf32, #tpu.memory_space<vmem>>, vector<16xf32>,
        tpu.vector_store %arg7[%swap3A_323, %swap3A_324, %swap3A_325], %exp3A_322 {strides = array<i32>} : memref<4x40x300xf32, #tpu.memory_space<vmem>>, vector<16xf32>,
        %sub3A_327 = vector.broadcast %squeeze3A_166 : f32 to vector<16xf32>
        %sub3A_328 = arith.subf %sub3A_327, %get3A_50 : vector<16xf32>
        %mul3A_329 = arith.mulf %sub3A_328, %sub3A_328 : vector<16xf32>
        %mul3A_330 = arith.mulf %div3A_7, %mul3A_329 : vector<16xf32>
        %exp3A_331 = math.exp %mul3A_330 : vector<16xf32>
        %broadcast_in_dim3A_332 = vector.broadcast %rem3A_128 : i32 to vector<16xi32>
        %broadcast_in_dim3A_333 = vector.broadcast %add3A_164 : i32 to vector<16xi32>
        tpu.vector_store_idx %arg7[%broadcast_in_dim3A_332, %broadcast_in_dim3A_333, %add3A_10], %exp3A_331 masked %lt3A_12 : memref<4x40x300xf32, #tpu.memory_space<vmem>>[vector<16xi32>, vector<16xi32>, vector<16xi32>], vector<16xf32>, vector<16xi1>
        %mul3A_334 = arith.constant 8 : i32
        %mul3A_335 = arith.muli %scan3A_153, %mul3A_334 : i32
        %add3A_336 = arith.constant 1 : i32
        %add3A_337 = arith.addi %mul3A_335, %add3A_336 : i32
        %slice3A_338 = vector.extract_strided_slice %get3A_160 {offsets = [1], sizes = [1], strides = [1]} : vector<16xf32> to vector<1xf32>
        %squeeze3A_339 = vector.extract %slice3A_338[0] : f32 from vector<1xf32>
        %sub3A_340 = vector.broadcast %squeeze3A_339 : f32 to vector<16xf32>
        %sub3A_341 = arith.subf %sub3A_340, %get3A_14 : vector<16xf32>
        %mul3A_342 = arith.mulf %sub3A_341, %sub3A_341 : vector<16xf32>
        %mul3A_343 = arith.mulf %div3A_7, %mul3A_342 : vector<16xf32>
        %exp3A_344 = math.exp %mul3A_343 : vector<16xf32>
        %swap3A_345 = arith.index_cast %rem3A_128 : i32 to index
        %swap3A_346 = arith.index_cast %add3A_337 : i32 to index
        %swap3A_347 = arith.constant 0 : index
        %swap3A_348 = tpu.vector_load %arg7[%swap3A_345, %swap3A_346, %swap3A_347] {strides = array<i32>} : memref<4x40x300xf32, #tpu.memory_space<vmem>>, vector<16xf32>,
        tpu.vector_store %arg7[%swap3A_345, %swap3A_346, %swap3A_347], %exp3A_344 {strides = array<i32>} : memref<4x40x300xf32, #tpu.memory_space<vmem>>, vector<16xf32>,
        %sub3A_349 = vector.broadcast %squeeze3A_339 : f32 to vector<16xf32>
        %sub3A_350 = arith.subf %sub3A_349, %get3A_16 : vector<16xf32>
        %mul3A_351 = arith.mulf %sub3A_350, %sub3A_350 : vector<16xf32>
        %mul3A_352 = arith.mulf %div3A_7, %mul3A_351 : vector<16xf32>
        %exp3A_353 = math.exp %mul3A_352 : vector<16xf32>
        %swap3A_354 = arith.index_cast %rem3A_128 : i32 to index
        %swap3A_355 = arith.index_cast %add3A_337 : i32 to index
        %swap3A_356 = arith.constant 16 : index
        %swap3A_357 = tpu.vector_load %arg7[%swap3A_354, %swap3A_355, %swap3A_356] {strides = array<i32>} : memref<4x40x300xf32, #tpu.memory_space<vmem>>, vector<16xf32>,
        tpu.vector_store %arg7[%swap3A_354, %swap3A_355, %swap3A_356], %exp3A_353 {strides = array<i32>} : memref<4x40x300xf32, #tpu.memory_space<vmem>>, vector<16xf32>,
        %sub3A_358 = vector.broadcast %squeeze3A_339 : f32 to vector<16xf32>
        %sub3A_359 = arith.subf %sub3A_358, %get3A_18 : vector<16xf32>
        %mul3A_360 = arith.mulf %sub3A_359, %sub3A_359 : vector<16xf32>
        %mul3A_361 = arith.mulf %div3A_7, %mul3A_360 : vector<16xf32>
        %exp3A_362 = math.exp %mul3A_361 : vector<16xf32>
        %swap3A_363 = arith.index_cast %rem3A_128 : i32 to index
        %swap3A_364 = arith.index_cast %add3A_337 : i32 to index
        %swap3A_365 = arith.constant 32 : index
        %swap3A_366 = tpu.vector_load %arg7[%swap3A_363, %swap3A_364, %swap3A_365] {strides = array<i32>} : memref<4x40x300xf32, #tpu.memory_space<vmem>>, vector<16xf32>,
        tpu.vector_store %arg7[%swap3A_363, %swap3A_364, %swap3A_365], %exp3A_362 {strides = array<i32>} : memref<4x40x300xf32, #tpu.memory_space<vmem>>, vector<16xf32>,
        %sub3A_367 = vector.broadcast %squeeze3A_339 : f32 to vector<16xf32>
        %sub3A_368 = arith.subf %sub3A_367, %get3A_20 : vector<16xf32>
        %mul3A_369 = arith.mulf %sub3A_368, %sub3A_368 : vector<16xf32>
        %mul3A_370 = arith.mulf %div3A_7, %mul3A_369 : vector<16xf32>
        %exp3A_371 = math.exp %mul3A_370 : vector<16xf32>
        %swap3A_372 = arith.index_cast %rem3A_128 : i32 to index
        %swap3A_373 = arith.index_cast %add3A_337 : i32 to index
        %swap3A_374 = arith.constant 48 : index
        %swap3A_375 = tpu.vector_load %arg7[%swap3A_372, %swap3A_373, %swap3A_374] {strides = array<i32>} : memref<4x40x300xf32, #tpu.memory_space<vmem>>, vector<16xf32>,
        tpu.vector_store %arg7[%swap3A_372, %swap3A_373, %swap3A_374], %exp3A_371 {strides = array<i32>} : memref<4x40x300xf32, #tpu.memory_space<vmem>>, vector<16xf32>,
        %sub3A_376 = vector.broadcast %squeeze3A_339 : f32 to vector<16xf32>
        %sub3A_377 = arith.subf %sub3A_376, %get3A_22 : vector<16xf32>
        %mul3A_378 = arith.mulf %sub3A_377, %sub3A_377 : vector<16xf32>
        %mul3A_379 = arith.mulf %div3A_7, %mul3A_378 : vector<16xf32>
        %exp3A_380 = math.exp %mul3A_379 : vector<16xf32>
        %swap3A_381 = arith.index_cast %rem3A_128 : i32 to index
        %swap3A_382 = arith.index_cast %add3A_337 : i32 to index
        %swap3A_383 = arith.constant 64 : index
        %swap3A_384 = tpu.vector_load %arg7[%swap3A_381, %swap3A_382, %swap3A_383] {strides = array<i32>} : memref<4x40x300xf32, #tpu.memory_space<vmem>>, vector<16xf32>,
        tpu.vector_store %arg7[%swap3A_381, %swap3A_382, %swap3A_383], %exp3A_380 {strides = array<i32>} : memref<4x40x300xf32, #tpu.memory_space<vmem>>, vector<16xf32>,
        %sub3A_385 = vector.broadcast %squeeze3A_339 : f32 to vector<16xf32>
        %sub3A_386 = arith.subf %sub3A_385, %get3A_24 : vector<16xf32>
        %mul3A_387 = arith.mulf %sub3A_386, %sub3A_386 : vector<16xf32>
        %mul3A_388 = arith.mulf %div3A_7, %mul3A_387 : vector<16xf32>
        %exp3A_389 = math.exp %mul3A_388 : vector<16xf32>
        %swap3A_390 = arith.index_cast %rem3A_128 : i32 to index
        %swap3A_391 = arith.index_cast %add3A_337 : i32 to index
        %swap3A_392 = arith.constant 80 : index
        %swap3A_393 = tpu.vector_load %arg7[%swap3A_390, %swap3A_391, %swap3A_392] {strides = array<i32>} : memref<4x40x300xf32, #tpu.memory_space<vmem>>, vector<16xf32>,
        tpu.vector_store %arg7[%swap3A_390, %swap3A_391, %swap3A_392], %exp3A_389 {strides = array<i32>} : memref<4x40x300xf32, #tpu.memory_space<vmem>>, vector<16xf32>,
        %sub3A_394 = vector.broadcast %squeeze3A_339 : f32 to vector<16xf32>
        %sub3A_395 = arith.subf %sub3A_394, %get3A_26 : vector<16xf32>
        %mul3A_396 = arith.mulf %sub3A_395, %sub3A_395 : vector<16xf32>
        %mul3A_397 = arith.mulf %div3A_7, %mul3A_396 : vector<16xf32>
        %exp3A_398 = math.exp %mul3A_397 : vector<16xf32>
        %swap3A_399 = arith.index_cast %rem3A_128 : i32 to index
        %swap3A_400 = arith.index_cast %add3A_337 : i32 to index
        %swap3A_401 = arith.constant 96 : index
        %swap3A_402 = tpu.vector_load %arg7[%swap3A_399, %swap3A_400, %swap3A_401] {strides = array<i32>} : memref<4x40x300xf32, #tpu.memory_space<vmem>>, vector<16xf32>,
        tpu.vector_store %arg7[%swap3A_399, %swap3A_400, %swap3A_401], %exp3A_398 {strides = array<i32>} : memref<4x40x300xf32, #tpu.memory_space<vmem>>, vector<16xf32>,
        %sub3A_403 = vector.broadcast %squeeze3A_339 : f32 to vector<16xf32>
        %sub3A_404 = arith.subf %sub3A_403, %get3A_28 : vector<16xf32>
        %mul3A_405 = arith.mulf %sub3A_404, %sub3A_404 : vector<16xf32>
        %mul3A_406 = arith.mulf %div3A_7, %mul3A_405 : vector<16xf32>
        %exp3A_407 = math.exp %mul3A_406 : vector<16xf32>
        %swap3A_408 = arith.index_cast %rem3A_128 : i32 to index
        %swap3A_409 = arith.index_cast %add3A_337 : i32 to index
        %swap3A_410 = arith.constant 112 : index
        %swap3A_411 = tpu.vector_load %arg7[%swap3A_408, %swap3A_409, %swap3A_410] {strides = array<i32>} : memref<4x40x300xf32, #tpu.memory_space<vmem>>, vector<16xf32>,
        tpu.vector_store %arg7[%swap3A_408, %swap3A_409, %swap3A_410], %exp3A_407 {strides = array<i32>} : memref<4x40x300xf32, #tpu.memory_space<vmem>>, vector<16xf32>,
        %sub3A_412 = vector.broadcast %squeeze3A_339 : f32 to vector<16xf32>
        %sub3A_413 = arith.subf %sub3A_412, %get3A_30 : vector<16xf32>
        %mul3A_414 = arith.mulf %sub3A_413, %sub3A_413 : vector<16xf32>
        %mul3A_415 = arith.mulf %div3A_7, %mul3A_414 : vector<16xf32>
        %exp3A_416 = math.exp %mul3A_415 : vector<16xf32>
        %swap3A_417 = arith.index_cast %rem3A_128 : i32 to index
        %swap3A_418 = arith.index_cast %add3A_337 : i32 to index
        %swap3A_419 = arith.constant 128 : index
        %swap3A_420 = tpu.vector_load %arg7[%swap3A_417, %swap3A_418, %swap3A_419] {strides = array<i32>} : memref<4x40x300xf32, #tpu.memory_space<vmem>>, vector<16xf32>,
        tpu.vector_store %arg7[%swap3A_417, %swap3A_418, %swap3A_419], %exp3A_416 {strides = array<i32>} : memref<4x40x300xf32, #tpu.memory_space<vmem>>, vector<16xf32>,
        %sub3A_421 = vector.broadcast %squeeze3A_339 : f32 to vector<16xf32>
        %sub3A_422 = arith.subf %sub3A_421, %get3A_32 : vector<16xf32>
        %mul3A_423 = arith.mulf %sub3A_422, %sub3A_422 : vector<16xf32>
        %mul3A_424 = arith.mulf %div3A_7, %mul3A_423 : vector<16xf32>
        %exp3A_425 = math.exp %mul3A_424 : vector<16xf32>
        %swap3A_426 = arith.index_cast %rem3A_128 : i32 to index
        %swap3A_427 = arith.index_cast %add3A_337 : i32 to index
        %swap3A_428 = arith.constant 144 : index
        %swap3A_429 = tpu.vector_load %arg7[%swap3A_426, %swap3A_427, %swap3A_428] {strides = array<i32>} : memref<4x40x300xf32, #tpu.memory_space<vmem>>, vector<16xf32>,
        tpu.vector_store %arg7[%swap3A_426, %swap3A_427, %swap3A_428], %exp3A_425 {strides = array<i32>} : memref<4x40x300xf32, #tpu.memory_space<vmem>>, vector<16xf32>,
        %sub3A_430 = vector.broadcast %squeeze3A_339 : f32 to vector<16xf32>
        %sub3A_431 = arith.subf %sub3A_430, %get3A_34 : vector<16xf32>
        %mul3A_432 = arith.mulf %sub3A_431, %sub3A_431 : vector<16xf32>
        %mul3A_433 = arith.mulf %div3A_7, %mul3A_432 : vector<16xf32>
        %exp3A_434 = math.exp %mul3A_433 : vector<16xf32>
        %swap3A_435 = arith.index_cast %rem3A_128 : i32 to index
        %swap3A_436 = arith.index_cast %add3A_337 : i32 to index
        %swap3A_437 = arith.constant 160 : index
        %swap3A_438 = tpu.vector_load %arg7[%swap3A_435, %swap3A_436, %swap3A_437] {strides = array<i32>} : memref<4x40x300xf32, #tpu.memory_space<vmem>>, vector<16xf32>,
        tpu.vector_store %arg7[%swap3A_435, %swap3A_436, %swap3A_437], %exp3A_434 {strides = array<i32>} : memref<4x40x300xf32, #tpu.memory_space<vmem>>, vector<16xf32>,
        %sub3A_439 = vector.broadcast %squeeze3A_339 : f32 to vector<16xf32>
        %sub3A_440 = arith.subf %sub3A_439, %get3A_36 : vector<16xf32>
        %mul3A_441 = arith.mulf %sub3A_440, %sub3A_440 : vector<16xf32>
        %mul3A_442 = arith.mulf %div3A_7, %mul3A_441 : vector<16xf32>
        %exp3A_443 = math.exp %mul3A_442 : vector<16xf32>
        %swap3A_444 = arith.index_cast %rem3A_128 : i32 to index
        %swap3A_445 = arith.index_cast %add3A_337 : i32 to index
        %swap3A_446 = arith.constant 176 : index
        %swap3A_447 = tpu.vector_load %arg7[%swap3A_444, %swap3A_445, %swap3A_446] {strides = array<i32>} : memref<4x40x300xf32, #tpu.memory_space<vmem>>, vector<16xf32>,
        tpu.vector_store %arg7[%swap3A_444, %swap3A_445, %swap3A_446], %exp3A_443 {strides = array<i32>} : memref<4x40x300xf32, #tpu.memory_space<vmem>>, vector<16xf32>,
        %sub3A_448 = vector.broadcast %squeeze3A_339 : f32 to vector<16xf32>
        %sub3A_449 = arith.subf %sub3A_448, %get3A_38 : vector<16xf32>
        %mul3A_450 = arith.mulf %sub3A_449, %sub3A_449 : vector<16xf32>
        %mul3A_451 = arith.mulf %div3A_7, %mul3A_450 : vector<16xf32>
        %exp3A_452 = math.exp %mul3A_451 : vector<16xf32>
        %swap3A_453 = arith.index_cast %rem3A_128 : i32 to index
        %swap3A_454 = arith.index_cast %add3A_337 : i32 to index
        %swap3A_455 = arith.constant 192 : index
        %swap3A_456 = tpu.vector_load %arg7[%swap3A_453, %swap3A_454, %swap3A_455] {strides = array<i32>} : memref<4x40x300xf32, #tpu.memory_space<vmem>>, vector<16xf32>,
        tpu.vector_store %arg7[%swap3A_453, %swap3A_454, %swap3A_455], %exp3A_452 {strides = array<i32>} : memref<4x40x300xf32, #tpu.memory_space<vmem>>, vector<16xf32>,
        %sub3A_457 = vector.broadcast %squeeze3A_339 : f32 to vector<16xf32>
        %sub3A_458 = arith.subf %sub3A_457, %get3A_40 : vector<16xf32>
        %mul3A_459 = arith.mulf %sub3A_458, %sub3A_458 : vector<16xf32>
        %mul3A_460 = arith.mulf %div3A_7, %mul3A_459 : vector<16xf32>
        %exp3A_461 = math.exp %mul3A_460 : vector<16xf32>
        %swap3A_462 = arith.index_cast %rem3A_128 : i32 to index
        %swap3A_463 = arith.index_cast %add3A_337 : i32 to index
        %swap3A_464 = arith.constant 208 : index
        %swap3A_465 = tpu.vector_load %arg7[%swap3A_462, %swap3A_463, %swap3A_464] {strides = array<i32>} : memref<4x40x300xf32, #tpu.memory_space<vmem>>, vector<16xf32>,
        tpu.vector_store %arg7[%swap3A_462, %swap3A_463, %swap3A_464], %exp3A_461 {strides = array<i32>} : memref<4x40x300xf32, #tpu.memory_space<vmem>>, vector<16xf32>,
        %sub3A_466 = vector.broadcast %squeeze3A_339 : f32 to vector<16xf32>
        %sub3A_467 = arith.subf %sub3A_466, %get3A_42 : vector<16xf32>
        %mul3A_468 = arith.mulf %sub3A_467, %sub3A_467 : vector<16xf32>
        %mul3A_469 = arith.mulf %div3A_7, %mul3A_468 : vector<16xf32>
        %exp3A_470 = math.exp %mul3A_469 : vector<16xf32>
        %swap3A_471 = arith.index_cast %rem3A_128 : i32 to index
        %swap3A_472 = arith.index_cast %add3A_337 : i32 to index
        %swap3A_473 = arith.constant 224 : index
        %swap3A_474 = tpu.vector_load %arg7[%swap3A_471, %swap3A_472, %swap3A_473] {strides = array<i32>} : memref<4x40x300xf32, #tpu.memory_space<vmem>>, vector<16xf32>,
        tpu.vector_store %arg7[%swap3A_471, %swap3A_472, %swap3A_473], %exp3A_470 {strides = array<i32>} : memref<4x40x300xf32, #tpu.memory_space<vmem>>, vector<16xf32>,
        %sub3A_475 = vector.broadcast %squeeze3A_339 : f32 to vector<16xf32>
        %sub3A_476 = arith.subf %sub3A_475, %get3A_44 : vector<16xf32>
        %mul3A_477 = arith.mulf %sub3A_476, %sub3A_476 : vector<16xf32>
        %mul3A_478 = arith.mulf %div3A_7, %mul3A_477 : vector<16xf32>
        %exp3A_479 = math.exp %mul3A_478 : vector<16xf32>
        %swap3A_480 = arith.index_cast %rem3A_128 : i32 to index
        %swap3A_481 = arith.index_cast %add3A_337 : i32 to index
        %swap3A_482 = arith.constant 240 : index
        %swap3A_483 = tpu.vector_load %arg7[%swap3A_480, %swap3A_481, %swap3A_482] {strides = array<i32>} : memref<4x40x300xf32, #tpu.memory_space<vmem>>, vector<16xf32>,
        tpu.vector_store %arg7[%swap3A_480, %swap3A_481, %swap3A_482], %exp3A_479 {strides = array<i32>} : memref<4x40x300xf32, #tpu.memory_space<vmem>>, vector<16xf32>,
        %sub3A_484 = vector.broadcast %squeeze3A_339 : f32 to vector<16xf32>
        %sub3A_485 = arith.subf %sub3A_484, %get3A_46 : vector<16xf32>
        %mul3A_486 = arith.mulf %sub3A_485, %sub3A_485 : vector<16xf32>
        %mul3A_487 = arith.mulf %div3A_7, %mul3A_486 : vector<16xf32>
        %exp3A_488 = math.exp %mul3A_487 : vector<16xf32>
        %swap3A_489 = arith.index_cast %rem3A_128 : i32 to index
        %swap3A_490 = arith.index_cast %add3A_337 : i32 to index
        %swap3A_491 = arith.constant 256 : index
        %swap3A_492 = tpu.vector_load %arg7[%swap3A_489, %swap3A_490, %swap3A_491] {strides = array<i32>} : memref<4x40x300xf32, #tpu.memory_space<vmem>>, vector<16xf32>,
        tpu.vector_store %arg7[%swap3A_489, %swap3A_490, %swap3A_491], %exp3A_488 {strides = array<i32>} : memref<4x40x300xf32, #tpu.memory_space<vmem>>, vector<16xf32>,
        %sub3A_493 = vector.broadcast %squeeze3A_339 : f32 to vector<16xf32>
        %sub3A_494 = arith.subf %sub3A_493, %get3A_48 : vector<16xf32>
        %mul3A_495 = arith.mulf %sub3A_494, %sub3A_494 : vector<16xf32>
        %mul3A_496 = arith.mulf %div3A_7, %mul3A_495 : vector<16xf32>
        %exp3A_497 = math.exp %mul3A_496 : vector<16xf32>
        %swap3A_498 = arith.index_cast %rem3A_128 : i32 to index
        %swap3A_499 = arith.index_cast %add3A_337 : i32 to index
        %swap3A_500 = arith.constant 272 : index
        %swap3A_501 = tpu.vector_load %arg7[%swap3A_498, %swap3A_499, %swap3A_500] {strides = array<i32>} : memref<4x40x300xf32, #tpu.memory_space<vmem>>, vector<16xf32>,
        tpu.vector_store %arg7[%swap3A_498, %swap3A_499, %swap3A_500], %exp3A_497 {strides = array<i32>} : memref<4x40x300xf32, #tpu.memory_space<vmem>>, vector<16xf32>,
        %sub3A_502 = vector.broadcast %squeeze3A_339 : f32 to vector<16xf32>
        %sub3A_503 = arith.subf %sub3A_502, %get3A_50 : vector<16xf32>
        %mul3A_504 = arith.mulf %sub3A_503, %sub3A_503 : vector<16xf32>
        %mul3A_505 = arith.mulf %div3A_7, %mul3A_504 : vector<16xf32>
        %exp3A_506 = math.exp %mul3A_505 : vector<16xf32>
        %broadcast_in_dim3A_507 = vector.broadcast %rem3A_128 : i32 to vector<16xi32>
        %broadcast_in_dim3A_508 = vector.broadcast %add3A_337 : i32 to vector<16xi32>
        tpu.vector_store_idx %arg7[%broadcast_in_dim3A_507, %broadcast_in_dim3A_508, %add3A_10], %exp3A_506 masked %lt3A_12 : memref<4x40x300xf32, #tpu.memory_space<vmem>>[vector<16xi32>, vector<16xi32>, vector<16xi32>], vector<16xf32>, vector<16xi1>
        %mul3A_509 = arith.constant 8 : i32
        %mul3A_510 = arith.muli %scan3A_153, %mul3A_509 : i32
        %add3A_511 = arith.constant 2 : i32
        %add3A_512 = arith.addi %mul3A_510, %add3A_511 : i32
        %slice3A_513 = vector.extract_strided_slice %get3A_160 {offsets = [2], sizes = [1], strides = [1]} : vector<16xf32> to vector<1xf32>
        %squeeze3A_514 = vector.extract %slice3A_513[0] : f32 from vector<1xf32>
        %sub3A_515 = vector.broadcast %squeeze3A_514 : f32 to vector<16xf32>
        %sub3A_516 = arith.subf %sub3A_515, %get3A_14 : vector<16xf32>
        %mul3A_517 = arith.mulf %sub3A_516, %sub3A_516 : vector<16xf32>
        %mul3A_518 = arith.mulf %div3A_7, %mul3A_517 : vector<16xf32>
        %exp3A_519 = math.exp %mul3A_518 : vector<16xf32>
        %swap3A_520 = arith.index_cast %rem3A_128 : i32 to index
        %swap3A_521 = arith.index_cast %add3A_512 : i32 to index
        %swap3A_522 = arith.constant 0 : index
        %swap3A_523 = tpu.vector_load %arg7[%swap3A_520, %swap3A_521, %swap3A_522] {strides = array<i32>} : memref<4x40x300xf32, #tpu.memory_space<vmem>>, vector<16xf32>,
        tpu.vector_store %arg7[%swap3A_520, %swap3A_521, %swap3A_522], %exp3A_519 {strides = array<i32>} : memref<4x40x300xf32, #tpu.memory_space<vmem>>, vector<16xf32>,
        %sub3A_524 = vector.broadcast %squeeze3A_514 : f32 to vector<16xf32>
        %sub3A_525 = arith.subf %sub3A_524, %get3A_16 : vector<16xf32>
        %mul3A_526 = arith.mulf %sub3A_525, %sub3A_525 : vector<16xf32>
        %mul3A_527 = arith.mulf %div3A_7, %mul3A_526 : vector<16xf32>
        %exp3A_528 = math.exp %mul3A_527 : vector<16xf32>
        %swap3A_529 = arith.index_cast %rem3A_128 : i32 to index
        %swap3A_530 = arith.index_cast %add3A_512 : i32 to index
        %swap3A_531 = arith.constant 16 : index
        %swap3A_532 = tpu.vector_load %arg7[%swap3A_529, %swap3A_530, %swap3A_531] {strides = array<i32>} : memref<4x40x300xf32, #tpu.memory_space<vmem>>, vector<16xf32>,
        tpu.vector_store %arg7[%swap3A_529, %swap3A_530, %swap3A_531], %exp3A_528 {strides = array<i32>} : memref<4x40x300xf32, #tpu.memory_space<vmem>>, vector<16xf32>,
        %sub3A_533 = vector.broadcast %squeeze3A_514 : f32 to vector<16xf32>
        %sub3A_534 = arith.subf %sub3A_533, %get3A_18 : vector<16xf32>
        %mul3A_535 = arith.mulf %sub3A_534, %sub3A_534 : vector<16xf32>
        %mul3A_536 = arith.mulf %div3A_7, %mul3A_535 : vector<16xf32>
        %exp3A_537 = math.exp %mul3A_536 : vector<16xf32>
        %swap3A_538 = arith.index_cast %rem3A_128 : i32 to index
        %swap3A_539 = arith.index_cast %add3A_512 : i32 to index
        %swap3A_540 = arith.constant 32 : index
        %swap3A_541 = tpu.vector_load %arg7[%swap3A_538, %swap3A_539, %swap3A_540] {strides = array<i32>} : memref<4x40x300xf32, #tpu.memory_space<vmem>>, vector<16xf32>,
        tpu.vector_store %arg7[%swap3A_538, %swap3A_539, %swap3A_540], %exp3A_537 {strides = array<i32>} : memref<4x40x300xf32, #tpu.memory_space<vmem>>, vector<16xf32>,
        %sub3A_542 = vector.broadcast %squeeze3A_514 : f32 to vector<16xf32>
        %sub3A_543 = arith.subf %sub3A_542, %get3A_20 : vector<16xf32>
        %mul3A_544 = arith.mulf %sub3A_543, %sub3A_543 : vector<16xf32>
        %mul3A_545 = arith.mulf %div3A_7, %mul3A_544 : vector<16xf32>
        %exp3A_546 = math.exp %mul3A_545 : vector<16xf32>
        %swap3A_547 = arith.index_cast %rem3A_128 : i32 to index
        %swap3A_548 = arith.index_cast %add3A_512 : i32 to index
        %swap3A_549 = arith.constant 48 : index
        %swap3A_550 = tpu.vector_load %arg7[%swap3A_547, %swap3A_548, %swap3A_549] {strides = array<i32>} : memref<4x40x300xf32, #tpu.memory_space<vmem>>, vector<16xf32>,
        tpu.vector_store %arg7[%swap3A_547, %swap3A_548, %swap3A_549], %exp3A_546 {strides = array<i32>} : memref<4x40x300xf32, #tpu.memory_space<vmem>>, vector<16xf32>,
        %sub3A_551 = vector.broadcast %squeeze3A_514 : f32 to vector<16xf32>
        %sub3A_552 = arith.subf %sub3A_551, %get3A_22 : vector<16xf32>
        %mul3A_553 = arith.mulf %sub3A_552, %sub3A_552 : vector<16xf32>
        %mul3A_554 = arith.mulf %div3A_7, %mul3A_553 : vector<16xf32>
        %exp3A_555 = math.exp %mul3A_554 : vector<16xf32>
        %swap3A_556 = arith.index_cast %rem3A_128 : i32 to index
        %swap3A_557 = arith.index_cast %add3A_512 : i32 to index
        %swap3A_558 = arith.constant 64 : index
        %swap3A_559 = tpu.vector_load %arg7[%swap3A_556, %swap3A_557, %swap3A_558] {strides = array<i32>} : memref<4x40x300xf32, #tpu.memory_space<vmem>>, vector<16xf32>,
        tpu.vector_store %arg7[%swap3A_556, %swap3A_557, %swap3A_558], %exp3A_555 {strides = array<i32>} : memref<4x40x300xf32, #tpu.memory_space<vmem>>, vector<16xf32>,
        %sub3A_560 = vector.broadcast %squeeze3A_514 : f32 to vector<16xf32>
        %sub3A_561 = arith.subf %sub3A_560, %get3A_24 : vector<16xf32>
        %mul3A_562 = arith.mulf %sub3A_561, %sub3A_561 : vector<16xf32>
        %mul3A_563 = arith.mulf %div3A_7, %mul3A_562 : vector<16xf32>
        %exp3A_564 = math.exp %mul3A_563 : vector<16xf32>
        %swap3A_565 = arith.index_cast %rem3A_128 : i32 to index
        %swap3A_566 = arith.index_cast %add3A_512 : i32 to index
        %swap3A_567 = arith.constant 80 : index
        %swap3A_568 = tpu.vector_load %arg7[%swap3A_565, %swap3A_566, %swap3A_567] {strides = array<i32>} : memref<4x40x300xf32, #tpu.memory_space<vmem>>, vector<16xf32>,
        tpu.vector_store %arg7[%swap3A_565, %swap3A_566, %swap3A_567], %exp3A_564 {strides = array<i32>} : memref<4x40x300xf32, #tpu.memory_space<vmem>>, vector<16xf32>,
        %sub3A_569 = vector.broadcast %squeeze3A_514 : f32 to vector<16xf32>
        %sub3A_570 = arith.subf %sub3A_569, %get3A_26 : vector<16xf32>
        %mul3A_571 = arith.mulf %sub3A_570, %sub3A_570 : vector<16xf32>
        %mul3A_572 = arith.mulf %div3A_7, %mul3A_571 : vector<16xf32>
        %exp3A_573 = math.exp %mul3A_572 : vector<16xf32>
        %swap3A_574 = arith.index_cast %rem3A_128 : i32 to index
        %swap3A_575 = arith.index_cast %add3A_512 : i32 to index
        %swap3A_576 = arith.constant 96 : index
        %swap3A_577 = tpu.vector_load %arg7[%swap3A_574, %swap3A_575, %swap3A_576] {strides = array<i32>} : memref<4x40x300xf32, #tpu.memory_space<vmem>>, vector<16xf32>,
        tpu.vector_store %arg7[%swap3A_574, %swap3A_575, %swap3A_576], %exp3A_573 {strides = array<i32>} : memref<4x40x300xf32, #tpu.memory_space<vmem>>, vector<16xf32>,
        %sub3A_578 = vector.broadcast %squeeze3A_514 : f32 to vector<16xf32>
        %sub3A_579 = arith.subf %sub3A_578, %get3A_28 : vector<16xf32>
        %mul3A_580 = arith.mulf %sub3A_579, %sub3A_579 : vector<16xf32>
        %mul3A_581 = arith.mulf %div3A_7, %mul3A_580 : vector<16xf32>
        %exp3A_582 = math.exp %mul3A_581 : vector<16xf32>
        %swap3A_583 = arith.index_cast %rem3A_128 : i32 to index
        %swap3A_584 = arith.index_cast %add3A_512 : i32 to index
        %swap3A_585 = arith.constant 112 : index
        %swap3A_586 = tpu.vector_load %arg7[%swap3A_583, %swap3A_584, %swap3A_585] {strides = array<i32>} : memref<4x40x300xf32, #tpu.memory_space<vmem>>, vector<16xf32>,
        tpu.vector_store %arg7[%swap3A_583, %swap3A_584, %swap3A_585], %exp3A_582 {strides = array<i32>} : memref<4x40x300xf32, #tpu.memory_space<vmem>>, vector<16xf32>,
        %sub3A_587 = vector.broadcast %squeeze3A_514 : f32 to vector<16xf32>
        %sub3A_588 = arith.subf %sub3A_587, %get3A_30 : vector<16xf32>
        %mul3A_589 = arith.mulf %sub3A_588, %sub3A_588 : vector<16xf32>
        %mul3A_590 = arith.mulf %div3A_7, %mul3A_589 : vector<16xf32>
        %exp3A_591 = math.exp %mul3A_590 : vector<16xf32>
        %swap3A_592 = arith.index_cast %rem3A_128 : i32 to index
        %swap3A_593 = arith.index_cast %add3A_512 : i32 to index
        %swap3A_594 = arith.constant 128 : index
        %swap3A_595 = tpu.vector_load %arg7[%swap3A_592, %swap3A_593, %swap3A_594] {strides = array<i32>} : memref<4x40x300xf32, #tpu.memory_space<vmem>>, vector<16xf32>,
        tpu.vector_store %arg7[%swap3A_592, %swap3A_593, %swap3A_594], %exp3A_591 {strides = array<i32>} : memref<4x40x300xf32, #tpu.memory_space<vmem>>, vector<16xf32>,
        %sub3A_596 = vector.broadcast %squeeze3A_514 : f32 to vector<16xf32>
        %sub3A_597 = arith.subf %sub3A_596, %get3A_32 : vector<16xf32>
        %mul3A_598 = arith.mulf %sub3A_597, %sub3A_597 : vector<16xf32>
        %mul3A_599 = arith.mulf %div3A_7, %mul3A_598 : vector<16xf32>
        %exp3A_600 = math.exp %mul3A_599 : vector<16xf32>
        %swap3A_601 = arith.index_cast %rem3A_128 : i32 to index
        %swap3A_602 = arith.index_cast %add3A_512 : i32 to index
        %swap3A_603 = arith.constant 144 : index
        %swap3A_604 = tpu.vector_load %arg7[%swap3A_601, %swap3A_602, %swap3A_603] {strides = array<i32>} : memref<4x40x300xf32, #tpu.memory_space<vmem>>, vector<16xf32>,
        tpu.vector_store %arg7[%swap3A_601, %swap3A_602, %swap3A_603], %exp3A_600 {strides = array<i32>} : memref<4x40x300xf32, #tpu.memory_space<vmem>>, vector<16xf32>,
        %sub3A_605 = vector.broadcast %squeeze3A_514 : f32 to vector<16xf32>
        %sub3A_606 = arith.subf %sub3A_605, %get3A_34 : vector<16xf32>
        %mul3A_607 = arith.mulf %sub3A_606, %sub3A_606 : vector<16xf32>
        %mul3A_608 = arith.mulf %div3A_7, %mul3A_607 : vector<16xf32>
        %exp3A_609 = math.exp %mul3A_608 : vector<16xf32>
        %swap3A_610 = arith.index_cast %rem3A_128 : i32 to index
        %swap3A_611 = arith.index_cast %add3A_512 : i32 to index
        %swap3A_612 = arith.constant 160 : index
        %swap3A_613 = tpu.vector_load %arg7[%swap3A_610, %swap3A_611, %swap3A_612] {strides = array<i32>} : memref<4x40x300xf32, #tpu.memory_space<vmem>>, vector<16xf32>,
        tpu.vector_store %arg7[%swap3A_610, %swap3A_611, %swap3A_612], %exp3A_609 {strides = array<i32>} : memref<4x40x300xf32, #tpu.memory_space<vmem>>, vector<16xf32>,
        %sub3A_614 = vector.broadcast %squeeze3A_514 : f32 to vector<16xf32>
        %sub3A_615 = arith.subf %sub3A_614, %get3A_36 : vector<16xf32>
        %mul3A_616 = arith.mulf %sub3A_615, %sub3A_615 : vector<16xf32>
        %mul3A_617 = arith.mulf %div3A_7, %mul3A_616 : vector<16xf32>
        %exp3A_618 = math.exp %mul3A_617 : vector<16xf32>
        %swap3A_619 = arith.index_cast %rem3A_128 : i32 to index
        %swap3A_620 = arith.index_cast %add3A_512 : i32 to index
        %swap3A_621 = arith.constant 176 : index
        %swap3A_622 = tpu.vector_load %arg7[%swap3A_619, %swap3A_620, %swap3A_621] {strides = array<i32>} : memref<4x40x300xf32, #tpu.memory_space<vmem>>, vector<16xf32>,
        tpu.vector_store %arg7[%swap3A_619, %swap3A_620, %swap3A_621], %exp3A_618 {strides = array<i32>} : memref<4x40x300xf32, #tpu.memory_space<vmem>>, vector<16xf32>,
        %sub3A_623 = vector.broadcast %squeeze3A_514 : f32 to vector<16xf32>
        %sub3A_624 = arith.subf %sub3A_623, %get3A_38 : vector<16xf32>
        %mul3A_625 = arith.mulf %sub3A_624, %sub3A_624 : vector<16xf32>
        %mul3A_626 = arith.mulf %div3A_7, %mul3A_625 : vector<16xf32>
        %exp3A_627 = math.exp %mul3A_626 : vector<16xf32>
        %swap3A_628 = arith.index_cast %rem3A_128 : i32 to index
        %swap3A_629 = arith.index_cast %add3A_512 : i32 to index
        %swap3A_630 = arith.constant 192 : index
        %swap3A_631 = tpu.vector_load %arg7[%swap3A_628, %swap3A_629, %swap3A_630] {strides = array<i32>} : memref<4x40x300xf32, #tpu.memory_space<vmem>>, vector<16xf32>,
        tpu.vector_store %arg7[%swap3A_628, %swap3A_629, %swap3A_630], %exp3A_627 {strides = array<i32>} : memref<4x40x300xf32, #tpu.memory_space<vmem>>, vector<16xf32>,
        %sub3A_632 = vector.broadcast %squeeze3A_514 : f32 to vector<16xf32>
        %sub3A_633 = arith.subf %sub3A_632, %get3A_40 : vector<16xf32>
        %mul3A_634 = arith.mulf %sub3A_633, %sub3A_633 : vector<16xf32>
        %mul3A_635 = arith.mulf %div3A_7, %mul3A_634 : vector<16xf32>
        %exp3A_636 = math.exp %mul3A_635 : vector<16xf32>
        %swap3A_637 = arith.index_cast %rem3A_128 : i32 to index
        %swap3A_638 = arith.index_cast %add3A_512 : i32 to index
        %swap3A_639 = arith.constant 208 : index
        %swap3A_640 = tpu.vector_load %arg7[%swap3A_637, %swap3A_638, %swap3A_639] {strides = array<i32>} : memref<4x40x300xf32, #tpu.memory_space<vmem>>, vector<16xf32>,
        tpu.vector_store %arg7[%swap3A_637, %swap3A_638, %swap3A_639], %exp3A_636 {strides = array<i32>} : memref<4x40x300xf32, #tpu.memory_space<vmem>>, vector<16xf32>,
        %sub3A_641 = vector.broadcast %squeeze3A_514 : f32 to vector<16xf32>
        %sub3A_642 = arith.subf %sub3A_641, %get3A_42 : vector<16xf32>
        %mul3A_643 = arith.mulf %sub3A_642, %sub3A_642 : vector<16xf32>
        %mul3A_644 = arith.mulf %div3A_7, %mul3A_643 : vector<16xf32>
        %exp3A_645 = math.exp %mul3A_644 : vector<16xf32>
        %swap3A_646 = arith.index_cast %rem3A_128 : i32 to index
        %swap3A_647 = arith.index_cast %add3A_512 : i32 to index
        %swap3A_648 = arith.constant 224 : index
        %swap3A_649 = tpu.vector_load %arg7[%swap3A_646, %swap3A_647, %swap3A_648] {strides = array<i32>} : memref<4x40x300xf32, #tpu.memory_space<vmem>>, vector<16xf32>,
        tpu.vector_store %arg7[%swap3A_646, %swap3A_647, %swap3A_648], %exp3A_645 {strides = array<i32>} : memref<4x40x300xf32, #tpu.memory_space<vmem>>, vector<16xf32>,
        %sub3A_650 = vector.broadcast %squeeze3A_514 : f32 to vector<16xf32>
        %sub3A_651 = arith.subf %sub3A_650, %get3A_44 : vector<16xf32>
        %mul3A_652 = arith.mulf %sub3A_651, %sub3A_651 : vector<16xf32>
        %mul3A_653 = arith.mulf %div3A_7, %mul3A_652 : vector<16xf32>
        %exp3A_654 = math.exp %mul3A_653 : vector<16xf32>
        %swap3A_655 = arith.index_cast %rem3A_128 : i32 to index
        %swap3A_656 = arith.index_cast %add3A_512 : i32 to index
        %swap3A_657 = arith.constant 240 : index
        %swap3A_658 = tpu.vector_load %arg7[%swap3A_655, %swap3A_656, %swap3A_657] {strides = array<i32>} : memref<4x40x300xf32, #tpu.memory_space<vmem>>, vector<16xf32>,
        tpu.vector_store %arg7[%swap3A_655, %swap3A_656, %swap3A_657], %exp3A_654 {strides = array<i32>} : memref<4x40x300xf32, #tpu.memory_space<vmem>>, vector<16xf32>,
        %sub3A_659 = vector.broadcast %squeeze3A_514 : f32 to vector<16xf32>
        %sub3A_660 = arith.subf %sub3A_659, %get3A_46 : vector<16xf32>
        %mul3A_661 = arith.mulf %sub3A_660, %sub3A_660 : vector<16xf32>
        %mul3A_662 = arith.mulf %div3A_7, %mul3A_661 : vector<16xf32>
        %exp3A_663 = math.exp %mul3A_662 : vector<16xf32>
        %swap3A_664 = arith.index_cast %rem3A_128 : i32 to index
        %swap3A_665 = arith.index_cast %add3A_512 : i32 to index
        %swap3A_666 = arith.constant 256 : index
        %swap3A_667 = tpu.vector_load %arg7[%swap3A_664, %swap3A_665, %swap3A_666] {strides = array<i32>} : memref<4x40x300xf32, #tpu.memory_space<vmem>>, vector<16xf32>,
        tpu.vector_store %arg7[%swap3A_664, %swap3A_665, %swap3A_666], %exp3A_663 {strides = array<i32>} : memref<4x40x300xf32, #tpu.memory_space<vmem>>, vector<16xf32>,
        %sub3A_668 = vector.broadcast %squeeze3A_514 : f32 to vector<16xf32>
        %sub3A_669 = arith.subf %sub3A_668, %get3A_48 : vector<16xf32>
        %mul3A_670 = arith.mulf %sub3A_669, %sub3A_669 : vector<16xf32>
        %mul3A_671 = arith.mulf %div3A_7, %mul3A_670 : vector<16xf32>
        %exp3A_672 = math.exp %mul3A_671 : vector<16xf32>
        %swap3A_673 = arith.index_cast %rem3A_128 : i32 to index
        %swap3A_674 = arith.index_cast %add3A_512 : i32 to index
        %swap3A_675 = arith.constant 272 : index
        %swap3A_676 = tpu.vector_load %arg7[%swap3A_673, %swap3A_674, %swap3A_675] {strides = array<i32>} : memref<4x40x300xf32, #tpu.memory_space<vmem>>, vector<16xf32>,
        tpu.vector_store %arg7[%swap3A_673, %swap3A_674, %swap3A_675], %exp3A_672 {strides = array<i32>} : memref<4x40x300xf32, #tpu.memory_space<vmem>>, vector<16xf32>,
        %sub3A_677 = vector.broadcast %squeeze3A_514 : f32 to vector<16xf32>
        %sub3A_678 = arith.subf %sub3A_677, %get3A_50 : vector<16xf32>
        %mul3A_679 = arith.mulf %sub3A_678, %sub3A_678 : vector<16xf32>
        %mul3A_680 = arith.mulf %div3A_7, %mul3A_679 : vector<16xf32>
        %exp3A_681 = math.exp %mul3A_680 : vector<16xf32>
        %broadcast_in_dim3A_682 = vector.broadcast %rem3A_128 : i32 to vector<16xi32>
        %broadcast_in_dim3A_683 = vector.broadcast %add3A_512 : i32 to vector<16xi32>
        tpu.vector_store_idx %arg7[%broadcast_in_dim3A_682, %broadcast_in_dim3A_683, %add3A_10], %exp3A_681 masked %lt3A_12 : memref<4x40x300xf32, #tpu.memory_space<vmem>>[vector<16xi32>, vector<16xi32>, vector<16xi32>], vector<16xf32>, vector<16xi1>
        %mul3A_684 = arith.constant 8 : i32
        %mul3A_685 = arith.muli %scan3A_153, %mul3A_684 : i32
        %add3A_686 = arith.constant 3 : i32
        %add3A_687 = arith.addi %mul3A_685, %add3A_686 : i32
        %slice3A_688 = vector.extract_strided_slice %get3A_160 {offsets = [3], sizes = [1], strides = [1]} : vector<16xf32> to vector<1xf32>
        %squeeze3A_689 = vector.extract %slice3A_688[0] : f32 from vector<1xf32>
        %sub3A_690 = vector.broadcast %squeeze3A_689 : f32 to vector<16xf32>
        %sub3A_691 = arith.subf %sub3A_690, %get3A_14 : vector<16xf32>
        %mul3A_692 = arith.mulf %sub3A_691, %sub3A_691 : vector<16xf32>
        %mul3A_693 = arith.mulf %div3A_7, %mul3A_692 : vector<16xf32>
        %exp3A_694 = math.exp %mul3A_693 : vector<16xf32>
        %swap3A_695 = arith.index_cast %rem3A_128 : i32 to index
        %swap3A_696 = arith.index_cast %add3A_687 : i32 to index
        %swap3A_697 = arith.constant 0 : index
        %swap3A_698 = tpu.vector_load %arg7[%swap3A_695, %swap3A_696, %swap3A_697] {strides = array<i32>} : memref<4x40x300xf32, #tpu.memory_space<vmem>>, vector<16xf32>,
        tpu.vector_store %arg7[%swap3A_695, %swap3A_696, %swap3A_697], %exp3A_694 {strides = array<i32>} : memref<4x40x300xf32, #tpu.memory_space<vmem>>, vector<16xf32>,
        %sub3A_699 = vector.broadcast %squeeze3A_689 : f32 to vector<16xf32>
        %sub3A_700 = arith.subf %sub3A_699, %get3A_16 : vector<16xf32>
        %mul3A_701 = arith.mulf %sub3A_700, %sub3A_700 : vector<16xf32>
        %mul3A_702 = arith.mulf %div3A_7, %mul3A_701 : vector<16xf32>
        %exp3A_703 = math.exp %mul3A_702 : vector<16xf32>
        %swap3A_704 = arith.index_cast %rem3A_128 : i32 to index
        %swap3A_705 = arith.index_cast %add3A_687 : i32 to index
        %swap3A_706 = arith.constant 16 : index
        %swap3A_707 = tpu.vector_load %arg7[%swap3A_704, %swap3A_705, %swap3A_706] {strides = array<i32>} : memref<4x40x300xf32, #tpu.memory_space<vmem>>, vector<16xf32>,
        tpu.vector_store %arg7[%swap3A_704, %swap3A_705, %swap3A_706], %exp3A_703 {strides = array<i32>} : memref<4x40x300xf32, #tpu.memory_space<vmem>>, vector<16xf32>,
        %sub3A_708 = vector.broadcast %squeeze3A_689 : f32 to vector<16xf32>
        %sub3A_709 = arith.subf %sub3A_708, %get3A_18 : vector<16xf32>
        %mul3A_710 = arith.mulf %sub3A_709, %sub3A_709 : vector<16xf32>
        %mul3A_711 = arith.mulf %div3A_7, %mul3A_710 : vector<16xf32>
        %exp3A_712 = math.exp %mul3A_711 : vector<16xf32>
        %swap3A_713 = arith.index_cast %rem3A_128 : i32 to index
        %swap3A_714 = arith.index_cast %add3A_687 : i32 to index
        %swap3A_715 = arith.constant 32 : index
        %swap3A_716 = tpu.vector_load %arg7[%swap3A_713, %swap3A_714, %swap3A_715] {strides = array<i32>} : memref<4x40x300xf32, #tpu.memory_space<vmem>>, vector<16xf32>,
        tpu.vector_store %arg7[%swap3A_713, %swap3A_714, %swap3A_715], %exp3A_712 {strides = array<i32>} : memref<4x40x300xf32, #tpu.memory_space<vmem>>, vector<16xf32>,
        %sub3A_717 = vector.broadcast %squeeze3A_689 : f32 to vector<16xf32>
        %sub3A_718 = arith.subf %sub3A_717, %get3A_20 : vector<16xf32>
        %mul3A_719 = arith.mulf %sub3A_718, %sub3A_718 : vector<16xf32>
        %mul3A_720 = arith.mulf %div3A_7, %mul3A_719 : vector<16xf32>
        %exp3A_721 = math.exp %mul3A_720 : vector<16xf32>
        %swap3A_722 = arith.index_cast %rem3A_128 : i32 to index
        %swap3A_723 = arith.index_cast %add3A_687 : i32 to index
        %swap3A_724 = arith.constant 48 : index
        %swap3A_725 = tpu.vector_load %arg7[%swap3A_722, %swap3A_723, %swap3A_724] {strides = array<i32>} : memref<4x40x300xf32, #tpu.memory_space<vmem>>, vector<16xf32>,
        tpu.vector_store %arg7[%swap3A_722, %swap3A_723, %swap3A_724], %exp3A_721 {strides = array<i32>} : memref<4x40x300xf32, #tpu.memory_space<vmem>>, vector<16xf32>,
        %sub3A_726 = vector.broadcast %squeeze3A_689 : f32 to vector<16xf32>
        %sub3A_727 = arith.subf %sub3A_726, %get3A_22 : vector<16xf32>
        %mul3A_728 = arith.mulf %sub3A_727, %sub3A_727 : vector<16xf32>
        %mul3A_729 = arith.mulf %div3A_7, %mul3A_728 : vector<16xf32>
        %exp3A_730 = math.exp %mul3A_729 : vector<16xf32>
        %swap3A_731 = arith.index_cast %rem3A_128 : i32 to index
        %swap3A_732 = arith.index_cast %add3A_687 : i32 to index
        %swap3A_733 = arith.constant 64 : index
        %swap3A_734 = tpu.vector_load %arg7[%swap3A_731, %swap3A_732, %swap3A_733] {strides = array<i32>} : memref<4x40x300xf32, #tpu.memory_space<vmem>>, vector<16xf32>,
        tpu.vector_store %arg7[%swap3A_731, %swap3A_732, %swap3A_733], %exp3A_730 {strides = array<i32>} : memref<4x40x300xf32, #tpu.memory_space<vmem>>, vector<16xf32>,
        %sub3A_735 = vector.broadcast %squeeze3A_689 : f32 to vector<16xf32>
        %sub3A_736 = arith.subf %sub3A_735, %get3A_24 : vector<16xf32>
        %mul3A_737 = arith.mulf %sub3A_736, %sub3A_736 : vector<16xf32>
        %mul3A_738 = arith.mulf %div3A_7, %mul3A_737 : vector<16xf32>
        %exp3A_739 = math.exp %mul3A_738 : vector<16xf32>
        %swap3A_740 = arith.index_cast %rem3A_128 : i32 to index
        %swap3A_741 = arith.index_cast %add3A_687 : i32 to index
        %swap3A_742 = arith.constant 80 : index
        %swap3A_743 = tpu.vector_load %arg7[%swap3A_740, %swap3A_741, %swap3A_742] {strides = array<i32>} : memref<4x40x300xf32, #tpu.memory_space<vmem>>, vector<16xf32>,
        tpu.vector_store %arg7[%swap3A_740, %swap3A_741, %swap3A_742], %exp3A_739 {strides = array<i32>} : memref<4x40x300xf32, #tpu.memory_space<vmem>>, vector<16xf32>,
        %sub3A_744 = vector.broadcast %squeeze3A_689 : f32 to vector<16xf32>
        %sub3A_745 = arith.subf %sub3A_744, %get3A_26 : vector<16xf32>
        %mul3A_746 = arith.mulf %sub3A_745, %sub3A_745 : vector<16xf32>
        %mul3A_747 = arith.mulf %div3A_7, %mul3A_746 : vector<16xf32>
        %exp3A_748 = math.exp %mul3A_747 : vector<16xf32>
        %swap3A_749 = arith.index_cast %rem3A_128 : i32 to index
        %swap3A_750 = arith.index_cast %add3A_687 : i32 to index
        %swap3A_751 = arith.constant 96 : index
        %swap3A_752 = tpu.vector_load %arg7[%swap3A_749, %swap3A_750, %swap3A_751] {strides = array<i32>} : memref<4x40x300xf32, #tpu.memory_space<vmem>>, vector<16xf32>,
        tpu.vector_store %arg7[%swap3A_749, %swap3A_750, %swap3A_751], %exp3A_748 {strides = array<i32>} : memref<4x40x300xf32, #tpu.memory_space<vmem>>, vector<16xf32>,
        %sub3A_753 = vector.broadcast %squeeze3A_689 : f32 to vector<16xf32>
        %sub3A_754 = arith.subf %sub3A_753, %get3A_28 : vector<16xf32>
        %mul3A_755 = arith.mulf %sub3A_754, %sub3A_754 : vector<16xf32>
        %mul3A_756 = arith.mulf %div3A_7, %mul3A_755 : vector<16xf32>
        %exp3A_757 = math.exp %mul3A_756 : vector<16xf32>
        %swap3A_758 = arith.index_cast %rem3A_128 : i32 to index
        %swap3A_759 = arith.index_cast %add3A_687 : i32 to index
        %swap3A_760 = arith.constant 112 : index
        %swap3A_761 = tpu.vector_load %arg7[%swap3A_758, %swap3A_759, %swap3A_760] {strides = array<i32>} : memref<4x40x300xf32, #tpu.memory_space<vmem>>, vector<16xf32>,
        tpu.vector_store %arg7[%swap3A_758, %swap3A_759, %swap3A_760], %exp3A_757 {strides = array<i32>} : memref<4x40x300xf32, #tpu.memory_space<vmem>>, vector<16xf32>,
        %sub3A_762 = vector.broadcast %squeeze3A_689 : f32 to vector<16xf32>
        %sub3A_763 = arith.subf %sub3A_762, %get3A_30 : vector<16xf32>
        %mul3A_764 = arith.mulf %sub3A_763, %sub3A_763 : vector<16xf32>
        %mul3A_765 = arith.mulf %div3A_7, %mul3A_764 : vector<16xf32>
        %exp3A_766 = math.exp %mul3A_765 : vector<16xf32>
        %swap3A_767 = arith.index_cast %rem3A_128 : i32 to index
        %swap3A_768 = arith.index_cast %add3A_687 : i32 to index
        %swap3A_769 = arith.constant 128 : index
        %swap3A_770 = tpu.vector_load %arg7[%swap3A_767, %swap3A_768, %swap3A_769] {strides = array<i32>} : memref<4x40x300xf32, #tpu.memory_space<vmem>>, vector<16xf32>,
        tpu.vector_store %arg7[%swap3A_767, %swap3A_768, %swap3A_769], %exp3A_766 {strides = array<i32>} : memref<4x40x300xf32, #tpu.memory_space<vmem>>, vector<16xf32>,
        %sub3A_771 = vector.broadcast %squeeze3A_689 : f32 to vector<16xf32>
        %sub3A_772 = arith.subf %sub3A_771, %get3A_32 : vector<16xf32>
        %mul3A_773 = arith.mulf %sub3A_772, %sub3A_772 : vector<16xf32>
        %mul3A_774 = arith.mulf %div3A_7, %mul3A_773 : vector<16xf32>
        %exp3A_775 = math.exp %mul3A_774 : vector<16xf32>
        %swap3A_776 = arith.index_cast %rem3A_128 : i32 to index
        %swap3A_777 = arith.index_cast %add3A_687 : i32 to index
        %swap3A_778 = arith.constant 144 : index
        %swap3A_779 = tpu.vector_load %arg7[%swap3A_776, %swap3A_777, %swap3A_778] {strides = array<i32>} : memref<4x40x300xf32, #tpu.memory_space<vmem>>, vector<16xf32>,
        tpu.vector_store %arg7[%swap3A_776, %swap3A_777, %swap3A_778], %exp3A_775 {strides = array<i32>} : memref<4x40x300xf32, #tpu.memory_space<vmem>>, vector<16xf32>,
        %sub3A_780 = vector.broadcast %squeeze3A_689 : f32 to vector<16xf32>
        %sub3A_781 = arith.subf %sub3A_780, %get3A_34 : vector<16xf32>
        %mul3A_782 = arith.mulf %sub3A_781, %sub3A_781 : vector<16xf32>
        %mul3A_783 = arith.mulf %div3A_7, %mul3A_782 : vector<16xf32>
        %exp3A_784 = math.exp %mul3A_783 : vector<16xf32>
        %swap3A_785 = arith.index_cast %rem3A_128 : i32 to index
        %swap3A_786 = arith.index_cast %add3A_687 : i32 to index
        %swap3A_787 = arith.constant 160 : index
        %swap3A_788 = tpu.vector_load %arg7[%swap3A_785, %swap3A_786, %swap3A_787] {strides = array<i32>} : memref<4x40x300xf32, #tpu.memory_space<vmem>>, vector<16xf32>,
        tpu.vector_store %arg7[%swap3A_785, %swap3A_786, %swap3A_787], %exp3A_784 {strides = array<i32>} : memref<4x40x300xf32, #tpu.memory_space<vmem>>, vector<16xf32>,
        %sub3A_789 = vector.broadcast %squeeze3A_689 : f32 to vector<16xf32>
        %sub3A_790 = arith.subf %sub3A_789, %get3A_36 : vector<16xf32>
        %mul3A_791 = arith.mulf %sub3A_790, %sub3A_790 : vector<16xf32>
        %mul3A_792 = arith.mulf %div3A_7, %mul3A_791 : vector<16xf32>
        %exp3A_793 = math.exp %mul3A_792 : vector<16xf32>
        %swap3A_794 = arith.index_cast %rem3A_128 : i32 to index
        %swap3A_795 = arith.index_cast %add3A_687 : i32 to index
        %swap3A_796 = arith.constant 176 : index
        %swap3A_797 = tpu.vector_load %arg7[%swap3A_794, %swap3A_795, %swap3A_796] {strides = array<i32>} : memref<4x40x300xf32, #tpu.memory_space<vmem>>, vector<16xf32>,
        tpu.vector_store %arg7[%swap3A_794, %swap3A_795, %swap3A_796], %exp3A_793 {strides = array<i32>} : memref<4x40x300xf32, #tpu.memory_space<vmem>>, vector<16xf32>,
        %sub3A_798 = vector.broadcast %squeeze3A_689 : f32 to vector<16xf32>
        %sub3A_799 = arith.subf %sub3A_798, %get3A_38 : vector<16xf32>
        %mul3A_800 = arith.mulf %sub3A_799, %sub3A_799 : vector<16xf32>
        %mul3A_801 = arith.mulf %div3A_7, %mul3A_800 : vector<16xf32>
        %exp3A_802 = math.exp %mul3A_801 : vector<16xf32>
        %swap3A_803 = arith.index_cast %rem3A_128 : i32 to index
        %swap3A_804 = arith.index_cast %add3A_687 : i32 to index
        %swap3A_805 = arith.constant 192 : index
        %swap3A_806 = tpu.vector_load %arg7[%swap3A_803, %swap3A_804, %swap3A_805] {strides = array<i32>} : memref<4x40x300xf32, #tpu.memory_space<vmem>>, vector<16xf32>,
        tpu.vector_store %arg7[%swap3A_803, %swap3A_804, %swap3A_805], %exp3A_802 {strides = array<i32>} : memref<4x40x300xf32, #tpu.memory_space<vmem>>, vector<16xf32>,
        %sub3A_807 = vector.broadcast %squeeze3A_689 : f32 to vector<16xf32>
        %sub3A_808 = arith.subf %sub3A_807, %get3A_40 : vector<16xf32>
        %mul3A_809 = arith.mulf %sub3A_808, %sub3A_808 : vector<16xf32>
        %mul3A_810 = arith.mulf %div3A_7, %mul3A_809 : vector<16xf32>
        %exp3A_811 = math.exp %mul3A_810 : vector<16xf32>
        %swap3A_812 = arith.index_cast %rem3A_128 : i32 to index
        %swap3A_813 = arith.index_cast %add3A_687 : i32 to index
        %swap3A_814 = arith.constant 208 : index
        %swap3A_815 = tpu.vector_load %arg7[%swap3A_812, %swap3A_813, %swap3A_814] {strides = array<i32>} : memref<4x40x300xf32, #tpu.memory_space<vmem>>, vector<16xf32>,
        tpu.vector_store %arg7[%swap3A_812, %swap3A_813, %swap3A_814], %exp3A_811 {strides = array<i32>} : memref<4x40x300xf32, #tpu.memory_space<vmem>>, vector<16xf32>,
        %sub3A_816 = vector.broadcast %squeeze3A_689 : f32 to vector<16xf32>
        %sub3A_817 = arith.subf %sub3A_816, %get3A_42 : vector<16xf32>
        %mul3A_818 = arith.mulf %sub3A_817, %sub3A_817 : vector<16xf32>
        %mul3A_819 = arith.mulf %div3A_7, %mul3A_818 : vector<16xf32>
        %exp3A_820 = math.exp %mul3A_819 : vector<16xf32>
        %swap3A_821 = arith.index_cast %rem3A_128 : i32 to index
        %swap3A_822 = arith.index_cast %add3A_687 : i32 to index
        %swap3A_823 = arith.constant 224 : index
        %swap3A_824 = tpu.vector_load %arg7[%swap3A_821, %swap3A_822, %swap3A_823] {strides = array<i32>} : memref<4x40x300xf32, #tpu.memory_space<vmem>>, vector<16xf32>,
        tpu.vector_store %arg7[%swap3A_821, %swap3A_822, %swap3A_823], %exp3A_820 {strides = array<i32>} : memref<4x40x300xf32, #tpu.memory_space<vmem>>, vector<16xf32>,
        %sub3A_825 = vector.broadcast %squeeze3A_689 : f32 to vector<16xf32>
        %sub3A_826 = arith.subf %sub3A_825, %get3A_44 : vector<16xf32>
        %mul3A_827 = arith.mulf %sub3A_826, %sub3A_826 : vector<16xf32>
        %mul3A_828 = arith.mulf %div3A_7, %mul3A_827 : vector<16xf32>
        %exp3A_829 = math.exp %mul3A_828 : vector<16xf32>
        %swap3A_830 = arith.index_cast %rem3A_128 : i32 to index
        %swap3A_831 = arith.index_cast %add3A_687 : i32 to index
        %swap3A_832 = arith.constant 240 : index
        %swap3A_833 = tpu.vector_load %arg7[%swap3A_830, %swap3A_831, %swap3A_832] {strides = array<i32>} : memref<4x40x300xf32, #tpu.memory_space<vmem>>, vector<16xf32>,
        tpu.vector_store %arg7[%swap3A_830, %swap3A_831, %swap3A_832], %exp3A_829 {strides = array<i32>} : memref<4x40x300xf32, #tpu.memory_space<vmem>>, vector<16xf32>,
        %sub3A_834 = vector.broadcast %squeeze3A_689 : f32 to vector<16xf32>
        %sub3A_835 = arith.subf %sub3A_834, %get3A_46 : vector<16xf32>
        %mul3A_836 = arith.mulf %sub3A_835, %sub3A_835 : vector<16xf32>
        %mul3A_837 = arith.mulf %div3A_7, %mul3A_836 : vector<16xf32>
        %exp3A_838 = math.exp %mul3A_837 : vector<16xf32>
        %swap3A_839 = arith.index_cast %rem3A_128 : i32 to index
        %swap3A_840 = arith.index_cast %add3A_687 : i32 to index
        %swap3A_841 = arith.constant 256 : index
        %swap3A_842 = tpu.vector_load %arg7[%swap3A_839, %swap3A_840, %swap3A_841] {strides = array<i32>} : memref<4x40x300xf32, #tpu.memory_space<vmem>>, vector<16xf32>,
        tpu.vector_store %arg7[%swap3A_839, %swap3A_840, %swap3A_841], %exp3A_838 {strides = array<i32>} : memref<4x40x300xf32, #tpu.memory_space<vmem>>, vector<16xf32>,
        %sub3A_843 = vector.broadcast %squeeze3A_689 : f32 to vector<16xf32>
        %sub3A_844 = arith.subf %sub3A_843, %get3A_48 : vector<16xf32>
        %mul3A_845 = arith.mulf %sub3A_844, %sub3A_844 : vector<16xf32>
        %mul3A_846 = arith.mulf %div3A_7, %mul3A_845 : vector<16xf32>
        %exp3A_847 = math.exp %mul3A_846 : vector<16xf32>
        %swap3A_848 = arith.index_cast %rem3A_128 : i32 to index
        %swap3A_849 = arith.index_cast %add3A_687 : i32 to index
        %swap3A_850 = arith.constant 272 : index
        %swap3A_851 = tpu.vector_load %arg7[%swap3A_848, %swap3A_849, %swap3A_850] {strides = array<i32>} : memref<4x40x300xf32, #tpu.memory_space<vmem>>, vector<16xf32>,
        tpu.vector_store %arg7[%swap3A_848, %swap3A_849, %swap3A_850], %exp3A_847 {strides = array<i32>} : memref<4x40x300xf32, #tpu.memory_space<vmem>>, vector<16xf32>,
        %sub3A_852 = vector.broadcast %squeeze3A_689 : f32 to vector<16xf32>
        %sub3A_853 = arith.subf %sub3A_852, %get3A_50 : vector<16xf32>
        %mul3A_854 = arith.mulf %sub3A_853, %sub3A_853 : vector<16xf32>
        %mul3A_855 = arith.mulf %div3A_7, %mul3A_854 : vector<16xf32>
        %exp3A_856 = math.exp %mul3A_855 : vector<16xf32>
        %broadcast_in_dim3A_857 = vector.broadcast %rem3A_128 : i32 to vector<16xi32>
        %broadcast_in_dim3A_858 = vector.broadcast %add3A_687 : i32 to vector<16xi32>
        tpu.vector_store_idx %arg7[%broadcast_in_dim3A_857, %broadcast_in_dim3A_858, %add3A_10], %exp3A_856 masked %lt3A_12 : memref<4x40x300xf32, #tpu.memory_space<vmem>>[vector<16xi32>, vector<16xi32>, vector<16xi32>], vector<16xf32>, vector<16xi1>
        %mul3A_859 = arith.constant 8 : i32
        %mul3A_860 = arith.muli %scan3A_153, %mul3A_859 : i32
        %add3A_861 = arith.constant 4 : i32
        %add3A_862 = arith.addi %mul3A_860, %add3A_861 : i32
        %slice3A_863 = vector.extract_strided_slice %get3A_160 {offsets = [4], sizes = [1], strides = [1]} : vector<16xf32> to vector<1xf32>
        %squeeze3A_864 = vector.extract %slice3A_863[0] : f32 from vector<1xf32>
        %sub3A_865 = vector.broadcast %squeeze3A_864 : f32 to vector<16xf32>
        %sub3A_866 = arith.subf %sub3A_865, %get3A_14 : vector<16xf32>
        %mul3A_867 = arith.mulf %sub3A_866, %sub3A_866 : vector<16xf32>
        %mul3A_868 = arith.mulf %div3A_7, %mul3A_867 : vector<16xf32>
        %exp3A_869 = math.exp %mul3A_868 : vector<16xf32>
        %swap3A_870 = arith.index_cast %rem3A_128 : i32 to index
        %swap3A_871 = arith.index_cast %add3A_862 : i32 to index
        %swap3A_872 = arith.constant 0 : index
        %swap3A_873 = tpu.vector_load %arg7[%swap3A_870, %swap3A_871, %swap3A_872] {strides = array<i32>} : memref<4x40x300xf32, #tpu.memory_space<vmem>>, vector<16xf32>,
        tpu.vector_store %arg7[%swap3A_870, %swap3A_871, %swap3A_872], %exp3A_869 {strides = array<i32>} : memref<4x40x300xf32, #tpu.memory_space<vmem>>, vector<16xf32>,
        %sub3A_874 = vector.broadcast %squeeze3A_864 : f32 to vector<16xf32>
        %sub3A_875 = arith.subf %sub3A_874, %get3A_16 : vector<16xf32>
        %mul3A_876 = arith.mulf %sub3A_875, %sub3A_875 : vector<16xf32>
        %mul3A_877 = arith.mulf %div3A_7, %mul3A_876 : vector<16xf32>
        %exp3A_878 = math.exp %mul3A_877 : vector<16xf32>
        %swap3A_879 = arith.index_cast %rem3A_128 : i32 to index
        %swap3A_880 = arith.index_cast %add3A_862 : i32 to index
        %swap3A_881 = arith.constant 16 : index
        %swap3A_882 = tpu.vector_load %arg7[%swap3A_879, %swap3A_880, %swap3A_881] {strides = array<i32>} : memref<4x40x300xf32, #tpu.memory_space<vmem>>, vector<16xf32>,
        tpu.vector_store %arg7[%swap3A_879, %swap3A_880, %swap3A_881], %exp3A_878 {strides = array<i32>} : memref<4x40x300xf32, #tpu.memory_space<vmem>>, vector<16xf32>,
        %sub3A_883 = vector.broadcast %squeeze3A_864 : f32 to vector<16xf32>
        %sub3A_884 = arith.subf %sub3A_883, %get3A_18 : vector<16xf32>
        %mul3A_885 = arith.mulf %sub3A_884, %sub3A_884 : vector<16xf32>
        %mul3A_886 = arith.mulf %div3A_7, %mul3A_885 : vector<16xf32>
        %exp3A_887 = math.exp %mul3A_886 : vector<16xf32>
        %swap3A_888 = arith.index_cast %rem3A_128 : i32 to index
        %swap3A_889 = arith.index_cast %add3A_862 : i32 to index
        %swap3A_890 = arith.constant 32 : index
        %swap3A_891 = tpu.vector_load %arg7[%swap3A_888, %swap3A_889, %swap3A_890] {strides = array<i32>} : memref<4x40x300xf32, #tpu.memory_space<vmem>>, vector<16xf32>,
        tpu.vector_store %arg7[%swap3A_888, %swap3A_889, %swap3A_890], %exp3A_887 {strides = array<i32>} : memref<4x40x300xf32, #tpu.memory_space<vmem>>, vector<16xf32>,
        %sub3A_892 = vector.broadcast %squeeze3A_864 : f32 to vector<16xf32>
        %sub3A_893 = arith.subf %sub3A_892, %get3A_20 : vector<16xf32>
        %mul3A_894 = arith.mulf %sub3A_893, %sub3A_893 : vector<16xf32>
        %mul3A_895 = arith.mulf %div3A_7, %mul3A_894 : vector<16xf32>
        %exp3A_896 = math.exp %mul3A_895 : vector<16xf32>
        %swap3A_897 = arith.index_cast %rem3A_128 : i32 to index
        %swap3A_898 = arith.index_cast %add3A_862 : i32 to index
        %swap3A_899 = arith.constant 48 : index
        %swap3A_900 = tpu.vector_load %arg7[%swap3A_897, %swap3A_898, %swap3A_899] {strides = array<i32>} : memref<4x40x300xf32, #tpu.memory_space<vmem>>, vector<16xf32>,
        tpu.vector_store %arg7[%swap3A_897, %swap3A_898, %swap3A_899], %exp3A_896 {strides = array<i32>} : memref<4x40x300xf32, #tpu.memory_space<vmem>>, vector<16xf32>,
        %sub3A_901 = vector.broadcast %squeeze3A_864 : f32 to vector<16xf32>
        %sub3A_902 = arith.subf %sub3A_901, %get3A_22 : vector<16xf32>
        %mul3A_903 = arith.mulf %sub3A_902, %sub3A_902 : vector<16xf32>
        %mul3A_904 = arith.mulf %div3A_7, %mul3A_903 : vector<16xf32>
        %exp3A_905 = math.exp %mul3A_904 : vector<16xf32>
        %swap3A_906 = arith.index_cast %rem3A_128 : i32 to index
        %swap3A_907 = arith.index_cast %add3A_862 : i32 to index
        %swap3A_908 = arith.constant 64 : index
        %swap3A_909 = tpu.vector_load %arg7[%swap3A_906, %swap3A_907, %swap3A_908] {strides = array<i32>} : memref<4x40x300xf32, #tpu.memory_space<vmem>>, vector<16xf32>,
        tpu.vector_store %arg7[%swap3A_906, %swap3A_907, %swap3A_908], %exp3A_905 {strides = array<i32>} : memref<4x40x300xf32, #tpu.memory_space<vmem>>, vector<16xf32>,
        %sub3A_910 = vector.broadcast %squeeze3A_864 : f32 to vector<16xf32>
        %sub3A_911 = arith.subf %sub3A_910, %get3A_24 : vector<16xf32>
        %mul3A_912 = arith.mulf %sub3A_911, %sub3A_911 : vector<16xf32>
        %mul3A_913 = arith.mulf %div3A_7, %mul3A_912 : vector<16xf32>
        %exp3A_914 = math.exp %mul3A_913 : vector<16xf32>
        %swap3A_915 = arith.index_cast %rem3A_128 : i32 to index
        %swap3A_916 = arith.index_cast %add3A_862 : i32 to index
        %swap3A_917 = arith.constant 80 : index
        %swap3A_918 = tpu.vector_load %arg7[%swap3A_915, %swap3A_916, %swap3A_917] {strides = array<i32>} : memref<4x40x300xf32, #tpu.memory_space<vmem>>, vector<16xf32>,
        tpu.vector_store %arg7[%swap3A_915, %swap3A_916, %swap3A_917], %exp3A_914 {strides = array<i32>} : memref<4x40x300xf32, #tpu.memory_space<vmem>>, vector<16xf32>,
        %sub3A_919 = vector.broadcast %squeeze3A_864 : f32 to vector<16xf32>
        %sub3A_920 = arith.subf %sub3A_919, %get3A_26 : vector<16xf32>
        %mul3A_921 = arith.mulf %sub3A_920, %sub3A_920 : vector<16xf32>
        %mul3A_922 = arith.mulf %div3A_7, %mul3A_921 : vector<16xf32>
        %exp3A_923 = math.exp %mul3A_922 : vector<16xf32>
        %swap3A_924 = arith.index_cast %rem3A_128 : i32 to index
        %swap3A_925 = arith.index_cast %add3A_862 : i32 to index
        %swap3A_926 = arith.constant 96 : index
        %swap3A_927 = tpu.vector_load %arg7[%swap3A_924, %swap3A_925, %swap3A_926] {strides = array<i32>} : memref<4x40x300xf32, #tpu.memory_space<vmem>>, vector<16xf32>,
        tpu.vector_store %arg7[%swap3A_924, %swap3A_925, %swap3A_926], %exp3A_923 {strides = array<i32>} : memref<4x40x300xf32, #tpu.memory_space<vmem>>, vector<16xf32>,
        %sub3A_928 = vector.broadcast %squeeze3A_864 : f32 to vector<16xf32>
        %sub3A_929 = arith.subf %sub3A_928, %get3A_28 : vector<16xf32>
        %mul3A_930 = arith.mulf %sub3A_929, %sub3A_929 : vector<16xf32>
        %mul3A_931 = arith.mulf %div3A_7, %mul3A_930 : vector<16xf32>
        %exp3A_932 = math.exp %mul3A_931 : vector<16xf32>
        %swap3A_933 = arith.index_cast %rem3A_128 : i32 to index
        %swap3A_934 = arith.index_cast %add3A_862 : i32 to index
        %swap3A_935 = arith.constant 112 : index
        %swap3A_936 = tpu.vector_load %arg7[%swap3A_933, %swap3A_934, %swap3A_935] {strides = array<i32>} : memref<4x40x300xf32, #tpu.memory_space<vmem>>, vector<16xf32>,
        tpu.vector_store %arg7[%swap3A_933, %swap3A_934, %swap3A_935], %exp3A_932 {strides = array<i32>} : memref<4x40x300xf32, #tpu.memory_space<vmem>>, vector<16xf32>,
        %sub3A_937 = vector.broadcast %squeeze3A_864 : f32 to vector<16xf32>
        %sub3A_938 = arith.subf %sub3A_937, %get3A_30 : vector<16xf32>
        %mul3A_939 = arith.mulf %sub3A_938, %sub3A_938 : vector<16xf32>
        %mul3A_940 = arith.mulf %div3A_7, %mul3A_939 : vector<16xf32>
        %exp3A_941 = math.exp %mul3A_940 : vector<16xf32>
        %swap3A_942 = arith.index_cast %rem3A_128 : i32 to index
        %swap3A_943 = arith.index_cast %add3A_862 : i32 to index
        %swap3A_944 = arith.constant 128 : index
        %swap3A_945 = tpu.vector_load %arg7[%swap3A_942, %swap3A_943, %swap3A_944] {strides = array<i32>} : memref<4x40x300xf32, #tpu.memory_space<vmem>>, vector<16xf32>,
        tpu.vector_store %arg7[%swap3A_942, %swap3A_943, %swap3A_944], %exp3A_941 {strides = array<i32>} : memref<4x40x300xf32, #tpu.memory_space<vmem>>, vector<16xf32>,
        %sub3A_946 = vector.broadcast %squeeze3A_864 : f32 to vector<16xf32>
        %sub3A_947 = arith.subf %sub3A_946, %get3A_32 : vector<16xf32>
        %mul3A_948 = arith.mulf %sub3A_947, %sub3A_947 : vector<16xf32>
        %mul3A_949 = arith.mulf %div3A_7, %mul3A_948 : vector<16xf32>
        %exp3A_950 = math.exp %mul3A_949 : vector<16xf32>
        %swap3A_951 = arith.index_cast %rem3A_128 : i32 to index
        %swap3A_952 = arith.index_cast %add3A_862 : i32 to index
        %swap3A_953 = arith.constant 144 : index
        %swap3A_954 = tpu.vector_load %arg7[%swap3A_951, %swap3A_952, %swap3A_953] {strides = array<i32>} : memref<4x40x300xf32, #tpu.memory_space<vmem>>, vector<16xf32>,
        tpu.vector_store %arg7[%swap3A_951, %swap3A_952, %swap3A_953], %exp3A_950 {strides = array<i32>} : memref<4x40x300xf32, #tpu.memory_space<vmem>>, vector<16xf32>,
        %sub3A_955 = vector.broadcast %squeeze3A_864 : f32 to vector<16xf32>
        %sub3A_956 = arith.subf %sub3A_955, %get3A_34 : vector<16xf32>
        %mul3A_957 = arith.mulf %sub3A_956, %sub3A_956 : vector<16xf32>
        %mul3A_958 = arith.mulf %div3A_7, %mul3A_957 : vector<16xf32>
        %exp3A_959 = math.exp %mul3A_958 : vector<16xf32>
        %swap3A_960 = arith.index_cast %rem3A_128 : i32 to index
        %swap3A_961 = arith.index_cast %add3A_862 : i32 to index
        %swap3A_962 = arith.constant 160 : index
        %swap3A_963 = tpu.vector_load %arg7[%swap3A_960, %swap3A_961, %swap3A_962] {strides = array<i32>} : memref<4x40x300xf32, #tpu.memory_space<vmem>>, vector<16xf32>,
        tpu.vector_store %arg7[%swap3A_960, %swap3A_961, %swap3A_962], %exp3A_959 {strides = array<i32>} : memref<4x40x300xf32, #tpu.memory_space<vmem>>, vector<16xf32>,
        %sub3A_964 = vector.broadcast %squeeze3A_864 : f32 to vector<16xf32>
        %sub3A_965 = arith.subf %sub3A_964, %get3A_36 : vector<16xf32>
        %mul3A_966 = arith.mulf %sub3A_965, %sub3A_965 : vector<16xf32>
        %mul3A_967 = arith.mulf %div3A_7, %mul3A_966 : vector<16xf32>
        %exp3A_968 = math.exp %mul3A_967 : vector<16xf32>
        %swap3A_969 = arith.index_cast %rem3A_128 : i32 to index
        %swap3A_970 = arith.index_cast %add3A_862 : i32 to index
        %swap3A_971 = arith.constant 176 : index
        %swap3A_972 = tpu.vector_load %arg7[%swap3A_969, %swap3A_970, %swap3A_971] {strides = array<i32>} : memref<4x40x300xf32, #tpu.memory_space<vmem>>, vector<16xf32>,
        tpu.vector_store %arg7[%swap3A_969, %swap3A_970, %swap3A_971], %exp3A_968 {strides = array<i32>} : memref<4x40x300xf32, #tpu.memory_space<vmem>>, vector<16xf32>,
        %sub3A_973 = vector.broadcast %squeeze3A_864 : f32 to vector<16xf32>
        %sub3A_974 = arith.subf %sub3A_973, %get3A_38 : vector<16xf32>
        %mul3A_975 = arith.mulf %sub3A_974, %sub3A_974 : vector<16xf32>
        %mul3A_976 = arith.mulf %div3A_7, %mul3A_975 : vector<16xf32>
        %exp3A_977 = math.exp %mul3A_976 : vector<16xf32>
        %swap3A_978 = arith.index_cast %rem3A_128 : i32 to index
        %swap3A_979 = arith.index_cast %add3A_862 : i32 to index
        %swap3A_980 = arith.constant 192 : index
        %swap3A_981 = tpu.vector_load %arg7[%swap3A_978, %swap3A_979, %swap3A_980] {strides = array<i32>} : memref<4x40x300xf32, #tpu.memory_space<vmem>>, vector<16xf32>,
        tpu.vector_store %arg7[%swap3A_978, %swap3A_979, %swap3A_980], %exp3A_977 {strides = array<i32>} : memref<4x40x300xf32, #tpu.memory_space<vmem>>, vector<16xf32>,
        %sub3A_982 = vector.broadcast %squeeze3A_864 : f32 to vector<16xf32>
        %sub3A_983 = arith.subf %sub3A_982, %get3A_40 : vector<16xf32>
        %mul3A_984 = arith.mulf %sub3A_983, %sub3A_983 : vector<16xf32>
        %mul3A_985 = arith.mulf %div3A_7, %mul3A_984 : vector<16xf32>
        %exp3A_986 = math.exp %mul3A_985 : vector<16xf32>
        %swap3A_987 = arith.index_cast %rem3A_128 : i32 to index
        %swap3A_988 = arith.index_cast %add3A_862 : i32 to index
        %swap3A_989 = arith.constant 208 : index
        %swap3A_990 = tpu.vector_load %arg7[%swap3A_987, %swap3A_988, %swap3A_989] {strides = array<i32>} : memref<4x40x300xf32, #tpu.memory_space<vmem>>, vector<16xf32>,
        tpu.vector_store %arg7[%swap3A_987, %swap3A_988, %swap3A_989], %exp3A_986 {strides = array<i32>} : memref<4x40x300xf32, #tpu.memory_space<vmem>>, vector<16xf32>,
        %sub3A_991 = vector.broadcast %squeeze3A_864 : f32 to vector<16xf32>
        %sub3A_992 = arith.subf %sub3A_991, %get3A_42 : vector<16xf32>
        %mul3A_993 = arith.mulf %sub3A_992, %sub3A_992 : vector<16xf32>
        %mul3A_994 = arith.mulf %div3A_7, %mul3A_993 : vector<16xf32>
        %exp3A_995 = math.exp %mul3A_994 : vector<16xf32>
        %swap3A_996 = arith.index_cast %rem3A_128 : i32 to index
        %swap3A_997 = arith.index_cast %add3A_862 : i32 to index
        %swap3A_998 = arith.constant 224 : index
        %swap3A_999 = tpu.vector_load %arg7[%swap3A_996, %swap3A_997, %swap3A_998] {strides = array<i32>} : memref<4x40x300xf32, #tpu.memory_space<vmem>>, vector<16xf32>,
        tpu.vector_store %arg7[%swap3A_996, %swap3A_997, %swap3A_998], %exp3A_995 {strides = array<i32>} : memref<4x40x300xf32, #tpu.memory_space<vmem>>, vector<16xf32>,
        %sub3A_1000 = vector.broadcast %squeeze3A_864 : f32 to vector<16xf32>
        %sub3A_1001 = arith.subf %sub3A_1000, %get3A_44 : vector<16xf32>
        %mul3A_1002 = arith.mulf %sub3A_1001, %sub3A_1001 : vector<16xf32>
        %mul3A_1003 = arith.mulf %div3A_7, %mul3A_1002 : vector<16xf32>
        %exp3A_1004 = math.exp %mul3A_1003 : vector<16xf32>
        %swap3A_1005 = arith.index_cast %rem3A_128 : i32 to index
        %swap3A_1006 = arith.index_cast %add3A_862 : i32 to index
        %swap3A_1007 = arith.constant 240 : index
        %swap3A_1008 = tpu.vector_load %arg7[%swap3A_1005, %swap3A_1006, %swap3A_1007] {strides = array<i32>} : memref<4x40x300xf32, #tpu.memory_space<vmem>>, vector<16xf32>,
        tpu.vector_store %arg7[%swap3A_1005, %swap3A_1006, %swap3A_1007], %exp3A_1004 {strides = array<i32>} : memref<4x40x300xf32, #tpu.memory_space<vmem>>, vector<16xf32>,
        %sub3A_1009 = vector.broadcast %squeeze3A_864 : f32 to vector<16xf32>
        %sub3A_1010 = arith.subf %sub3A_1009, %get3A_46 : vector<16xf32>
        %mul3A_1011 = arith.mulf %sub3A_1010, %sub3A_1010 : vector<16xf32>
        %mul3A_1012 = arith.mulf %div3A_7, %mul3A_1011 : vector<16xf32>
        %exp3A_1013 = math.exp %mul3A_1012 : vector<16xf32>
        %swap3A_1014 = arith.index_cast %rem3A_128 : i32 to index
        %swap3A_1015 = arith.index_cast %add3A_862 : i32 to index
        %swap3A_1016 = arith.constant 256 : index
        %swap3A_1017 = tpu.vector_load %arg7[%swap3A_1014, %swap3A_1015, %swap3A_1016] {strides = array<i32>} : memref<4x40x300xf32, #tpu.memory_space<vmem>>, vector<16xf32>,
        tpu.vector_store %arg7[%swap3A_1014, %swap3A_1015, %swap3A_1016], %exp3A_1013 {strides = array<i32>} : memref<4x40x300xf32, #tpu.memory_space<vmem>>, vector<16xf32>,
        %sub3A_1018 = vector.broadcast %squeeze3A_864 : f32 to vector<16xf32>
        %sub3A_1019 = arith.subf %sub3A_1018, %get3A_48 : vector<16xf32>
        %mul3A_1020 = arith.mulf %sub3A_1019, %sub3A_1019 : vector<16xf32>
        %mul3A_1021 = arith.mulf %div3A_7, %mul3A_1020 : vector<16xf32>
        %exp3A_1022 = math.exp %mul3A_1021 : vector<16xf32>
        %swap3A_1023 = arith.index_cast %rem3A_128 : i32 to index
        %swap3A_1024 = arith.index_cast %add3A_862 : i32 to index
        %swap3A_1025 = arith.constant 272 : index
        %swap3A_1026 = tpu.vector_load %arg7[%swap3A_1023, %swap3A_1024, %swap3A_1025] {strides = array<i32>} : memref<4x40x300xf32, #tpu.memory_space<vmem>>, vector<16xf32>,
        tpu.vector_store %arg7[%swap3A_1023, %swap3A_1024, %swap3A_1025], %exp3A_1022 {strides = array<i32>} : memref<4x40x300xf32, #tpu.memory_space<vmem>>, vector<16xf32>,
        %sub3A_1027 = vector.broadcast %squeeze3A_864 : f32 to vector<16xf32>
        %sub3A_1028 = arith.subf %sub3A_1027, %get3A_50 : vector<16xf32>
        %mul3A_1029 = arith.mulf %sub3A_1028, %sub3A_1028 : vector<16xf32>
        %mul3A_1030 = arith.mulf %div3A_7, %mul3A_1029 : vector<16xf32>
        %exp3A_1031 = math.exp %mul3A_1030 : vector<16xf32>
        %broadcast_in_dim3A_1032 = vector.broadcast %rem3A_128 : i32 to vector<16xi32>
        %broadcast_in_dim3A_1033 = vector.broadcast %add3A_862 : i32 to vector<16xi32>
        tpu.vector_store_idx %arg7[%broadcast_in_dim3A_1032, %broadcast_in_dim3A_1033, %add3A_10], %exp3A_1031 masked %lt3A_12 : memref<4x40x300xf32, #tpu.memory_space<vmem>>[vector<16xi32>, vector<16xi32>, vector<16xi32>], vector<16xf32>, vector<16xi1>
        %mul3A_1034 = arith.constant 8 : i32
        %mul3A_1035 = arith.muli %scan3A_153, %mul3A_1034 : i32
        %add3A_1036 = arith.constant 5 : i32
        %add3A_1037 = arith.addi %mul3A_1035, %add3A_1036 : i32
        %slice3A_1038 = vector.extract_strided_slice %get3A_160 {offsets = [5], sizes = [1], strides = [1]} : vector<16xf32> to vector<1xf32>
        %squeeze3A_1039 = vector.extract %slice3A_1038[0] : f32 from vector<1xf32>
        %sub3A_1040 = vector.broadcast %squeeze3A_1039 : f32 to vector<16xf32>
        %sub3A_1041 = arith.subf %sub3A_1040, %get3A_14 : vector<16xf32>
        %mul3A_1042 = arith.mulf %sub3A_1041, %sub3A_1041 : vector<16xf32>
        %mul3A_1043 = arith.mulf %div3A_7, %mul3A_1042 : vector<16xf32>
        %exp3A_1044 = math.exp %mul3A_1043 : vector<16xf32>
        %swap3A_1045 = arith.index_cast %rem3A_128 : i32 to index
        %swap3A_1046 = arith.index_cast %add3A_1037 : i32 to index
        %swap3A_1047 = arith.constant 0 : index
        %swap3A_1048 = tpu.vector_load %arg7[%swap3A_1045, %swap3A_1046, %swap3A_1047] {strides = array<i32>} : memref<4x40x300xf32, #tpu.memory_space<vmem>>, vector<16xf32>,
        tpu.vector_store %arg7[%swap3A_1045, %swap3A_1046, %swap3A_1047], %exp3A_1044 {strides = array<i32>} : memref<4x40x300xf32, #tpu.memory_space<vmem>>, vector<16xf32>,
        %sub3A_1049 = vector.broadcast %squeeze3A_1039 : f32 to vector<16xf32>
        %sub3A_1050 = arith.subf %sub3A_1049, %get3A_16 : vector<16xf32>
        %mul3A_1051 = arith.mulf %sub3A_1050, %sub3A_1050 : vector<16xf32>
        %mul3A_1052 = arith.mulf %div3A_7, %mul3A_1051 : vector<16xf32>
        %exp3A_1053 = math.exp %mul3A_1052 : vector<16xf32>
        %swap3A_1054 = arith.index_cast %rem3A_128 : i32 to index
        %swap3A_1055 = arith.index_cast %add3A_1037 : i32 to index
        %swap3A_1056 = arith.constant 16 : index
        %swap3A_1057 = tpu.vector_load %arg7[%swap3A_1054, %swap3A_1055, %swap3A_1056] {strides = array<i32>} : memref<4x40x300xf32, #tpu.memory_space<vmem>>, vector<16xf32>,
        tpu.vector_store %arg7[%swap3A_1054, %swap3A_1055, %swap3A_1056], %exp3A_1053 {strides = array<i32>} : memref<4x40x300xf32, #tpu.memory_space<vmem>>, vector<16xf32>,
        %sub3A_1058 = vector.broadcast %squeeze3A_1039 : f32 to vector<16xf32>
        %sub3A_1059 = arith.subf %sub3A_1058, %get3A_18 : vector<16xf32>
        %mul3A_1060 = arith.mulf %sub3A_1059, %sub3A_1059 : vector<16xf32>
        %mul3A_1061 = arith.mulf %div3A_7, %mul3A_1060 : vector<16xf32>
        %exp3A_1062 = math.exp %mul3A_1061 : vector<16xf32>
        %swap3A_1063 = arith.index_cast %rem3A_128 : i32 to index
        %swap3A_1064 = arith.index_cast %add3A_1037 : i32 to index
        %swap3A_1065 = arith.constant 32 : index
        %swap3A_1066 = tpu.vector_load %arg7[%swap3A_1063, %swap3A_1064, %swap3A_1065] {strides = array<i32>} : memref<4x40x300xf32, #tpu.memory_space<vmem>>, vector<16xf32>,
        tpu.vector_store %arg7[%swap3A_1063, %swap3A_1064, %swap3A_1065], %exp3A_1062 {strides = array<i32>} : memref<4x40x300xf32, #tpu.memory_space<vmem>>, vector<16xf32>,
        %sub3A_1067 = vector.broadcast %squeeze3A_1039 : f32 to vector<16xf32>
        %sub3A_1068 = arith.subf %sub3A_1067, %get3A_20 : vector<16xf32>
        %mul3A_1069 = arith.mulf %sub3A_1068, %sub3A_1068 : vector<16xf32>
        %mul3A_1070 = arith.mulf %div3A_7, %mul3A_1069 : vector<16xf32>
        %exp3A_1071 = math.exp %mul3A_1070 : vector<16xf32>
        %swap3A_1072 = arith.index_cast %rem3A_128 : i32 to index
        %swap3A_1073 = arith.index_cast %add3A_1037 : i32 to index
        %swap3A_1074 = arith.constant 48 : index
        %swap3A_1075 = tpu.vector_load %arg7[%swap3A_1072, %swap3A_1073, %swap3A_1074] {strides = array<i32>} : memref<4x40x300xf32, #tpu.memory_space<vmem>>, vector<16xf32>,
        tpu.vector_store %arg7[%swap3A_1072, %swap3A_1073, %swap3A_1074], %exp3A_1071 {strides = array<i32>} : memref<4x40x300xf32, #tpu.memory_space<vmem>>, vector<16xf32>,
        %sub3A_1076 = vector.broadcast %squeeze3A_1039 : f32 to vector<16xf32>
        %sub3A_1077 = arith.subf %sub3A_1076, %get3A_22 : vector<16xf32>
        %mul3A_1078 = arith.mulf %sub3A_1077, %sub3A_1077 : vector<16xf32>
        %mul3A_1079 = arith.mulf %div3A_7, %mul3A_1078 : vector<16xf32>
        %exp3A_1080 = math.exp %mul3A_1079 : vector<16xf32>
        %swap3A_1081 = arith.index_cast %rem3A_128 : i32 to index
        %swap3A_1082 = arith.index_cast %add3A_1037 : i32 to index
        %swap3A_1083 = arith.constant 64 : index
        %swap3A_1084 = tpu.vector_load %arg7[%swap3A_1081, %swap3A_1082, %swap3A_1083] {strides = array<i32>} : memref<4x40x300xf32, #tpu.memory_space<vmem>>, vector<16xf32>,
        tpu.vector_store %arg7[%swap3A_1081, %swap3A_1082, %swap3A_1083], %exp3A_1080 {strides = array<i32>} : memref<4x40x300xf32, #tpu.memory_space<vmem>>, vector<16xf32>,
        %sub3A_1085 = vector.broadcast %squeeze3A_1039 : f32 to vector<16xf32>
        %sub3A_1086 = arith.subf %sub3A_1085, %get3A_24 : vector<16xf32>
        %mul3A_1087 = arith.mulf %sub3A_1086, %sub3A_1086 : vector<16xf32>
        %mul3A_1088 = arith.mulf %div3A_7, %mul3A_1087 : vector<16xf32>
        %exp3A_1089 = math.exp %mul3A_1088 : vector<16xf32>
        %swap3A_1090 = arith.index_cast %rem3A_128 : i32 to index
        %swap3A_1091 = arith.index_cast %add3A_1037 : i32 to index
        %swap3A_1092 = arith.constant 80 : index
        %swap3A_1093 = tpu.vector_load %arg7[%swap3A_1090, %swap3A_1091, %swap3A_1092] {strides = array<i32>} : memref<4x40x300xf32, #tpu.memory_space<vmem>>, vector<16xf32>,
        tpu.vector_store %arg7[%swap3A_1090, %swap3A_1091, %swap3A_1092], %exp3A_1089 {strides = array<i32>} : memref<4x40x300xf32, #tpu.memory_space<vmem>>, vector<16xf32>,
        %sub3A_1094 = vector.broadcast %squeeze3A_1039 : f32 to vector<16xf32>
        %sub3A_1095 = arith.subf %sub3A_1094, %get3A_26 : vector<16xf32>
        %mul3A_1096 = arith.mulf %sub3A_1095, %sub3A_1095 : vector<16xf32>
        %mul3A_1097 = arith.mulf %div3A_7, %mul3A_1096 : vector<16xf32>
        %exp3A_1098 = math.exp %mul3A_1097 : vector<16xf32>
        %swap3A_1099 = arith.index_cast %rem3A_128 : i32 to index
        %swap3A_1100 = arith.index_cast %add3A_1037 : i32 to index
        %swap3A_1101 = arith.constant 96 : index
        %swap3A_1102 = tpu.vector_load %arg7[%swap3A_1099, %swap3A_1100, %swap3A_1101] {strides = array<i32>} : memref<4x40x300xf32, #tpu.memory_space<vmem>>, vector<16xf32>,
        tpu.vector_store %arg7[%swap3A_1099, %swap3A_1100, %swap3A_1101], %exp3A_1098 {strides = array<i32>} : memref<4x40x300xf32, #tpu.memory_space<vmem>>, vector<16xf32>,
        %sub3A_1103 = vector.broadcast %squeeze3A_1039 : f32 to vector<16xf32>
        %sub3A_1104 = arith.subf %sub3A_1103, %get3A_28 : vector<16xf32>
        %mul3A_1105 = arith.mulf %sub3A_1104, %sub3A_1104 : vector<16xf32>
        %mul3A_1106 = arith.mulf %div3A_7, %mul3A_1105 : vector<16xf32>
        %exp3A_1107 = math.exp %mul3A_1106 : vector<16xf32>
        %swap3A_1108 = arith.index_cast %rem3A_128 : i32 to index
        %swap3A_1109 = arith.index_cast %add3A_1037 : i32 to index
        %swap3A_1110 = arith.constant 112 : index
        %swap3A_1111 = tpu.vector_load %arg7[%swap3A_1108, %swap3A_1109, %swap3A_1110] {strides = array<i32>} : memref<4x40x300xf32, #tpu.memory_space<vmem>>, vector<16xf32>,
        tpu.vector_store %arg7[%swap3A_1108, %swap3A_1109, %swap3A_1110], %exp3A_1107 {strides = array<i32>} : memref<4x40x300xf32, #tpu.memory_space<vmem>>, vector<16xf32>,
        %sub3A_1112 = vector.broadcast %squeeze3A_1039 : f32 to vector<16xf32>
        %sub3A_1113 = arith.subf %sub3A_1112, %get3A_30 : vector<16xf32>
        %mul3A_1114 = arith.mulf %sub3A_1113, %sub3A_1113 : vector<16xf32>
        %mul3A_1115 = arith.mulf %div3A_7, %mul3A_1114 : vector<16xf32>
        %exp3A_1116 = math.exp %mul3A_1115 : vector<16xf32>
        %swap3A_1117 = arith.index_cast %rem3A_128 : i32 to index
        %swap3A_1118 = arith.index_cast %add3A_1037 : i32 to index
        %swap3A_1119 = arith.constant 128 : index
        %swap3A_1120 = tpu.vector_load %arg7[%swap3A_1117, %swap3A_1118, %swap3A_1119] {strides = array<i32>} : memref<4x40x300xf32, #tpu.memory_space<vmem>>, vector<16xf32>,
        tpu.vector_store %arg7[%swap3A_1117, %swap3A_1118, %swap3A_1119], %exp3A_1116 {strides = array<i32>} : memref<4x40x300xf32, #tpu.memory_space<vmem>>, vector<16xf32>,
        %sub3A_1121 = vector.broadcast %squeeze3A_1039 : f32 to vector<16xf32>
        %sub3A_1122 = arith.subf %sub3A_1121, %get3A_32 : vector<16xf32>
        %mul3A_1123 = arith.mulf %sub3A_1122, %sub3A_1122 : vector<16xf32>
        %mul3A_1124 = arith.mulf %div3A_7, %mul3A_1123 : vector<16xf32>
        %exp3A_1125 = math.exp %mul3A_1124 : vector<16xf32>
        %swap3A_1126 = arith.index_cast %rem3A_128 : i32 to index
        %swap3A_1127 = arith.index_cast %add3A_1037 : i32 to index
        %swap3A_1128 = arith.constant 144 : index
        %swap3A_1129 = tpu.vector_load %arg7[%swap3A_1126, %swap3A_1127, %swap3A_1128] {strides = array<i32>} : memref<4x40x300xf32, #tpu.memory_space<vmem>>, vector<16xf32>,
        tpu.vector_store %arg7[%swap3A_1126, %swap3A_1127, %swap3A_1128], %exp3A_1125 {strides = array<i32>} : memref<4x40x300xf32, #tpu.memory_space<vmem>>, vector<16xf32>,
        %sub3A_1130 = vector.broadcast %squeeze3A_1039 : f32 to vector<16xf32>
        %sub3A_1131 = arith.subf %sub3A_1130, %get3A_34 : vector<16xf32>
        %mul3A_1132 = arith.mulf %sub3A_1131, %sub3A_1131 : vector<16xf32>
        %mul3A_1133 = arith.mulf %div3A_7, %mul3A_1132 : vector<16xf32>
        %exp3A_1134 = math.exp %mul3A_1133 : vector<16xf32>
        %swap3A_1135 = arith.index_cast %rem3A_128 : i32 to index
        %swap3A_1136 = arith.index_cast %add3A_1037 : i32 to index
        %swap3A_1137 = arith.constant 160 : index
        %swap3A_1138 = tpu.vector_load %arg7[%swap3A_1135, %swap3A_1136, %swap3A_1137] {strides = array<i32>} : memref<4x40x300xf32, #tpu.memory_space<vmem>>, vector<16xf32>,
        tpu.vector_store %arg7[%swap3A_1135, %swap3A_1136, %swap3A_1137], %exp3A_1134 {strides = array<i32>} : memref<4x40x300xf32, #tpu.memory_space<vmem>>, vector<16xf32>,
        %sub3A_1139 = vector.broadcast %squeeze3A_1039 : f32 to vector<16xf32>
        %sub3A_1140 = arith.subf %sub3A_1139, %get3A_36 : vector<16xf32>
        %mul3A_1141 = arith.mulf %sub3A_1140, %sub3A_1140 : vector<16xf32>
        %mul3A_1142 = arith.mulf %div3A_7, %mul3A_1141 : vector<16xf32>
        %exp3A_1143 = math.exp %mul3A_1142 : vector<16xf32>
        %swap3A_1144 = arith.index_cast %rem3A_128 : i32 to index
        %swap3A_1145 = arith.index_cast %add3A_1037 : i32 to index
        %swap3A_1146 = arith.constant 176 : index
        %swap3A_1147 = tpu.vector_load %arg7[%swap3A_1144, %swap3A_1145, %swap3A_1146] {strides = array<i32>} : memref<4x40x300xf32, #tpu.memory_space<vmem>>, vector<16xf32>,
        tpu.vector_store %arg7[%swap3A_1144, %swap3A_1145, %swap3A_1146], %exp3A_1143 {strides = array<i32>} : memref<4x40x300xf32, #tpu.memory_space<vmem>>, vector<16xf32>,
        %sub3A_1148 = vector.broadcast %squeeze3A_1039 : f32 to vector<16xf32>
        %sub3A_1149 = arith.subf %sub3A_1148, %get3A_38 : vector<16xf32>
        %mul3A_1150 = arith.mulf %sub3A_1149, %sub3A_1149 : vector<16xf32>
        %mul3A_1151 = arith.mulf %div3A_7, %mul3A_1150 : vector<16xf32>
        %exp3A_1152 = math.exp %mul3A_1151 : vector<16xf32>
        %swap3A_1153 = arith.index_cast %rem3A_128 : i32 to index
        %swap3A_1154 = arith.index_cast %add3A_1037 : i32 to index
        %swap3A_1155 = arith.constant 192 : index
        %swap3A_1156 = tpu.vector_load %arg7[%swap3A_1153, %swap3A_1154, %swap3A_1155] {strides = array<i32>} : memref<4x40x300xf32, #tpu.memory_space<vmem>>, vector<16xf32>,
        tpu.vector_store %arg7[%swap3A_1153, %swap3A_1154, %swap3A_1155], %exp3A_1152 {strides = array<i32>} : memref<4x40x300xf32, #tpu.memory_space<vmem>>, vector<16xf32>,
        %sub3A_1157 = vector.broadcast %squeeze3A_1039 : f32 to vector<16xf32>
        %sub3A_1158 = arith.subf %sub3A_1157, %get3A_40 : vector<16xf32>
        %mul3A_1159 = arith.mulf %sub3A_1158, %sub3A_1158 : vector<16xf32>
        %mul3A_1160 = arith.mulf %div3A_7, %mul3A_1159 : vector<16xf32>
        %exp3A_1161 = math.exp %mul3A_1160 : vector<16xf32>
        %swap3A_1162 = arith.index_cast %rem3A_128 : i32 to index
        %swap3A_1163 = arith.index_cast %add3A_1037 : i32 to index
        %swap3A_1164 = arith.constant 208 : index
        %swap3A_1165 = tpu.vector_load %arg7[%swap3A_1162, %swap3A_1163, %swap3A_1164] {strides = array<i32>} : memref<4x40x300xf32, #tpu.memory_space<vmem>>, vector<16xf32>,
        tpu.vector_store %arg7[%swap3A_1162, %swap3A_1163, %swap3A_1164], %exp3A_1161 {strides = array<i32>} : memref<4x40x300xf32, #tpu.memory_space<vmem>>, vector<16xf32>,
        %sub3A_1166 = vector.broadcast %squeeze3A_1039 : f32 to vector<16xf32>
        %sub3A_1167 = arith.subf %sub3A_1166, %get3A_42 : vector<16xf32>
        %mul3A_1168 = arith.mulf %sub3A_1167, %sub3A_1167 : vector<16xf32>
        %mul3A_1169 = arith.mulf %div3A_7, %mul3A_1168 : vector<16xf32>
        %exp3A_1170 = math.exp %mul3A_1169 : vector<16xf32>
        %swap3A_1171 = arith.index_cast %rem3A_128 : i32 to index
        %swap3A_1172 = arith.index_cast %add3A_1037 : i32 to index
        %swap3A_1173 = arith.constant 224 : index
        %swap3A_1174 = tpu.vector_load %arg7[%swap3A_1171, %swap3A_1172, %swap3A_1173] {strides = array<i32>} : memref<4x40x300xf32, #tpu.memory_space<vmem>>, vector<16xf32>,
        tpu.vector_store %arg7[%swap3A_1171, %swap3A_1172, %swap3A_1173], %exp3A_1170 {strides = array<i32>} : memref<4x40x300xf32, #tpu.memory_space<vmem>>, vector<16xf32>,
        %sub3A_1175 = vector.broadcast %squeeze3A_1039 : f32 to vector<16xf32>
        %sub3A_1176 = arith.subf %sub3A_1175, %get3A_44 : vector<16xf32>
        %mul3A_1177 = arith.mulf %sub3A_1176, %sub3A_1176 : vector<16xf32>
        %mul3A_1178 = arith.mulf %div3A_7, %mul3A_1177 : vector<16xf32>
        %exp3A_1179 = math.exp %mul3A_1178 : vector<16xf32>
        %swap3A_1180 = arith.index_cast %rem3A_128 : i32 to index
        %swap3A_1181 = arith.index_cast %add3A_1037 : i32 to index
        %swap3A_1182 = arith.constant 240 : index
        %swap3A_1183 = tpu.vector_load %arg7[%swap3A_1180, %swap3A_1181, %swap3A_1182] {strides = array<i32>} : memref<4x40x300xf32, #tpu.memory_space<vmem>>, vector<16xf32>,
        tpu.vector_store %arg7[%swap3A_1180, %swap3A_1181, %swap3A_1182], %exp3A_1179 {strides = array<i32>} : memref<4x40x300xf32, #tpu.memory_space<vmem>>, vector<16xf32>,
        %sub3A_1184 = vector.broadcast %squeeze3A_1039 : f32 to vector<16xf32>
        %sub3A_1185 = arith.subf %sub3A_1184, %get3A_46 : vector<16xf32>
        %mul3A_1186 = arith.mulf %sub3A_1185, %sub3A_1185 : vector<16xf32>
        %mul3A_1187 = arith.mulf %div3A_7, %mul3A_1186 : vector<16xf32>
        %exp3A_1188 = math.exp %mul3A_1187 : vector<16xf32>
        %swap3A_1189 = arith.index_cast %rem3A_128 : i32 to index
        %swap3A_1190 = arith.index_cast %add3A_1037 : i32 to index
        %swap3A_1191 = arith.constant 256 : index
        %swap3A_1192 = tpu.vector_load %arg7[%swap3A_1189, %swap3A_1190, %swap3A_1191] {strides = array<i32>} : memref<4x40x300xf32, #tpu.memory_space<vmem>>, vector<16xf32>,
        tpu.vector_store %arg7[%swap3A_1189, %swap3A_1190, %swap3A_1191], %exp3A_1188 {strides = array<i32>} : memref<4x40x300xf32, #tpu.memory_space<vmem>>, vector<16xf32>,
        %sub3A_1193 = vector.broadcast %squeeze3A_1039 : f32 to vector<16xf32>
        %sub3A_1194 = arith.subf %sub3A_1193, %get3A_48 : vector<16xf32>
        %mul3A_1195 = arith.mulf %sub3A_1194, %sub3A_1194 : vector<16xf32>
        %mul3A_1196 = arith.mulf %div3A_7, %mul3A_1195 : vector<16xf32>
        %exp3A_1197 = math.exp %mul3A_1196 : vector<16xf32>
        %swap3A_1198 = arith.index_cast %rem3A_128 : i32 to index
        %swap3A_1199 = arith.index_cast %add3A_1037 : i32 to index
        %swap3A_1200 = arith.constant 272 : index
        %swap3A_1201 = tpu.vector_load %arg7[%swap3A_1198, %swap3A_1199, %swap3A_1200] {strides = array<i32>} : memref<4x40x300xf32, #tpu.memory_space<vmem>>, vector<16xf32>,
        tpu.vector_store %arg7[%swap3A_1198, %swap3A_1199, %swap3A_1200], %exp3A_1197 {strides = array<i32>} : memref<4x40x300xf32, #tpu.memory_space<vmem>>, vector<16xf32>,
        %sub3A_1202 = vector.broadcast %squeeze3A_1039 : f32 to vector<16xf32>
        %sub3A_1203 = arith.subf %sub3A_1202, %get3A_50 : vector<16xf32>
        %mul3A_1204 = arith.mulf %sub3A_1203, %sub3A_1203 : vector<16xf32>
        %mul3A_1205 = arith.mulf %div3A_7, %mul3A_1204 : vector<16xf32>
        %exp3A_1206 = math.exp %mul3A_1205 : vector<16xf32>
        %broadcast_in_dim3A_1207 = vector.broadcast %rem3A_128 : i32 to vector<16xi32>
        %broadcast_in_dim3A_1208 = vector.broadcast %add3A_1037 : i32 to vector<16xi32>
        tpu.vector_store_idx %arg7[%broadcast_in_dim3A_1207, %broadcast_in_dim3A_1208, %add3A_10], %exp3A_1206 masked %lt3A_12 : memref<4x40x300xf32, #tpu.memory_space<vmem>>[vector<16xi32>, vector<16xi32>, vector<16xi32>], vector<16xf32>, vector<16xi1>
        %mul3A_1209 = arith.constant 8 : i32
        %mul3A_1210 = arith.muli %scan3A_153, %mul3A_1209 : i32
        %add3A_1211 = arith.constant 6 : i32
        %add3A_1212 = arith.addi %mul3A_1210, %add3A_1211 : i32
        %slice3A_1213 = vector.extract_strided_slice %get3A_160 {offsets = [6], sizes = [1], strides = [1]} : vector<16xf32> to vector<1xf32>
        %squeeze3A_1214 = vector.extract %slice3A_1213[0] : f32 from vector<1xf32>
        %sub3A_1215 = vector.broadcast %squeeze3A_1214 : f32 to vector<16xf32>
        %sub3A_1216 = arith.subf %sub3A_1215, %get3A_14 : vector<16xf32>
        %mul3A_1217 = arith.mulf %sub3A_1216, %sub3A_1216 : vector<16xf32>
        %mul3A_1218 = arith.mulf %div3A_7, %mul3A_1217 : vector<16xf32>
        %exp3A_1219 = math.exp %mul3A_1218 : vector<16xf32>
        %swap3A_1220 = arith.index_cast %rem3A_128 : i32 to index
        %swap3A_1221 = arith.index_cast %add3A_1212 : i32 to index
        %swap3A_1222 = arith.constant 0 : index
        %swap3A_1223 = tpu.vector_load %arg7[%swap3A_1220, %swap3A_1221, %swap3A_1222] {strides = array<i32>} : memref<4x40x300xf32, #tpu.memory_space<vmem>>, vector<16xf32>,
        tpu.vector_store %arg7[%swap3A_1220, %swap3A_1221, %swap3A_1222], %exp3A_1219 {strides = array<i32>} : memref<4x40x300xf32, #tpu.memory_space<vmem>>, vector<16xf32>,
        %sub3A_1224 = vector.broadcast %squeeze3A_1214 : f32 to vector<16xf32>
        %sub3A_1225 = arith.subf %sub3A_1224, %get3A_16 : vector<16xf32>
        %mul3A_1226 = arith.mulf %sub3A_1225, %sub3A_1225 : vector<16xf32>
        %mul3A_1227 = arith.mulf %div3A_7, %mul3A_1226 : vector<16xf32>
        %exp3A_1228 = math.exp %mul3A_1227 : vector<16xf32>
        %swap3A_1229 = arith.index_cast %rem3A_128 : i32 to index
        %swap3A_1230 = arith.index_cast %add3A_1212 : i32 to index
        %swap3A_1231 = arith.constant 16 : index
        %swap3A_1232 = tpu.vector_load %arg7[%swap3A_1229, %swap3A_1230, %swap3A_1231] {strides = array<i32>} : memref<4x40x300xf32, #tpu.memory_space<vmem>>, vector<16xf32>,
        tpu.vector_store %arg7[%swap3A_1229, %swap3A_1230, %swap3A_1231], %exp3A_1228 {strides = array<i32>} : memref<4x40x300xf32, #tpu.memory_space<vmem>>, vector<16xf32>,
        %sub3A_1233 = vector.broadcast %squeeze3A_1214 : f32 to vector<16xf32>
        %sub3A_1234 = arith.subf %sub3A_1233, %get3A_18 : vector<16xf32>
        %mul3A_1235 = arith.mulf %sub3A_1234, %sub3A_1234 : vector<16xf32>
        %mul3A_1236 = arith.mulf %div3A_7, %mul3A_1235 : vector<16xf32>
        %exp3A_1237 = math.exp %mul3A_1236 : vector<16xf32>
        %swap3A_1238 = arith.index_cast %rem3A_128 : i32 to index
        %swap3A_1239 = arith.index_cast %add3A_1212 : i32 to index
        %swap3A_1240 = arith.constant 32 : index
        %swap3A_1241 = tpu.vector_load %arg7[%swap3A_1238, %swap3A_1239, %swap3A_1240] {strides = array<i32>} : memref<4x40x300xf32, #tpu.memory_space<vmem>>, vector<16xf32>,
        tpu.vector_store %arg7[%swap3A_1238, %swap3A_1239, %swap3A_1240], %exp3A_1237 {strides = array<i32>} : memref<4x40x300xf32, #tpu.memory_space<vmem>>, vector<16xf32>,
        %sub3A_1242 = vector.broadcast %squeeze3A_1214 : f32 to vector<16xf32>
        %sub3A_1243 = arith.subf %sub3A_1242, %get3A_20 : vector<16xf32>
        %mul3A_1244 = arith.mulf %sub3A_1243, %sub3A_1243 : vector<16xf32>
        %mul3A_1245 = arith.mulf %div3A_7, %mul3A_1244 : vector<16xf32>
        %exp3A_1246 = math.exp %mul3A_1245 : vector<16xf32>
        %swap3A_1247 = arith.index_cast %rem3A_128 : i32 to index
        %swap3A_1248 = arith.index_cast %add3A_1212 : i32 to index
        %swap3A_1249 = arith.constant 48 : index
        %swap3A_1250 = tpu.vector_load %arg7[%swap3A_1247, %swap3A_1248, %swap3A_1249] {strides = array<i32>} : memref<4x40x300xf32, #tpu.memory_space<vmem>>, vector<16xf32>,
        tpu.vector_store %arg7[%swap3A_1247, %swap3A_1248, %swap3A_1249], %exp3A_1246 {strides = array<i32>} : memref<4x40x300xf32, #tpu.memory_space<vmem>>, vector<16xf32>,
        %sub3A_1251 = vector.broadcast %squeeze3A_1214 : f32 to vector<16xf32>
        %sub3A_1252 = arith.subf %sub3A_1251, %get3A_22 : vector<16xf32>
        %mul3A_1253 = arith.mulf %sub3A_1252, %sub3A_1252 : vector<16xf32>
        %mul3A_1254 = arith.mulf %div3A_7, %mul3A_1253 : vector<16xf32>
        %exp3A_1255 = math.exp %mul3A_1254 : vector<16xf32>
        %swap3A_1256 = arith.index_cast %rem3A_128 : i32 to index
        %swap3A_1257 = arith.index_cast %add3A_1212 : i32 to index
        %swap3A_1258 = arith.constant 64 : index
        %swap3A_1259 = tpu.vector_load %arg7[%swap3A_1256, %swap3A_1257, %swap3A_1258] {strides = array<i32>} : memref<4x40x300xf32, #tpu.memory_space<vmem>>, vector<16xf32>,
        tpu.vector_store %arg7[%swap3A_1256, %swap3A_1257, %swap3A_1258], %exp3A_1255 {strides = array<i32>} : memref<4x40x300xf32, #tpu.memory_space<vmem>>, vector<16xf32>,
        %sub3A_1260 = vector.broadcast %squeeze3A_1214 : f32 to vector<16xf32>
        %sub3A_1261 = arith.subf %sub3A_1260, %get3A_24 : vector<16xf32>
        %mul3A_1262 = arith.mulf %sub3A_1261, %sub3A_1261 : vector<16xf32>
        %mul3A_1263 = arith.mulf %div3A_7, %mul3A_1262 : vector<16xf32>
        %exp3A_1264 = math.exp %mul3A_1263 : vector<16xf32>
        %swap3A_1265 = arith.index_cast %rem3A_128 : i32 to index
        %swap3A_1266 = arith.index_cast %add3A_1212 : i32 to index
        %swap3A_1267 = arith.constant 80 : index
        %swap3A_1268 = tpu.vector_load %arg7[%swap3A_1265, %swap3A_1266, %swap3A_1267] {strides = array<i32>} : memref<4x40x300xf32, #tpu.memory_space<vmem>>, vector<16xf32>,
        tpu.vector_store %arg7[%swap3A_1265, %swap3A_1266, %swap3A_1267], %exp3A_1264 {strides = array<i32>} : memref<4x40x300xf32, #tpu.memory_space<vmem>>, vector<16xf32>,
        %sub3A_1269 = vector.broadcast %squeeze3A_1214 : f32 to vector<16xf32>
        %sub3A_1270 = arith.subf %sub3A_1269, %get3A_26 : vector<16xf32>
        %mul3A_1271 = arith.mulf %sub3A_1270, %sub3A_1270 : vector<16xf32>
        %mul3A_1272 = arith.mulf %div3A_7, %mul3A_1271 : vector<16xf32>
        %exp3A_1273 = math.exp %mul3A_1272 : vector<16xf32>
        %swap3A_1274 = arith.index_cast %rem3A_128 : i32 to index
        %swap3A_1275 = arith.index_cast %add3A_1212 : i32 to index
        %swap3A_1276 = arith.constant 96 : index
        %swap3A_1277 = tpu.vector_load %arg7[%swap3A_1274, %swap3A_1275, %swap3A_1276] {strides = array<i32>} : memref<4x40x300xf32, #tpu.memory_space<vmem>>, vector<16xf32>,
        tpu.vector_store %arg7[%swap3A_1274, %swap3A_1275, %swap3A_1276], %exp3A_1273 {strides = array<i32>} : memref<4x40x300xf32, #tpu.memory_space<vmem>>, vector<16xf32>,
        %sub3A_1278 = vector.broadcast %squeeze3A_1214 : f32 to vector<16xf32>
        %sub3A_1279 = arith.subf %sub3A_1278, %get3A_28 : vector<16xf32>
        %mul3A_1280 = arith.mulf %sub3A_1279, %sub3A_1279 : vector<16xf32>
        %mul3A_1281 = arith.mulf %div3A_7, %mul3A_1280 : vector<16xf32>
        %exp3A_1282 = math.exp %mul3A_1281 : vector<16xf32>
        %swap3A_1283 = arith.index_cast %rem3A_128 : i32 to index
        %swap3A_1284 = arith.index_cast %add3A_1212 : i32 to index
        %swap3A_1285 = arith.constant 112 : index
        %swap3A_1286 = tpu.vector_load %arg7[%swap3A_1283, %swap3A_1284, %swap3A_1285] {strides = array<i32>} : memref<4x40x300xf32, #tpu.memory_space<vmem>>, vector<16xf32>,
        tpu.vector_store %arg7[%swap3A_1283, %swap3A_1284, %swap3A_1285], %exp3A_1282 {strides = array<i32>} : memref<4x40x300xf32, #tpu.memory_space<vmem>>, vector<16xf32>,
        %sub3A_1287 = vector.broadcast %squeeze3A_1214 : f32 to vector<16xf32>
        %sub3A_1288 = arith.subf %sub3A_1287, %get3A_30 : vector<16xf32>
        %mul3A_1289 = arith.mulf %sub3A_1288, %sub3A_1288 : vector<16xf32>
        %mul3A_1290 = arith.mulf %div3A_7, %mul3A_1289 : vector<16xf32>
        %exp3A_1291 = math.exp %mul3A_1290 : vector<16xf32>
        %swap3A_1292 = arith.index_cast %rem3A_128 : i32 to index
        %swap3A_1293 = arith.index_cast %add3A_1212 : i32 to index
        %swap3A_1294 = arith.constant 128 : index
        %swap3A_1295 = tpu.vector_load %arg7[%swap3A_1292, %swap3A_1293, %swap3A_1294] {strides = array<i32>} : memref<4x40x300xf32, #tpu.memory_space<vmem>>, vector<16xf32>,
        tpu.vector_store %arg7[%swap3A_1292, %swap3A_1293, %swap3A_1294], %exp3A_1291 {strides = array<i32>} : memref<4x40x300xf32, #tpu.memory_space<vmem>>, vector<16xf32>,
        %sub3A_1296 = vector.broadcast %squeeze3A_1214 : f32 to vector<16xf32>
        %sub3A_1297 = arith.subf %sub3A_1296, %get3A_32 : vector<16xf32>
        %mul3A_1298 = arith.mulf %sub3A_1297, %sub3A_1297 : vector<16xf32>
        %mul3A_1299 = arith.mulf %div3A_7, %mul3A_1298 : vector<16xf32>
        %exp3A_1300 = math.exp %mul3A_1299 : vector<16xf32>
        %swap3A_1301 = arith.index_cast %rem3A_128 : i32 to index
        %swap3A_1302 = arith.index_cast %add3A_1212 : i32 to index
        %swap3A_1303 = arith.constant 144 : index
        %swap3A_1304 = tpu.vector_load %arg7[%swap3A_1301, %swap3A_1302, %swap3A_1303] {strides = array<i32>} : memref<4x40x300xf32, #tpu.memory_space<vmem>>, vector<16xf32>,
        tpu.vector_store %arg7[%swap3A_1301, %swap3A_1302, %swap3A_1303], %exp3A_1300 {strides = array<i32>} : memref<4x40x300xf32, #tpu.memory_space<vmem>>, vector<16xf32>,
        %sub3A_1305 = vector.broadcast %squeeze3A_1214 : f32 to vector<16xf32>
        %sub3A_1306 = arith.subf %sub3A_1305, %get3A_34 : vector<16xf32>
        %mul3A_1307 = arith.mulf %sub3A_1306, %sub3A_1306 : vector<16xf32>
        %mul3A_1308 = arith.mulf %div3A_7, %mul3A_1307 : vector<16xf32>
        %exp3A_1309 = math.exp %mul3A_1308 : vector<16xf32>
        %swap3A_1310 = arith.index_cast %rem3A_128 : i32 to index
        %swap3A_1311 = arith.index_cast %add3A_1212 : i32 to index
        %swap3A_1312 = arith.constant 160 : index
        %swap3A_1313 = tpu.vector_load %arg7[%swap3A_1310, %swap3A_1311, %swap3A_1312] {strides = array<i32>} : memref<4x40x300xf32, #tpu.memory_space<vmem>>, vector<16xf32>,
        tpu.vector_store %arg7[%swap3A_1310, %swap3A_1311, %swap3A_1312], %exp3A_1309 {strides = array<i32>} : memref<4x40x300xf32, #tpu.memory_space<vmem>>, vector<16xf32>,
        %sub3A_1314 = vector.broadcast %squeeze3A_1214 : f32 to vector<16xf32>
        %sub3A_1315 = arith.subf %sub3A_1314, %get3A_36 : vector<16xf32>
        %mul3A_1316 = arith.mulf %sub3A_1315, %sub3A_1315 : vector<16xf32>
        %mul3A_1317 = arith.mulf %div3A_7, %mul3A_1316 : vector<16xf32>
        %exp3A_1318 = math.exp %mul3A_1317 : vector<16xf32>
        %swap3A_1319 = arith.index_cast %rem3A_128 : i32 to index
        %swap3A_1320 = arith.index_cast %add3A_1212 : i32 to index
        %swap3A_1321 = arith.constant 176 : index
        %swap3A_1322 = tpu.vector_load %arg7[%swap3A_1319, %swap3A_1320, %swap3A_1321] {strides = array<i32>} : memref<4x40x300xf32, #tpu.memory_space<vmem>>, vector<16xf32>,
        tpu.vector_store %arg7[%swap3A_1319, %swap3A_1320, %swap3A_1321], %exp3A_1318 {strides = array<i32>} : memref<4x40x300xf32, #tpu.memory_space<vmem>>, vector<16xf32>,
        %sub3A_1323 = vector.broadcast %squeeze3A_1214 : f32 to vector<16xf32>
        %sub3A_1324 = arith.subf %sub3A_1323, %get3A_38 : vector<16xf32>
        %mul3A_1325 = arith.mulf %sub3A_1324, %sub3A_1324 : vector<16xf32>
        %mul3A_1326 = arith.mulf %div3A_7, %mul3A_1325 : vector<16xf32>
        %exp3A_1327 = math.exp %mul3A_1326 : vector<16xf32>
        %swap3A_1328 = arith.index_cast %rem3A_128 : i32 to index
        %swap3A_1329 = arith.index_cast %add3A_1212 : i32 to index
        %swap3A_1330 = arith.constant 192 : index
        %swap3A_1331 = tpu.vector_load %arg7[%swap3A_1328, %swap3A_1329, %swap3A_1330] {strides = array<i32>} : memref<4x40x300xf32, #tpu.memory_space<vmem>>, vector<16xf32>,
        tpu.vector_store %arg7[%swap3A_1328, %swap3A_1329, %swap3A_1330], %exp3A_1327 {strides = array<i32>} : memref<4x40x300xf32, #tpu.memory_space<vmem>>, vector<16xf32>,
        %sub3A_1332 = vector.broadcast %squeeze3A_1214 : f32 to vector<16xf32>
        %sub3A_1333 = arith.subf %sub3A_1332, %get3A_40 : vector<16xf32>
        %mul3A_1334 = arith.mulf %sub3A_1333, %sub3A_1333 : vector<16xf32>
        %mul3A_1335 = arith.mulf %div3A_7, %mul3A_1334 : vector<16xf32>
        %exp3A_1336 = math.exp %mul3A_1335 : vector<16xf32>
        %swap3A_1337 = arith.index_cast %rem3A_128 : i32 to index
        %swap3A_1338 = arith.index_cast %add3A_1212 : i32 to index
        %swap3A_1339 = arith.constant 208 : index
        %swap3A_1340 = tpu.vector_load %arg7[%swap3A_1337, %swap3A_1338, %swap3A_1339] {strides = array<i32>} : memref<4x40x300xf32, #tpu.memory_space<vmem>>, vector<16xf32>,
        tpu.vector_store %arg7[%swap3A_1337, %swap3A_1338, %swap3A_1339], %exp3A_1336 {strides = array<i32>} : memref<4x40x300xf32, #tpu.memory_space<vmem>>, vector<16xf32>,
        %sub3A_1341 = vector.broadcast %squeeze3A_1214 : f32 to vector<16xf32>
        %sub3A_1342 = arith.subf %sub3A_1341, %get3A_42 : vector<16xf32>
        %mul3A_1343 = arith.mulf %sub3A_1342, %sub3A_1342 : vector<16xf32>
        %mul3A_1344 = arith.mulf %div3A_7, %mul3A_1343 : vector<16xf32>
        %exp3A_1345 = math.exp %mul3A_1344 : vector<16xf32>
        %swap3A_1346 = arith.index_cast %rem3A_128 : i32 to index
        %swap3A_1347 = arith.index_cast %add3A_1212 : i32 to index
        %swap3A_1348 = arith.constant 224 : index
        %swap3A_1349 = tpu.vector_load %arg7[%swap3A_1346, %swap3A_1347, %swap3A_1348] {strides = array<i32>} : memref<4x40x300xf32, #tpu.memory_space<vmem>>, vector<16xf32>,
        tpu.vector_store %arg7[%swap3A_1346, %swap3A_1347, %swap3A_1348], %exp3A_1345 {strides = array<i32>} : memref<4x40x300xf32, #tpu.memory_space<vmem>>, vector<16xf32>,
        %sub3A_1350 = vector.broadcast %squeeze3A_1214 : f32 to vector<16xf32>
        %sub3A_1351 = arith.subf %sub3A_1350, %get3A_44 : vector<16xf32>
        %mul3A_1352 = arith.mulf %sub3A_1351, %sub3A_1351 : vector<16xf32>
        %mul3A_1353 = arith.mulf %div3A_7, %mul3A_1352 : vector<16xf32>
        %exp3A_1354 = math.exp %mul3A_1353 : vector<16xf32>
        %swap3A_1355 = arith.index_cast %rem3A_128 : i32 to index
        %swap3A_1356 = arith.index_cast %add3A_1212 : i32 to index
        %swap3A_1357 = arith.constant 240 : index
        %swap3A_1358 = tpu.vector_load %arg7[%swap3A_1355, %swap3A_1356, %swap3A_1357] {strides = array<i32>} : memref<4x40x300xf32, #tpu.memory_space<vmem>>, vector<16xf32>,
        tpu.vector_store %arg7[%swap3A_1355, %swap3A_1356, %swap3A_1357], %exp3A_1354 {strides = array<i32>} : memref<4x40x300xf32, #tpu.memory_space<vmem>>, vector<16xf32>,
        %sub3A_1359 = vector.broadcast %squeeze3A_1214 : f32 to vector<16xf32>
        %sub3A_1360 = arith.subf %sub3A_1359, %get3A_46 : vector<16xf32>
        %mul3A_1361 = arith.mulf %sub3A_1360, %sub3A_1360 : vector<16xf32>
        %mul3A_1362 = arith.mulf %div3A_7, %mul3A_1361 : vector<16xf32>
        %exp3A_1363 = math.exp %mul3A_1362 : vector<16xf32>
        %swap3A_1364 = arith.index_cast %rem3A_128 : i32 to index
        %swap3A_1365 = arith.index_cast %add3A_1212 : i32 to index
        %swap3A_1366 = arith.constant 256 : index
        %swap3A_1367 = tpu.vector_load %arg7[%swap3A_1364, %swap3A_1365, %swap3A_1366] {strides = array<i32>} : memref<4x40x300xf32, #tpu.memory_space<vmem>>, vector<16xf32>,
        tpu.vector_store %arg7[%swap3A_1364, %swap3A_1365, %swap3A_1366], %exp3A_1363 {strides = array<i32>} : memref<4x40x300xf32, #tpu.memory_space<vmem>>, vector<16xf32>,
        %sub3A_1368 = vector.broadcast %squeeze3A_1214 : f32 to vector<16xf32>
        %sub3A_1369 = arith.subf %sub3A_1368, %get3A_48 : vector<16xf32>
        %mul3A_1370 = arith.mulf %sub3A_1369, %sub3A_1369 : vector<16xf32>
        %mul3A_1371 = arith.mulf %div3A_7, %mul3A_1370 : vector<16xf32>
        %exp3A_1372 = math.exp %mul3A_1371 : vector<16xf32>
        %swap3A_1373 = arith.index_cast %rem3A_128 : i32 to index
        %swap3A_1374 = arith.index_cast %add3A_1212 : i32 to index
        %swap3A_1375 = arith.constant 272 : index
        %swap3A_1376 = tpu.vector_load %arg7[%swap3A_1373, %swap3A_1374, %swap3A_1375] {strides = array<i32>} : memref<4x40x300xf32, #tpu.memory_space<vmem>>, vector<16xf32>,
        tpu.vector_store %arg7[%swap3A_1373, %swap3A_1374, %swap3A_1375], %exp3A_1372 {strides = array<i32>} : memref<4x40x300xf32, #tpu.memory_space<vmem>>, vector<16xf32>,
        %sub3A_1377 = vector.broadcast %squeeze3A_1214 : f32 to vector<16xf32>
        %sub3A_1378 = arith.subf %sub3A_1377, %get3A_50 : vector<16xf32>
        %mul3A_1379 = arith.mulf %sub3A_1378, %sub3A_1378 : vector<16xf32>
        %mul3A_1380 = arith.mulf %div3A_7, %mul3A_1379 : vector<16xf32>
        %exp3A_1381 = math.exp %mul3A_1380 : vector<16xf32>
        %broadcast_in_dim3A_1382 = vector.broadcast %rem3A_128 : i32 to vector<16xi32>
        %broadcast_in_dim3A_1383 = vector.broadcast %add3A_1212 : i32 to vector<16xi32>
        tpu.vector_store_idx %arg7[%broadcast_in_dim3A_1382, %broadcast_in_dim3A_1383, %add3A_10], %exp3A_1381 masked %lt3A_12 : memref<4x40x300xf32, #tpu.memory_space<vmem>>[vector<16xi32>, vector<16xi32>, vector<16xi32>], vector<16xf32>, vector<16xi1>
        %mul3A_1384 = arith.constant 8 : i32
        %mul3A_1385 = arith.muli %scan3A_153, %mul3A_1384 : i32
        %add3A_1386 = arith.constant 7 : i32
        %add3A_1387 = arith.addi %mul3A_1385, %add3A_1386 : i32
        %slice3A_1388 = vector.extract_strided_slice %get3A_160 {offsets = [7], sizes = [1], strides = [1]} : vector<16xf32> to vector<1xf32>
        %squeeze3A_1389 = vector.extract %slice3A_1388[0] : f32 from vector<1xf32>
        %sub3A_1390 = vector.broadcast %squeeze3A_1389 : f32 to vector<16xf32>
        %sub3A_1391 = arith.subf %sub3A_1390, %get3A_14 : vector<16xf32>
        %mul3A_1392 = arith.mulf %sub3A_1391, %sub3A_1391 : vector<16xf32>
        %mul3A_1393 = arith.mulf %div3A_7, %mul3A_1392 : vector<16xf32>
        %exp3A_1394 = math.exp %mul3A_1393 : vector<16xf32>
        %swap3A_1395 = arith.index_cast %rem3A_128 : i32 to index
        %swap3A_1396 = arith.index_cast %add3A_1387 : i32 to index
        %swap3A_1397 = arith.constant 0 : index
        %swap3A_1398 = tpu.vector_load %arg7[%swap3A_1395, %swap3A_1396, %swap3A_1397] {strides = array<i32>} : memref<4x40x300xf32, #tpu.memory_space<vmem>>, vector<16xf32>,
        tpu.vector_store %arg7[%swap3A_1395, %swap3A_1396, %swap3A_1397], %exp3A_1394 {strides = array<i32>} : memref<4x40x300xf32, #tpu.memory_space<vmem>>, vector<16xf32>,
        %sub3A_1399 = vector.broadcast %squeeze3A_1389 : f32 to vector<16xf32>
        %sub3A_1400 = arith.subf %sub3A_1399, %get3A_16 : vector<16xf32>
        %mul3A_1401 = arith.mulf %sub3A_1400, %sub3A_1400 : vector<16xf32>
        %mul3A_1402 = arith.mulf %div3A_7, %mul3A_1401 : vector<16xf32>
        %exp3A_1403 = math.exp %mul3A_1402 : vector<16xf32>
        %swap3A_1404 = arith.index_cast %rem3A_128 : i32 to index
        %swap3A_1405 = arith.index_cast %add3A_1387 : i32 to index
        %swap3A_1406 = arith.constant 16 : index
        %swap3A_1407 = tpu.vector_load %arg7[%swap3A_1404, %swap3A_1405, %swap3A_1406] {strides = array<i32>} : memref<4x40x300xf32, #tpu.memory_space<vmem>>, vector<16xf32>,
        tpu.vector_store %arg7[%swap3A_1404, %swap3A_1405, %swap3A_1406], %exp3A_1403 {strides = array<i32>} : memref<4x40x300xf32, #tpu.memory_space<vmem>>, vector<16xf32>,
        %sub3A_1408 = vector.broadcast %squeeze3A_1389 : f32 to vector<16xf32>
        %sub3A_1409 = arith.subf %sub3A_1408, %get3A_18 : vector<16xf32>
        %mul3A_1410 = arith.mulf %sub3A_1409, %sub3A_1409 : vector<16xf32>
        %mul3A_1411 = arith.mulf %div3A_7, %mul3A_1410 : vector<16xf32>
        %exp3A_1412 = math.exp %mul3A_1411 : vector<16xf32>
        %swap3A_1413 = arith.index_cast %rem3A_128 : i32 to index
        %swap3A_1414 = arith.index_cast %add3A_1387 : i32 to index
        %swap3A_1415 = arith.constant 32 : index
        %swap3A_1416 = tpu.vector_load %arg7[%swap3A_1413, %swap3A_1414, %swap3A_1415] {strides = array<i32>} : memref<4x40x300xf32, #tpu.memory_space<vmem>>, vector<16xf32>,
        tpu.vector_store %arg7[%swap3A_1413, %swap3A_1414, %swap3A_1415], %exp3A_1412 {strides = array<i32>} : memref<4x40x300xf32, #tpu.memory_space<vmem>>, vector<16xf32>,
        %sub3A_1417 = vector.broadcast %squeeze3A_1389 : f32 to vector<16xf32>
        %sub3A_1418 = arith.subf %sub3A_1417, %get3A_20 : vector<16xf32>
        %mul3A_1419 = arith.mulf %sub3A_1418, %sub3A_1418 : vector<16xf32>
        %mul3A_1420 = arith.mulf %div3A_7, %mul3A_1419 : vector<16xf32>
        %exp3A_1421 = math.exp %mul3A_1420 : vector<16xf32>
        %swap3A_1422 = arith.index_cast %rem3A_128 : i32 to index
        %swap3A_1423 = arith.index_cast %add3A_1387 : i32 to index
        %swap3A_1424 = arith.constant 48 : index
        %swap3A_1425 = tpu.vector_load %arg7[%swap3A_1422, %swap3A_1423, %swap3A_1424] {strides = array<i32>} : memref<4x40x300xf32, #tpu.memory_space<vmem>>, vector<16xf32>,
        tpu.vector_store %arg7[%swap3A_1422, %swap3A_1423, %swap3A_1424], %exp3A_1421 {strides = array<i32>} : memref<4x40x300xf32, #tpu.memory_space<vmem>>, vector<16xf32>,
        %sub3A_1426 = vector.broadcast %squeeze3A_1389 : f32 to vector<16xf32>
        %sub3A_1427 = arith.subf %sub3A_1426, %get3A_22 : vector<16xf32>
        %mul3A_1428 = arith.mulf %sub3A_1427, %sub3A_1427 : vector<16xf32>
        %mul3A_1429 = arith.mulf %div3A_7, %mul3A_1428 : vector<16xf32>
        %exp3A_1430 = math.exp %mul3A_1429 : vector<16xf32>
        %swap3A_1431 = arith.index_cast %rem3A_128 : i32 to index
        %swap3A_1432 = arith.index_cast %add3A_1387 : i32 to index
        %swap3A_1433 = arith.constant 64 : index
        %swap3A_1434 = tpu.vector_load %arg7[%swap3A_1431, %swap3A_1432, %swap3A_1433] {strides = array<i32>} : memref<4x40x300xf32, #tpu.memory_space<vmem>>, vector<16xf32>,
        tpu.vector_store %arg7[%swap3A_1431, %swap3A_1432, %swap3A_1433], %exp3A_1430 {strides = array<i32>} : memref<4x40x300xf32, #tpu.memory_space<vmem>>, vector<16xf32>,
        %sub3A_1435 = vector.broadcast %squeeze3A_1389 : f32 to vector<16xf32>
        %sub3A_1436 = arith.subf %sub3A_1435, %get3A_24 : vector<16xf32>
        %mul3A_1437 = arith.mulf %sub3A_1436, %sub3A_1436 : vector<16xf32>
        %mul3A_1438 = arith.mulf %div3A_7, %mul3A_1437 : vector<16xf32>
        %exp3A_1439 = math.exp %mul3A_1438 : vector<16xf32>
        %swap3A_1440 = arith.index_cast %rem3A_128 : i32 to index
        %swap3A_1441 = arith.index_cast %add3A_1387 : i32 to index
        %swap3A_1442 = arith.constant 80 : index
        %swap3A_1443 = tpu.vector_load %arg7[%swap3A_1440, %swap3A_1441, %swap3A_1442] {strides = array<i32>} : memref<4x40x300xf32, #tpu.memory_space<vmem>>, vector<16xf32>,
        tpu.vector_store %arg7[%swap3A_1440, %swap3A_1441, %swap3A_1442], %exp3A_1439 {strides = array<i32>} : memref<4x40x300xf32, #tpu.memory_space<vmem>>, vector<16xf32>,
        %sub3A_1444 = vector.broadcast %squeeze3A_1389 : f32 to vector<16xf32>
        %sub3A_1445 = arith.subf %sub3A_1444, %get3A_26 : vector<16xf32>
        %mul3A_1446 = arith.mulf %sub3A_1445, %sub3A_1445 : vector<16xf32>
        %mul3A_1447 = arith.mulf %div3A_7, %mul3A_1446 : vector<16xf32>
        %exp3A_1448 = math.exp %mul3A_1447 : vector<16xf32>
        %swap3A_1449 = arith.index_cast %rem3A_128 : i32 to index
        %swap3A_1450 = arith.index_cast %add3A_1387 : i32 to index
        %swap3A_1451 = arith.constant 96 : index
        %swap3A_1452 = tpu.vector_load %arg7[%swap3A_1449, %swap3A_1450, %swap3A_1451] {strides = array<i32>} : memref<4x40x300xf32, #tpu.memory_space<vmem>>, vector<16xf32>,
        tpu.vector_store %arg7[%swap3A_1449, %swap3A_1450, %swap3A_1451], %exp3A_1448 {strides = array<i32>} : memref<4x40x300xf32, #tpu.memory_space<vmem>>, vector<16xf32>,
        %sub3A_1453 = vector.broadcast %squeeze3A_1389 : f32 to vector<16xf32>
        %sub3A_1454 = arith.subf %sub3A_1453, %get3A_28 : vector<16xf32>
        %mul3A_1455 = arith.mulf %sub3A_1454, %sub3A_1454 : vector<16xf32>
        %mul3A_1456 = arith.mulf %div3A_7, %mul3A_1455 : vector<16xf32>
        %exp3A_1457 = math.exp %mul3A_1456 : vector<16xf32>
        %swap3A_1458 = arith.index_cast %rem3A_128 : i32 to index
        %swap3A_1459 = arith.index_cast %add3A_1387 : i32 to index
        %swap3A_1460 = arith.constant 112 : index
        %swap3A_1461 = tpu.vector_load %arg7[%swap3A_1458, %swap3A_1459, %swap3A_1460] {strides = array<i32>} : memref<4x40x300xf32, #tpu.memory_space<vmem>>, vector<16xf32>,
        tpu.vector_store %arg7[%swap3A_1458, %swap3A_1459, %swap3A_1460], %exp3A_1457 {strides = array<i32>} : memref<4x40x300xf32, #tpu.memory_space<vmem>>, vector<16xf32>,
        %sub3A_1462 = vector.broadcast %squeeze3A_1389 : f32 to vector<16xf32>
        %sub3A_1463 = arith.subf %sub3A_1462, %get3A_30 : vector<16xf32>
        %mul3A_1464 = arith.mulf %sub3A_1463, %sub3A_1463 : vector<16xf32>
        %mul3A_1465 = arith.mulf %div3A_7, %mul3A_1464 : vector<16xf32>
        %exp3A_1466 = math.exp %mul3A_1465 : vector<16xf32>
        %swap3A_1467 = arith.index_cast %rem3A_128 : i32 to index
        %swap3A_1468 = arith.index_cast %add3A_1387 : i32 to index
        %swap3A_1469 = arith.constant 128 : index
        %swap3A_1470 = tpu.vector_load %arg7[%swap3A_1467, %swap3A_1468, %swap3A_1469] {strides = array<i32>} : memref<4x40x300xf32, #tpu.memory_space<vmem>>, vector<16xf32>,
        tpu.vector_store %arg7[%swap3A_1467, %swap3A_1468, %swap3A_1469], %exp3A_1466 {strides = array<i32>} : memref<4x40x300xf32, #tpu.memory_space<vmem>>, vector<16xf32>,
        %sub3A_1471 = vector.broadcast %squeeze3A_1389 : f32 to vector<16xf32>
        %sub3A_1472 = arith.subf %sub3A_1471, %get3A_32 : vector<16xf32>
        %mul3A_1473 = arith.mulf %sub3A_1472, %sub3A_1472 : vector<16xf32>
        %mul3A_1474 = arith.mulf %div3A_7, %mul3A_1473 : vector<16xf32>
        %exp3A_1475 = math.exp %mul3A_1474 : vector<16xf32>
        %swap3A_1476 = arith.index_cast %rem3A_128 : i32 to index
        %swap3A_1477 = arith.index_cast %add3A_1387 : i32 to index
        %swap3A_1478 = arith.constant 144 : index
        %swap3A_1479 = tpu.vector_load %arg7[%swap3A_1476, %swap3A_1477, %swap3A_1478] {strides = array<i32>} : memref<4x40x300xf32, #tpu.memory_space<vmem>>, vector<16xf32>,
        tpu.vector_store %arg7[%swap3A_1476, %swap3A_1477, %swap3A_1478], %exp3A_1475 {strides = array<i32>} : memref<4x40x300xf32, #tpu.memory_space<vmem>>, vector<16xf32>,
        %sub3A_1480 = vector.broadcast %squeeze3A_1389 : f32 to vector<16xf32>
        %sub3A_1481 = arith.subf %sub3A_1480, %get3A_34 : vector<16xf32>
        %mul3A_1482 = arith.mulf %sub3A_1481, %sub3A_1481 : vector<16xf32>
        %mul3A_1483 = arith.mulf %div3A_7, %mul3A_1482 : vector<16xf32>
        %exp3A_1484 = math.exp %mul3A_1483 : vector<16xf32>
        %swap3A_1485 = arith.index_cast %rem3A_128 : i32 to index
        %swap3A_1486 = arith.index_cast %add3A_1387 : i32 to index
        %swap3A_1487 = arith.constant 160 : index
        %swap3A_1488 = tpu.vector_load %arg7[%swap3A_1485, %swap3A_1486, %swap3A_1487] {strides = array<i32>} : memref<4x40x300xf32, #tpu.memory_space<vmem>>, vector<16xf32>,
        tpu.vector_store %arg7[%swap3A_1485, %swap3A_1486, %swap3A_1487], %exp3A_1484 {strides = array<i32>} : memref<4x40x300xf32, #tpu.memory_space<vmem>>, vector<16xf32>,
        %sub3A_1489 = vector.broadcast %squeeze3A_1389 : f32 to vector<16xf32>
        %sub3A_1490 = arith.subf %sub3A_1489, %get3A_36 : vector<16xf32>
        %mul3A_1491 = arith.mulf %sub3A_1490, %sub3A_1490 : vector<16xf32>
        %mul3A_1492 = arith.mulf %div3A_7, %mul3A_1491 : vector<16xf32>
        %exp3A_1493 = math.exp %mul3A_1492 : vector<16xf32>
        %swap3A_1494 = arith.index_cast %rem3A_128 : i32 to index
        %swap3A_1495 = arith.index_cast %add3A_1387 : i32 to index
        %swap3A_1496 = arith.constant 176 : index
        %swap3A_1497 = tpu.vector_load %arg7[%swap3A_1494, %swap3A_1495, %swap3A_1496] {strides = array<i32>} : memref<4x40x300xf32, #tpu.memory_space<vmem>>, vector<16xf32>,
        tpu.vector_store %arg7[%swap3A_1494, %swap3A_1495, %swap3A_1496], %exp3A_1493 {strides = array<i32>} : memref<4x40x300xf32, #tpu.memory_space<vmem>>, vector<16xf32>,
        %sub3A_1498 = vector.broadcast %squeeze3A_1389 : f32 to vector<16xf32>
        %sub3A_1499 = arith.subf %sub3A_1498, %get3A_38 : vector<16xf32>
        %mul3A_1500 = arith.mulf %sub3A_1499, %sub3A_1499 : vector<16xf32>
        %mul3A_1501 = arith.mulf %div3A_7, %mul3A_1500 : vector<16xf32>
        %exp3A_1502 = math.exp %mul3A_1501 : vector<16xf32>
        %swap3A_1503 = arith.index_cast %rem3A_128 : i32 to index
        %swap3A_1504 = arith.index_cast %add3A_1387 : i32 to index
        %swap3A_1505 = arith.constant 192 : index
        %swap3A_1506 = tpu.vector_load %arg7[%swap3A_1503, %swap3A_1504, %swap3A_1505] {strides = array<i32>} : memref<4x40x300xf32, #tpu.memory_space<vmem>>, vector<16xf32>,
        tpu.vector_store %arg7[%swap3A_1503, %swap3A_1504, %swap3A_1505], %exp3A_1502 {strides = array<i32>} : memref<4x40x300xf32, #tpu.memory_space<vmem>>, vector<16xf32>,
        %sub3A_1507 = vector.broadcast %squeeze3A_1389 : f32 to vector<16xf32>
        %sub3A_1508 = arith.subf %sub3A_1507, %get3A_40 : vector<16xf32>
        %mul3A_1509 = arith.mulf %sub3A_1508, %sub3A_1508 : vector<16xf32>
        %mul3A_1510 = arith.mulf %div3A_7, %mul3A_1509 : vector<16xf32>
        %exp3A_1511 = math.exp %mul3A_1510 : vector<16xf32>
        %swap3A_1512 = arith.index_cast %rem3A_128 : i32 to index
        %swap3A_1513 = arith.index_cast %add3A_1387 : i32 to index
        %swap3A_1514 = arith.constant 208 : index
        %swap3A_1515 = tpu.vector_load %arg7[%swap3A_1512, %swap3A_1513, %swap3A_1514] {strides = array<i32>} : memref<4x40x300xf32, #tpu.memory_space<vmem>>, vector<16xf32>,
        tpu.vector_store %arg7[%swap3A_1512, %swap3A_1513, %swap3A_1514], %exp3A_1511 {strides = array<i32>} : memref<4x40x300xf32, #tpu.memory_space<vmem>>, vector<16xf32>,
        %sub3A_1516 = vector.broadcast %squeeze3A_1389 : f32 to vector<16xf32>
        %sub3A_1517 = arith.subf %sub3A_1516, %get3A_42 : vector<16xf32>
        %mul3A_1518 = arith.mulf %sub3A_1517, %sub3A_1517 : vector<16xf32>
        %mul3A_1519 = arith.mulf %div3A_7, %mul3A_1518 : vector<16xf32>
        %exp3A_1520 = math.exp %mul3A_1519 : vector<16xf32>
        %swap3A_1521 = arith.index_cast %rem3A_128 : i32 to index
        %swap3A_1522 = arith.index_cast %add3A_1387 : i32 to index
        %swap3A_1523 = arith.constant 224 : index
        %swap3A_1524 = tpu.vector_load %arg7[%swap3A_1521, %swap3A_1522, %swap3A_1523] {strides = array<i32>} : memref<4x40x300xf32, #tpu.memory_space<vmem>>, vector<16xf32>,
        tpu.vector_store %arg7[%swap3A_1521, %swap3A_1522, %swap3A_1523], %exp3A_1520 {strides = array<i32>} : memref<4x40x300xf32, #tpu.memory_space<vmem>>, vector<16xf32>,
        %sub3A_1525 = vector.broadcast %squeeze3A_1389 : f32 to vector<16xf32>
        %sub3A_1526 = arith.subf %sub3A_1525, %get3A_44 : vector<16xf32>
        %mul3A_1527 = arith.mulf %sub3A_1526, %sub3A_1526 : vector<16xf32>
        %mul3A_1528 = arith.mulf %div3A_7, %mul3A_1527 : vector<16xf32>
        %exp3A_1529 = math.exp %mul3A_1528 : vector<16xf32>
        %swap3A_1530 = arith.index_cast %rem3A_128 : i32 to index
        %swap3A_1531 = arith.index_cast %add3A_1387 : i32 to index
        %swap3A_1532 = arith.constant 240 : index
        %swap3A_1533 = tpu.vector_load %arg7[%swap3A_1530, %swap3A_1531, %swap3A_1532] {strides = array<i32>} : memref<4x40x300xf32, #tpu.memory_space<vmem>>, vector<16xf32>,
        tpu.vector_store %arg7[%swap3A_1530, %swap3A_1531, %swap3A_1532], %exp3A_1529 {strides = array<i32>} : memref<4x40x300xf32, #tpu.memory_space<vmem>>, vector<16xf32>,
        %sub3A_1534 = vector.broadcast %squeeze3A_1389 : f32 to vector<16xf32>
        %sub3A_1535 = arith.subf %sub3A_1534, %get3A_46 : vector<16xf32>
        %mul3A_1536 = arith.mulf %sub3A_1535, %sub3A_1535 : vector<16xf32>
        %mul3A_1537 = arith.mulf %div3A_7, %mul3A_1536 : vector<16xf32>
        %exp3A_1538 = math.exp %mul3A_1537 : vector<16xf32>
        %swap3A_1539 = arith.index_cast %rem3A_128 : i32 to index
        %swap3A_1540 = arith.index_cast %add3A_1387 : i32 to index
        %swap3A_1541 = arith.constant 256 : index
        %swap3A_1542 = tpu.vector_load %arg7[%swap3A_1539, %swap3A_1540, %swap3A_1541] {strides = array<i32>} : memref<4x40x300xf32, #tpu.memory_space<vmem>>, vector<16xf32>,
        tpu.vector_store %arg7[%swap3A_1539, %swap3A_1540, %swap3A_1541], %exp3A_1538 {strides = array<i32>} : memref<4x40x300xf32, #tpu.memory_space<vmem>>, vector<16xf32>,
        %sub3A_1543 = vector.broadcast %squeeze3A_1389 : f32 to vector<16xf32>
        %sub3A_1544 = arith.subf %sub3A_1543, %get3A_48 : vector<16xf32>
        %mul3A_1545 = arith.mulf %sub3A_1544, %sub3A_1544 : vector<16xf32>
        %mul3A_1546 = arith.mulf %div3A_7, %mul3A_1545 : vector<16xf32>
        %exp3A_1547 = math.exp %mul3A_1546 : vector<16xf32>
        %swap3A_1548 = arith.index_cast %rem3A_128 : i32 to index
        %swap3A_1549 = arith.index_cast %add3A_1387 : i32 to index
        %swap3A_1550 = arith.constant 272 : index
        %swap3A_1551 = tpu.vector_load %arg7[%swap3A_1548, %swap3A_1549, %swap3A_1550] {strides = array<i32>} : memref<4x40x300xf32, #tpu.memory_space<vmem>>, vector<16xf32>,
        tpu.vector_store %arg7[%swap3A_1548, %swap3A_1549, %swap3A_1550], %exp3A_1547 {strides = array<i32>} : memref<4x40x300xf32, #tpu.memory_space<vmem>>, vector<16xf32>,
        %sub3A_1552 = vector.broadcast %squeeze3A_1389 : f32 to vector<16xf32>
        %sub3A_1553 = arith.subf %sub3A_1552, %get3A_50 : vector<16xf32>
        %mul3A_1554 = arith.mulf %sub3A_1553, %sub3A_1553 : vector<16xf32>
        %mul3A_1555 = arith.mulf %div3A_7, %mul3A_1554 : vector<16xf32>
        %exp3A_1556 = math.exp %mul3A_1555 : vector<16xf32>
        %broadcast_in_dim3A_1557 = vector.broadcast %rem3A_128 : i32 to vector<16xi32>
        %broadcast_in_dim3A_1558 = vector.broadcast %add3A_1387 : i32 to vector<16xi32>
        tpu.vector_store_idx %arg7[%broadcast_in_dim3A_1557, %broadcast_in_dim3A_1558, %add3A_10], %exp3A_1556 masked %lt3A_12 : memref<4x40x300xf32, #tpu.memory_space<vmem>>[vector<16xi32>, vector<16xi32>, vector<16xi32>], vector<16xf32>, vector<16xi1>
      }
      %scan3A_136 = arith.constant 5 : i32
      %mul3A_137 = arith.constant 40 : i32
      %mul3A_138 = arith.muli %scan3A_127, %mul3A_137 : i32
      %add3A_139 = arith.addi %mul3A_2, %mul3A_138 : i32
      %dma_start3A = arith.constant 0 : i32
      %dma_start3A_140 = arith.constant 0 : i32
      %dma_start3A_141 = tpu.memref_slice %arg7[%rem3A_128, %dma_start3A, %dma_start3A_140] : memref<4x40x300xf32, #tpu.memory_space<vmem>> -> memref<1x40x300xf32, #tpu.memory_space<vmem>>
      %dma_start3A_142 = tpu.memref_squeeze %dma_start3A_141 : memref<1x40x300xf32, #tpu.memory_space<vmem>> -> memref<40x300xf32, #tpu.memory_space<vmem>>
      %dma_start3A_143 = arith.constant 0 : i32
      %dma_start3A_144 = tpu.memref_slice %arg4[%add3A_139, %dma_start3A_143] : memref<160000x300xf32, #tpu.memory_space<hbm>> -> memref<40x300xf32, #tpu.memory_space<hbm>>
      %dma_start3A_145 = tpu.memref_slice %arg8[%rem3A_128] : memref<4x!tpu.dma_semaphore, #tpu.memory_space<semaphore_mem>> -> memref<1x!tpu.dma_semaphore, #tpu.memory_space<semaphore_mem>>
      %dma_start3A_146 = tpu.memref_squeeze %dma_start3A_145 : memref<1x!tpu.dma_semaphore, #tpu.memory_space<semaphore_mem>> -> memref<!tpu.dma_semaphore, #tpu.memory_space<semaphore_mem>>
      %dma_start3A_147 = arith.constant 0 : i32
      %dma_start3A_148 = tpu.memref_slice %arg4[%add3A_139, %dma_start3A_147] : memref<160000x300xf32, #tpu.memory_space<hbm>> -> memref<40x300xf32, #tpu.memory_space<hbm>>
      %dma_start3A_149 = arith.constant 0 : i32
      %dma_start3A_150 = arith.constant 0 : i32
      %dma_start3A_151 = tpu.memref_slice %arg7[%rem3A_128, %dma_start3A_149, %dma_start3A_150] : memref<4x40x300xf32, #tpu.memory_space<vmem>> -> memref<1x40x300xf32, #tpu.memory_space<vmem>>
      %dma_start3A_152 = tpu.memref_squeeze %dma_start3A_151 : memref<1x40x300xf32, #tpu.memory_space<vmem>> -> memref<40x300xf32, #tpu.memory_space<vmem>>
      tpu.enqueue_dma source(%dma_start3A_152 : memref<40x300xf32, #tpu.memory_space<vmem>>) target(%dma_start3A_148 : memref<40x300xf32, #tpu.memory_space<hbm>>) target_semaphore(%dma_start3A_146 : memref<!tpu.dma_semaphore, #tpu.memory_space<semaphore_mem>>)
    }
    %scan3A_55 = arith.constant 125 : i32
    %add3A_56 = arith.constant 4840 : i32
    %add3A_57 = arith.addi %mul3A_2, %add3A_56 : i32
    %dma_wait3A = arith.constant 1 : i32
    %dma_wait3A_58 = arith.constant 1 : i32
    %dma_wait3A_59 = arith.constant 0 : i32
    %dma_wait3A_60 = arith.constant 0 : i32
    %dma_wait3A_61 = tpu.memref_slice %arg7[%dma_wait3A, %dma_wait3A_59, %dma_wait3A_60] : memref<4x40x300xf32, #tpu.memory_space<vmem>> -> memref<1x40x300xf32, #tpu.memory_space<vmem>>
    %dma_wait3A_62 = tpu.memref_squeeze %dma_wait3A_61 : memref<1x40x300xf32, #tpu.memory_space<vmem>> -> memref<40x300xf32, #tpu.memory_space<vmem>>
    %dma_wait3A_63 = arith.constant 0 : i32
    %dma_wait3A_64 = tpu.memref_slice %arg4[%add3A_57, %dma_wait3A_63] : memref<160000x300xf32, #tpu.memory_space<hbm>> -> memref<40x300xf32, #tpu.memory_space<hbm>>
    %dma_wait3A_65 = tpu.memref_slice %arg8[%dma_wait3A_58] : memref<4x!tpu.dma_semaphore, #tpu.memory_space<semaphore_mem>> -> memref<1x!tpu.dma_semaphore, #tpu.memory_space<semaphore_mem>>
    %dma_wait3A_66 = tpu.memref_squeeze %dma_wait3A_65 : memref<1x!tpu.dma_semaphore, #tpu.memory_space<semaphore_mem>> -> memref<!tpu.dma_semaphore, #tpu.memory_space<semaphore_mem>>
    %dma_wait3A_67 = arith.constant 0 : i32
    %dma_wait3A_68 = tpu.memref_slice %arg4[%add3A_57, %dma_wait3A_67] : memref<160000x300xf32, #tpu.memory_space<hbm>> -> memref<40x300xf32, #tpu.memory_space<hbm>>
    %dma_wait3A_69 = arith.constant 0 : i32
    %dma_wait3A_70 = arith.constant 0 : i32
    %dma_wait3A_71 = tpu.memref_slice %arg7[%dma_wait3A, %dma_wait3A_69, %dma_wait3A_70] : memref<4x40x300xf32, #tpu.memory_space<vmem>> -> memref<1x40x300xf32, #tpu.memory_space<vmem>>
    %dma_wait3A_72 = tpu.memref_squeeze %dma_wait3A_71 : memref<1x40x300xf32, #tpu.memory_space<vmem>> -> memref<40x300xf32, #tpu.memory_space<vmem>>
    tpu.wait_dma2 semaphore(%dma_wait3A_66 : memref<!tpu.dma_semaphore, #tpu.memory_space<semaphore_mem>>) src(%dma_wait3A_72 : memref<40x300xf32, #tpu.memory_space<vmem>>) dst(%dma_wait3A_68 : memref<40x300xf32, #tpu.memory_space<hbm>>)
    %add3A_73 = arith.constant 4880 : i32
    %add3A_74 = arith.addi %mul3A_2, %add3A_73 : i32
    %dma_wait3A_75 = arith.constant 2 : i32
    %dma_wait3A_76 = arith.constant 2 : i32
    %dma_wait3A_77 = arith.constant 0 : i32
    %dma_wait3A_78 = arith.constant 0 : i32
    %dma_wait3A_79 = tpu.memref_slice %arg7[%dma_wait3A_75, %dma_wait3A_77, %dma_wait3A_78] : memref<4x40x300xf32, #tpu.memory_space<vmem>> -> memref<1x40x300xf32, #tpu.memory_space<vmem>>
    %dma_wait3A_80 = tpu.memref_squeeze %dma_wait3A_79 : memref<1x40x300xf32, #tpu.memory_space<vmem>> -> memref<40x300xf32, #tpu.memory_space<vmem>>
    %dma_wait3A_81 = arith.constant 0 : i32
    %dma_wait3A_82 = tpu.memref_slice %arg4[%add3A_74, %dma_wait3A_81] : memref<160000x300xf32, #tpu.memory_space<hbm>> -> memref<40x300xf32, #tpu.memory_space<hbm>>
    %dma_wait3A_83 = tpu.memref_slice %arg8[%dma_wait3A_76] : memref<4x!tpu.dma_semaphore, #tpu.memory_space<semaphore_mem>> -> memref<1x!tpu.dma_semaphore, #tpu.memory_space<semaphore_mem>>
    %dma_wait3A_84 = tpu.memref_squeeze %dma_wait3A_83 : memref<1x!tpu.dma_semaphore, #tpu.memory_space<semaphore_mem>> -> memref<!tpu.dma_semaphore, #tpu.memory_space<semaphore_mem>>
    %dma_wait3A_85 = arith.constant 0 : i32
    %dma_wait3A_86 = tpu.memref_slice %arg4[%add3A_74, %dma_wait3A_85] : memref<160000x300xf32, #tpu.memory_space<hbm>> -> memref<40x300xf32, #tpu.memory_space<hbm>>
    %dma_wait3A_87 = arith.constant 0 : i32
    %dma_wait3A_88 = arith.constant 0 : i32
    %dma_wait3A_89 = tpu.memref_slice %arg7[%dma_wait3A_75, %dma_wait3A_87, %dma_wait3A_88] : memref<4x40x300xf32, #tpu.memory_space<vmem>> -> memref<1x40x300xf32, #tpu.memory_space<vmem>>
    %dma_wait3A_90 = tpu.memref_squeeze %dma_wait3A_89 : memref<1x40x300xf32, #tpu.memory_space<vmem>> -> memref<40x300xf32, #tpu.memory_space<vmem>>
    tpu.wait_dma2 semaphore(%dma_wait3A_84 : memref<!tpu.dma_semaphore, #tpu.memory_space<semaphore_mem>>) src(%dma_wait3A_90 : memref<40x300xf32, #tpu.memory_space<vmem>>) dst(%dma_wait3A_86 : memref<40x300xf32, #tpu.memory_space<hbm>>)
    %add3A_91 = arith.constant 4920 : i32
    %add3A_92 = arith.addi %mul3A_2, %add3A_91 : i32
    %dma_wait3A_93 = arith.constant 3 : i32
    %dma_wait3A_94 = arith.constant 3 : i32
    %dma_wait3A_95 = arith.constant 0 : i32
    %dma_wait3A_96 = arith.constant 0 : i32
    %dma_wait3A_97 = tpu.memref_slice %arg7[%dma_wait3A_93, %dma_wait3A_95, %dma_wait3A_96] : memref<4x40x300xf32, #tpu.memory_space<vmem>> -> memref<1x40x300xf32, #tpu.memory_space<vmem>>
    %dma_wait3A_98 = tpu.memref_squeeze %dma_wait3A_97 : memref<1x40x300xf32, #tpu.memory_space<vmem>> -> memref<40x300xf32, #tpu.memory_space<vmem>>
    %dma_wait3A_99 = arith.constant 0 : i32
    %dma_wait3A_100 = tpu.memref_slice %arg4[%add3A_92, %dma_wait3A_99] : memref<160000x300xf32, #tpu.memory_space<hbm>> -> memref<40x300xf32, #tpu.memory_space<hbm>>
    %dma_wait3A_101 = tpu.memref_slice %arg8[%dma_wait3A_94] : memref<4x!tpu.dma_semaphore, #tpu.memory_space<semaphore_mem>> -> memref<1x!tpu.dma_semaphore, #tpu.memory_space<semaphore_mem>>
    %dma_wait3A_102 = tpu.memref_squeeze %dma_wait3A_101 : memref<1x!tpu.dma_semaphore, #tpu.memory_space<semaphore_mem>> -> memref<!tpu.dma_semaphore, #tpu.memory_space<semaphore_mem>>
    %dma_wait3A_103 = arith.constant 0 : i32
    %dma_wait3A_104 = tpu.memref_slice %arg4[%add3A_92, %dma_wait3A_103] : memref<160000x300xf32, #tpu.memory_space<hbm>> -> memref<40x300xf32, #tpu.memory_space<hbm>>
    %dma_wait3A_105 = arith.constant 0 : i32
    %dma_wait3A_106 = arith.constant 0 : i32
    %dma_wait3A_107 = tpu.memref_slice %arg7[%dma_wait3A_93, %dma_wait3A_105, %dma_wait3A_106] : memref<4x40x300xf32, #tpu.memory_space<vmem>> -> memref<1x40x300xf32, #tpu.memory_space<vmem>>
    %dma_wait3A_108 = tpu.memref_squeeze %dma_wait3A_107 : memref<1x40x300xf32, #tpu.memory_space<vmem>> -> memref<40x300xf32, #tpu.memory_space<vmem>>
    tpu.wait_dma2 semaphore(%dma_wait3A_102 : memref<!tpu.dma_semaphore, #tpu.memory_space<semaphore_mem>>) src(%dma_wait3A_108 : memref<40x300xf32, #tpu.memory_space<vmem>>) dst(%dma_wait3A_104 : memref<40x300xf32, #tpu.memory_space<hbm>>)
    %add3A_109 = arith.constant 4960 : i32
    %add3A_110 = arith.addi %mul3A_2, %add3A_109 : i32
    %dma_wait3A_111 = arith.constant 0 : i32
    %dma_wait3A_112 = arith.constant 0 : i32
    %dma_wait3A_113 = arith.constant 0 : i32
    %dma_wait3A_114 = arith.constant 0 : i32
    %dma_wait3A_115 = tpu.memref_slice %arg7[%dma_wait3A_111, %dma_wait3A_113, %dma_wait3A_114] : memref<4x40x300xf32, #tpu.memory_space<vmem>> -> memref<1x40x300xf32, #tpu.memory_space<vmem>>
    %dma_wait3A_116 = tpu.memref_squeeze %dma_wait3A_115 : memref<1x40x300xf32, #tpu.memory_space<vmem>> -> memref<40x300xf32, #tpu.memory_space<vmem>>
    %dma_wait3A_117 = arith.constant 0 : i32
    %dma_wait3A_118 = tpu.memref_slice %arg4[%add3A_110, %dma_wait3A_117] : memref<160000x300xf32, #tpu.memory_space<hbm>> -> memref<40x300xf32, #tpu.memory_space<hbm>>
    %dma_wait3A_119 = tpu.memref_slice %arg8[%dma_wait3A_112] : memref<4x!tpu.dma_semaphore, #tpu.memory_space<semaphore_mem>> -> memref<1x!tpu.dma_semaphore, #tpu.memory_space<semaphore_mem>>
    %dma_wait3A_120 = tpu.memref_squeeze %dma_wait3A_119 : memref<1x!tpu.dma_semaphore, #tpu.memory_space<semaphore_mem>> -> memref<!tpu.dma_semaphore, #tpu.memory_space<semaphore_mem>>
    %dma_wait3A_121 = arith.constant 0 : i32
    %dma_wait3A_122 = tpu.memref_slice %arg4[%add3A_110, %dma_wait3A_121] : memref<160000x300xf32, #tpu.memory_space<hbm>> -> memref<40x300xf32, #tpu.memory_space<hbm>>
    %dma_wait3A_123 = arith.constant 0 : i32
    %dma_wait3A_124 = arith.constant 0 : i32
    %dma_wait3A_125 = tpu.memref_slice %arg7[%dma_wait3A_111, %dma_wait3A_123, %dma_wait3A_124] : memref<4x40x300xf32, #tpu.memory_space<vmem>> -> memref<1x40x300xf32, #tpu.memory_space<vmem>>
    %dma_wait3A_126 = tpu.memref_squeeze %dma_wait3A_125 : memref<1x40x300xf32, #tpu.memory_space<vmem>> -> memref<40x300xf32, #tpu.memory_space<vmem>>
    tpu.wait_dma2 semaphore(%dma_wait3A_120 : memref<!tpu.dma_semaphore, #tpu.memory_space<semaphore_mem>>) src(%dma_wait3A_126 : memref<40x300xf32, #tpu.memory_space<vmem>>) dst(%dma_wait3A_122 : memref<40x300xf32, #tpu.memory_space<hbm>>)
    return
  }
}

</mosaic_0001>

<sc_bundles>
// kernel: kernel.3.cloned.1.call-start
scs
__scs_entry_jumppad:
0x0: {  	(pc) =	sbr.rel $0x88, $3  }
0x1: {  	(tag) =	ssettag $0x0;
	lr =	simm.s32 $0x1  }
0x2: {  	[smem:$0x3F9F] =	sst lr;
	_ =	strace $0xD0000000  }
0x3: {  	_ = 	snop  }
0x4: {  	_ = 	snop  }
0x5: {  	_ = 	snop  }
0x6: {  	_ = 	snop  }
0x7: {  	_ = 	snop  }
__scs_overlays_trampoline_lowered:
0x8: {  	[smem:$0x3FAE] =	sst s0  }
0x9: {  	[smem:$0x3FAF] =	sst s1  }
0xa: {  	[smem:$0x3FB0] =	sst s2  }
0xb: {  	[smem:$0x3FB1] =	sst s3  }
0xc: {  	[smem:$0x3FB2] =	sst s4  }
0xd: {  	[smem:$0x3FB3] =	sst s5  }
0xe: {  	[smem:$0x3FB4] =	sst s6  }
0xf: {  	[smem:$0x3FB5] =	sst s7  }
0x10: {  	[smem:$0x3FB6] =	sst s8  }
0x11: {  	[smem:$0x3FB7] =	sst s9;
	s0 =	simm.s32 @!p0 $0x0  }
0x12: {  	s1 =	sld [smem:$0x3F9D];
	s0 =	simm.s32 @p0 $0x1  }
0x13: {  	[smem:$0x3FB8] =	sst s0;
	s0 =	simm.s32 @!p1 $0x0  }
0x14: {  	s2 =	sld [smem:$0x3F9C];
	s0 =	simm.s32 @p1 $0x1  }
0x15: {  	[smem:$0x3FB9] =	sst s0;
	s0 =	simm.s32 @!p2 $0x0  }
0x16: {  	s3 =	sld [smem:$0x3FDB];
	s0 =	simm.s32 @p2 $0x1  }
0x17: {  	s4 =	simm.s32 $0x1BF5;
	[smem:$0x3FBB] =	sst s0  }
0x18: {  	s0 =	sld [smem:$0x3F9E];
	_ =	swait.ge [sflag:s4], $0x0  }
0x19: {  	s7 =	sld [smem:$0x3F9F]  }
0x1a: {  	s8 =	sadd.s32 $0xFFFFE003, lr  }
0x1b: {  	s9 =	sadd.s32 $0xFFFFFEF7, lr;
	s5 =	simm.s32 $0xFFFFFFFF;
	p2 =	slt.u32 s8, $0xFFFFF086  }
0x1c: {  	p1 =	slt.u32 s9, $0xF7A;
	s5 =	simm.s32 @!p2 $0x0  }
0x1d: {  	s5 =	simm.s32 @p1 $0x1;
	p0 =	seq.s32 s7, s2  }
0x1e: {  	s7 =	smul.u32 @!p0 $0xF7A, s2;
	p2 =	seq.s32 @!p0 s5, $0x0  }
0x1f: {  	s9 =	smul.u32 $0xF7A, s1;
	s8 =	simm.s32 @!p0 $0x1BF5;
	p2 =	por !p2, p0  }
0x20: {  	[sflag:s8] =	ssyncset.s32 @!p0 $0xFFFFF086;
	s6 =	sadd.s32 @!p0 s3, s7;
	s7 =	simm.s32 @!p0 $0x108  }
0x21: {  	s3 =	sadd.s32 s3, s9;
	s6 =	sadd.s32 @!p0 $0x88, s6;
	s7 =	simm.s32 @p2 $0x1082  }
0x22: {  	[simem:s7], [sflag:s8] =	dma.local @!p0 [hbm:s6], $0xF7A  }
0x23: {  	s9 =	sor.u32 $0xD0000000, s2;
	s6 =	simm.s32 $0x108;
	_ =	swait.ge @!p0 [sflag:s8], $0x0  }
0x24: {  	s3 =	sadd.s32 $0x88, s3;
	s6 =	simm.s32 @!p1 $0x1082;
	[sflag:s4] =	ssyncset.s32 $0xFFFFF086  }
0x25: {  	[simem:s6], [sflag:s4] =	dma.local [hbm:s3], $0xF7A  }
0x26: {  	[smem:$0x3F9F] =	sst s1;
	(tag) =	ssettag s2;
	_ =	strace s9  }
0x27: {  	s1 =	sld [smem:$0x3FAF]  }
0x28: {  	s2 =	sld [smem:$0x3FB0]  }
0x29: {  	s4 =	sld [smem:$0x3FB2]  }
0x2a: {  	p0 =	seq.s32 s5, $0x0;
	s5 =	sld [smem:$0x3FB3]  }
0x2b: {  	s6 =	sld [smem:$0x3FB4]  }
0x2c: {  	s7 =	sld [smem:$0x3FB5]  }
0x2d: {  	s3 =	simm.s32 $0x108;
	s8 =	sld [smem:$0x3FB6]  }
0x2e: {  	s3 =	simm.s32 @!p0 $0x1082;
	s9 =	sld [smem:$0x3FB7]  }
0x2f: {  	lr =	sadd.s32 s0, s3;
	s0 =	sld [smem:$0x3FAE]  }
0x30: {  	s3 =	sld [smem:$0x3FB1]  }
0x31: {  	[smem:$0x3FBA] =	sst s10  }
0x32: {  	s10 =	sld [smem:$0x3FB8];
	_ =	sdelay $0x3  }
0x33: {  	p0 =	seq.s32 s10, $0x1;
	s10 =	sld [smem:$0x3FBA];
	_ =	sdelay $0x3  }
0x34: {  	[smem:$0x3FBA] =	sst s10  }
0x35: {  	s10 =	sld [smem:$0x3FB9];
	_ =	sdelay $0x3  }
0x36: {  	p1 =	seq.s32 s10, $0x1;
	s10 =	sld [smem:$0x3FBA];
	_ =	sdelay $0x3  }
0x37: {  	[smem:$0x3FBA] =	sst s10  }
0x38: {  	s10 =	sld [smem:$0x3FBB]  }
0x39: {  	_ = 	snop;
	(pc) =	sbr.ind lr, $3  }
0x3a: {  	_ = 	snop  }
0x3b: {  	_ = 	snop  }
0x3c: {  	p2 =	seq.s32 s10, $0x1;
	s10 =	sld [smem:$0x3FBA]  }
0x3d: {  	_ =	shalt  }
0x3e: {  	_ =	shalt  }
0x3f: {  	_ =	shalt  }
0x40: {  	_ =	shalt  }
0x41: {  	_ =	shalt  }
0x42: {  	_ =	shalt  }
0x43: {  	_ =	shalt  }
0x44: {  	_ =	shalt  }
0x45: {  	_ =	shalt  }
0x46: {  	_ =	shalt  }
0x47: {  	_ =	shalt  }
0x48: {  	_ =	shalt  }
0x49: {  	_ =	shalt  }
0x4a: {  	_ =	shalt  }
0x4b: {  	_ =	shalt  }
0x4c: {  	_ =	shalt  }
0x4d: {  	_ =	shalt  }
0x4e: {  	_ =	shalt  }
0x4f: {  	_ =	shalt  }
0x50: {  	_ =	shalt  }
0x51: {  	_ =	shalt  }
0x52: {  	_ =	shalt  }
0x53: {  	_ =	shalt  }
0x54: {  	_ =	shalt  }
0x55: {  	_ =	shalt  }
0x56: {  	_ =	shalt  }
0x57: {  	_ =	shalt  }
0x58: {  	_ =	shalt  }
0x59: {  	_ =	shalt  }
0x5a: {  	_ =	shalt  }
0x5b: {  	_ =	shalt  }
0x5c: {  	_ =	shalt  }
0x5d: {  	_ =	shalt  }
0x5e: {  	_ =	shalt  }
0x5f: {  	_ =	shalt  }
0x60: {  	_ =	shalt  }
0x61: {  	_ =	shalt  }
0x62: {  	_ =	shalt  }
0x63: {  	_ =	shalt  }
0x64: {  	_ =	shalt  }
0x65: {  	_ =	shalt  }
0x66: {  	_ =	shalt  }
0x67: {  	_ =	shalt  }
0x68: {  	_ =	shalt  }
0x69: {  	_ =	shalt  }
0x6a: {  	_ =	shalt  }
0x6b: {  	_ =	shalt  }
0x6c: {  	_ =	shalt  }
0x6d: {  	_ =	shalt  }
0x6e: {  	_ =	shalt  }
0x6f: {  	_ =	shalt  }
0x70: {  	_ =	shalt  }
0x71: {  	_ =	shalt  }
0x72: {  	_ =	shalt  }
0x73: {  	_ =	shalt  }
0x74: {  	_ =	shalt  }
0x75: {  	_ =	shalt  }
0x76: {  	_ =	shalt  }
0x77: {  	_ =	shalt  }
0x78: {  	_ =	shalt  }
0x79: {  	_ =	shalt  }
0x7a: {  	_ =	shalt  }
0x7b: {  	_ =	shalt  }
0x7c: {  	_ =	shalt  }
0x7d: {  	_ =	shalt  }
0x7e: {  	_ =	shalt  }
0x7f: {  	_ =	shalt  }
0x80: {  	_ =	shalt  }
0x81: {  	_ =	shalt  }
0x82: {  	_ =	shalt  }
0x83: {  	_ =	shalt  }
0x84: {  	_ =	shalt  }
0x85: {  	_ =	shalt  }
0x86: {  	_ =	shalt  }
0x87: {  	_ =	shalt  }
.Lfunc_end0:
.L_simem_size_0:
called_computation_lowered:
.L_overlay_start_0:
0x88: {  	s2 =	sld [smem:$0x3FD9]  }
0x89: {  	s3 =	sld [smem:$0x3FFE];
	_ =	sdelay $0x1  }
0x8a: {  	s1 =	srdreg.scid  }
0x8b: {  	s0 =	sand.u32 $0x1, s1  }
0x8c: {  	s17 =	sshll.u32 s0, $0xA;
	s2 =	sadd.s32 s3, s2  }
0x8d: {  	s2 =	sadd.s32 s2, s17  }
0x8e: {  	[smem:$0x3FC6] =	sst s2  }
0x8f: {  	_ = 	snop  }
0x90: {  	s2 =	sld [smem:$0x3FD0];
	(tm) =	ssettm $0x1  }
0x91: {  	s18 =	sld [smem:$0x3FFB];
	_ =	sdelay $0x3  }
0x92: {  	_ =	strace s18  }
0x93: {  	s3 =	sld [smem:$0x3FFC];
	_ =	sdelay $0x3  }
0x94: {  	_ =	strace s3  }
0x95: {  	s3 =	sld [smem:$0x3FFD];
	_ =	sdelay $0x3  }
0x96: {  	_ =	strace s3  }
0x97: {  	_ =	strace $0x8FFFFFFF  }
0x98: {  	s19 =	sld [smem:$0x3FDB];
	_ =	sdelay $0x1  }
0x99: {  	s4 =	simm.s32 $_scs_section_size  }
0x9a: {  	s5 =	simm.s32 $_size__tile_overlayer_lowered;
	s6 =	simm.s32 $_tile_overlayer_lowered  }
0x9b: {  	s22 =	simm.s32 $0x1BFF;
	s21 =	sshll.u32 s6, $0x1;
	s3 =	sadd.s32 s4, s19  }
0x9c: {  	s7 =	simm.s32 $0x0;
	s20 =	sshll.u32 s5, $0x1;
	s5 =	sadd.s32 s21, s3  }
0x9d: {  	[timem:s7], [sflag:s22] =	dma.local [hbm:s5], s20  }
0x9e: {  	_ =	swait.ge [sflag:s22], s20  }
0x9f: {  	s4 =	ssub.s32 $0x0, s20;
	[sflag:s22] =	ssyncset.done $0x0  }
0xa0: {  	[sflag:s22] =	ssyncadd.s32 s4;
	_ =	sdelay $0x1  }
0xa1: {  	s23 =	simm.s32 $0x1B8B  }
0xa2: {  	_ =	swait.ge [sflag:s23], $0x1  }
0xa3: {  	[sflag:s23] =	ssyncset.done $0x0  }
0xa4: {  	s25 =	simm.s32 $0x1B8E;
	s24 =	sld [smem:$0x3FFE];
	[sflag:s23] =	ssyncadd.s32 $0xFFFFFFFF  }
0xa5: {  	s26 =	simm.s32 $execute0_lowered;
	[smem:$0x3FD2] =	sst s25  }
0xa6: {  	s5 =	sshll.u32 s26, $0x1;
	_ =	strace $0x80000046;
	[dreg:$0x1] =	wrdreg $0xFFFFFFFF  }
0xa7: {  	s28 =	simm.s32 $_size_execute0_lowered;
	s3 =	sadd.s32 s3, s5;
	[dreg:$0x0] =	wrdreg $0x0  }
0xa8: {  	s5 =	sshll.u32 s28, $0x1;
	[dreg:$0x2] =	wrdreg s3  }
0xa9: {  	[dreg:$0x3] =	wrdreg s5  }
0xaa: {  	[dreg:$0x4] =	wrdreg $0xC0  }
0xab: {  	_ =	task [dreg:s7], $0x5FFFF  }
0xac: {  	[dreg:$0x1] =	wrdreg $0xFFFFFFFF  }
0xad: {  	[dreg:$0x0] =	wrdreg $0x60  }
0xae: {  	[dreg:$0x2] =	wrdreg s2  }
0xaf: {  	[dreg:$0x3] =	wrdreg s24  }
0xb0: {  	[dreg:$0x4] =	wrdreg $0x9  }
0xb1: {  	_ =	task.clear_ibuf [dreg:s7], $0x5FFFF;
	_ =	strace $0x90000046  }
0xb2: {  	s29 =	simm.s32 $0x9;
	_ =	strace $0x80000048  }
0xb3: {  	_ =	swait.ge [sflag:s29], $0x1  }
0xb4: {  	[sflag:s29] =	ssyncadd.s32 $0xFFFFFFFF  }
0xb5: {  	_ =	strace $0x90000048  }
0xb6: {  	_ =	sfence  }
0xb7: {  	s30 =	sld [smem:$0x0];
	_ =	sdelay $0x2  }
0xb8: {  	s31 =	sshll.u32 s1, $0xD;
	s1 =	sshrl.u32 s1, $0x2  }
0xb9: {  	s3 =	sand.u32 $0x4000, s31;
	s1 =	sadd.s32 s1, s30  }
0xba: {  	s0 =	sor.u32 s3, s0;
	s1 =	sshll.u32 s1, $0x11  }
0xbb: {  	s0 =	sor.u32 s1, s0  }
0xbc: {  	s0 =	sadd.s32 $0x8F2B, s0  }
0xbd: {  	[sflag:s0] =	ssyncadd.remote.s32 $0x1  }
0xbe: {  	_ =	sfence.sel $0xFFFF  }
0xbf: {  	[dreg:$0x0] =	wrdreg $0xFFFFFFFF;
	(pc) =	sbr.abs _section_cstart, $3  }
0xc0: {  	[dreg:$0x1] =	wrdreg $0xFFFFFFFF  }
0xc1: {  	_ =	task.clear_ibuf [dreg:s7], $0x2FFFF;
	_ =	strace $0x9FFFFFFF  }
0xc2: {  	(tm) =	ssettm $0x7FFFFFFF  }
0xc3: {  	_ =	shalt  }
tec
execute0_lowered:
.L_overlay_start_1:
0x0: {  	(tag) =	ssettag $0x1  }
0x1: {  	s1 =	srdreg.scid  }
0x2: {  	s0 =	stileid.u32;
	s6 =	rddreg [dreg:$0x0]  }
0x3: {  	s2 =	rddreg [dreg:$0x1];
	s3 =	simm.s32 $0x0;
	s10 =	simm.s32 $0x1580  }
0x4: {  	s11 =	simm.s32 $0x2;
	s12 =	simm.s32 $0x3;
	s13 =	simm.s32 $0x4  }
0x5: {  	s14 =	simm.s32 $0x1;
	s5 =	sand.u32 $0x1, s1;
	s31 =	sshll.u32 s0, $0x1  }
0x6: {  	s15 =	simm.s32 $0x0;
	s1 =	rddreg [dreg:$0x2];
	s4 =	sor.u32 s5, s31  }
0x7: {  	[smem:$0x7FF] =	sst s3;
	s7 =	ssub.s32 $0x2, s5;
	s4 =	smul.u32 $0x1388, s4  }
0x8: {  	_ =	strace $0x80000047;
	s5 =	sadd.s32 $0x200, s2;
	s8 =	sshrl.u32 s7, $0x1  }
0x9: {  	v0 =	vlaneseq.u32;
	s7 =	ssub.s32 s7, s8;
	s8 =	simm.s32 $0x5;
	s9 =	sshrl.u32 s4, $0x3  }
0xa: {  	v28 =	vor.u32 $0x20, v0;
	s7 =	smax.u32 s7, $0x1;
	s6 =	sadd.s32 s6, s9;
	s9 =	simm.s32 $0x1400  }
.LBB2_1:
0xb: {  	[tilespmem:s3], [sflag:$0x5] =	stream.linear.gather [hbm4b:s6+s3], $0x1388, $0x38;
	[tilespmem:$0x10580] =	vst v63  }
0xc: {  	_ =	swait.ge [sflag:s8], $0x1388  }
0xd: {  	[sflag:s8] =	ssyncset.done $0x0  }
0xe: {  	[sflag:s8] =	ssyncadd.s32 $0xFFFFEC78  }
0xf: {  	[tilespmem:s9], [sflag:$0x5] =	stream.linear.gather [hbm4b:s2+s3], $0x180, $0x38;
	[tilespmem:$0x10580] =	vst v63  }
0x10: {  	_ =	swait.ge [sflag:s8], $0x180  }
0x11: {  	[sflag:s8] =	ssyncset.done $0x0  }
0x12: {  	[sflag:s8] =	ssyncadd.s32 $0xFFFFFE80  }
0x13: {  	v38 =	vld [tilespmem:$0x1400];
	_ =	sdelay $0x4  }
0x14: {  	(v2sf) =	vpush v38, $0x1  }
0x15: {  	(v2sf) =	vpush v38, $0x0;
	_ =	sdelay $0xb  }
0x16: {  	v2 =	vld [tilespmem:$0x1410]  }
0x17: {  	v3 =	vld [tilespmem:$0x1420]  }
0x18: {  	v4 =	vld [tilespmem:$0x1430];
	s16 =	spop (v2sf)  }
0x19: {  	v61 =	vld [tilespmem:$0x1440];
	s17 =	spop (v2sf)  }
0x1a: {  	v6 =	vld [tilespmem:$0x1450];
	s16 =	ssub.f32 s16, s17  }
0x1b: {  	v7 =	vld [tilespmem:$0x1460]  }
0x1c: {  	v8 =	vld [tilespmem:$0x1470];
	v0 =	vmov s16  }
0x1d: {  	v9 =	vld [tilespmem:$0x1480];
	(erf) = vrcp.f32 v0  }
0x1e: {  	v10 =	vld [tilespmem:$0x1490]  }
0x1f: {  	v11 =	vld [tilespmem:$0x14A0]  }
0x20: {  	v12 =	vld [tilespmem:$0x14B0]  }
0x21: {  	v13 =	vld [tilespmem:$0x14C0]  }
0x22: {  	v14 =	vld [tilespmem:$0x14D0]  }
0x23: {  	v15 =	vld [tilespmem:$0x14E0]  }
0x24: {  	v16 =	vld [tilespmem:$0x14F0]  }
0x25: {  	v17 =	vld [tilespmem:$0x1500]  }
0x26: {  	v18 =	vld [tilespmem:$0x1510];
	v0 =	vpop (erf)  }
0x27: {  	s18 =	simm.s32 $0x0;
	v20 =	vld [tilespmem:$0x1520];
	s17 =	simm.s32 $0x0;
	s16 =	simm.s32 $0x0;
	v19 =	vxor.u32 $0x80000000, v0  }
.LBB2_2:
0x28: {  	s19 =	sand.u32 $0x3, s18  }
0x29: {  	v0 =	vmov s19  }
0x2a: {  	p0 =	slt.u32 s18, $0x4;
	v0 =	vmul.u32 $0x3C00, v0  }
0x2b: {  	s22 =	sadd.s32 @!p0 $0x1, s19  }
0x2c: {  	_ =	swait.ge @!p0 [sflag:s22], $0x3C00;
	v1 =	vadd.s32 $0x800, v0  }
0x2d: {  	[tilespmem:$0x1FF80] =	vst v1;
	v1 =	vadd.s32 $0x880, v0  }
0x2e: {  	[tilespmem:$0x1FF90] =	vst v1;
	v1 =	vadd.s32 $0x900, v0  }
0x2f: {  	s20 =	sand.u32 $0x3, s16;
	[tilespmem:$0x1FFA0] =	vst v1;
	v1 =	vadd.s32 $0x980, v0  }
0x30: {  	s20 =	smul.u32 $0xF000, s20;
	[tilespmem:$0x1FFB0] =	vst v1;
	v1 =	vadd.s32 $0xA00, v0  }
0x31: {  	s23 =	smul.u32 $0xF000, s19;
	[tilespmem:$0x1FFC0] =	vst v1;
	v1 =	vadd.s32 $0xA80, v0  }
0x32: {  	s20 =	sshrl.u32 s20, $0x2;
	[sflag:s22] =	ssyncset.done @!p0 $0x0;
	[tilespmem:$0x1FFD0] =	vst v1;
	v1 =	vadd.s32 $0xB00, v0  }
0x33: {  	s31 =	sshrl.u32 s23, $0x2;
	s23 =	smov.u32 s17;
	s21 =	sadd.s32 $0x1B50, s20;
	v0 =	vadd.s32 $0xB80, v0;
	[tilespmem:$0x1FFE0] =	vst v1  }
0x34: {  	[sflag:s22] =	ssyncadd.s32 @!p0 $0xFFFFC400;
	s20 =	sadd.s32 $0x1580, s31;
	s22 =	simm.s32 $0x0;
	[tilespmem:$0x1FFF0] =	vst v0  }
.LBB2_3:
0x35: {  	v29 =	vld [tilespmem:s23+$0x0];
	_ =	sdelay $0x4  }
0x36: {  	v0 =	vbroadcast v29, $0x0;
	_ =	sdelay $0x1  }
0x37: {  	v21 =	vsub.f32 v0, v38  }
0x38: {  	v22 =	vsub.f32 v0, v2  }
0x39: {  	v21 =	vmul.f32 v21, v21  }
0x3a: {  	v22 =	vmul.f32 v22, v22  }
0x3b: {  	v23 =	vsub.f32 v0, v3;
	v21 =	vmul.f32 v19, v21  }
0x3c: {  	v24 =	vsub.f32 v0, v4;
	v22 =	vmul.f32 v19, v22  }
0x3d: {  	v23 =	vmul.f32 v23, v23;
	v21 =	vmul.f32 $1.442695020e+00, v21  }
0x3e: {  	v24 =	vmul.f32 v24, v24;
	v22 =	vmul.f32 $1.442695020e+00, v22  }
0x3f: {  	(erf) = vpow2.f32 v21;
	v21 =	vmul.f32 v19, v23;
	v23 =	vsub.f32 v0, v61  }
0x40: {  	v33 =	vsub.f32 v0, v6;
	(erf) = vpow2.f32 v22;
	v22 =	vmul.f32 v19, v24  }
0x41: {  	v21 =	vmul.f32 $1.442695020e+00, v21;
	v23 =	vmul.f32 v23, v23  }
0x42: {  	v24 =	vmul.f32 v33, v33;
	v22 =	vmul.f32 $1.442695020e+00, v22  }
0x43: {  	(erf) = vpow2.f32 v21;
	v21 =	vmul.f32 v19, v23;
	v23 =	vsub.f32 v0, v7  }
0x44: {  	v34 =	vsub.f32 v0, v8;
	(erf) = vpow2.f32 v22;
	v22 =	vmul.f32 v19, v24  }
0x45: {  	v21 =	vmul.f32 $1.442695020e+00, v21;
	v23 =	vmul.f32 v23, v23  }
0x46: {  	v24 =	vmul.f32 v34, v34;
	v22 =	vmul.f32 $1.442695020e+00, v22  }
0x47: {  	(erf) = vpow2.f32 v21;
	v21 =	vmul.f32 v19, v23;
	v23 =	vsub.f32 v0, v9  }
0x48: {  	v35 =	vsub.f32 v0, v10;
	(erf) = vpow2.f32 v22;
	v22 =	vmul.f32 v19, v24  }
0x49: {  	v21 =	vmul.f32 $1.442695020e+00, v21;
	v23 =	vmul.f32 v23, v23  }
0x4a: {  	v24 =	vmul.f32 v35, v35;
	v22 =	vmul.f32 $1.442695020e+00, v22  }
0x4b: {  	(erf) = vpow2.f32 v21;
	v21 =	vmul.f32 v19, v23;
	v23 =	vsub.f32 v0, v11  }
0x4c: {  	v36 =	vsub.f32 v0, v12;
	(erf) = vpow2.f32 v22;
	v22 =	vmul.f32 v19, v24  }
0x4d: {  	v21 =	vmul.f32 $1.442695020e+00, v21;
	v23 =	vmul.f32 v23, v23  }
0x4e: {  	v24 =	vmul.f32 v36, v36;
	v22 =	vmul.f32 $1.442695020e+00, v22  }
0x4f: {  	(erf) = vpow2.f32 v21;
	v21 =	vmul.f32 v19, v23;
	v23 =	vsub.f32 v0, v13  }
0x50: {  	v37 =	vsub.f32 v0, v14;
	(erf) = vpow2.f32 v22;
	v22 =	vmul.f32 v19, v24  }
0x51: {  	v21 =	vmul.f32 $1.442695020e+00, v21;
	v23 =	vmul.f32 v23, v23  }
0x52: {  	v24 =	vmul.f32 v37, v37;
	v22 =	vmul.f32 $1.442695020e+00, v22  }
0x53: {  	(erf) = vpow2.f32 v21;
	v21 =	vmul.f32 v19, v23;
	v23 =	vsub.f32 v0, v15  }
0x54: {  	v39 =	vsub.f32 v0, v16;
	(erf) = vpow2.f32 v22;
	v22 =	vmul.f32 v19, v24  }
0x55: {  	v21 =	vmul.f32 $1.442695020e+00, v21;
	v23 =	vmul.f32 v23, v23  }
0x56: {  	v24 =	vmul.f32 v39, v39;
	v22 =	vmul.f32 $1.442695020e+00, v22  }
0x57: {  	v31 =	vpop (erf);
	(erf) = vpow2.f32 v21;
	v21 =	vmul.f32 v19, v23;
	v23 =	vsub.f32 v0, v17  }
0x58: {  	v25 =	vbroadcast v29, $0x1;
	v40 =	vsub.f32 v0, v18;
	v1 =	vpop (erf);
	(erf) = vpow2.f32 v22  }
0x59: {  	v22 =	vmul.f32 v19, v24;
	v23 =	vmul.f32 v23, v23  }
0x5a: {  	v24 =	vmul.f32 v40, v40;
	v21 =	vmul.f32 $1.442695020e+00, v21  }
0x5b: {  	v32 =	vpop (erf);
	v22 =	vmul.f32 $1.442695020e+00, v22;
	v23 =	vmul.f32 v19, v23  }
0x5c: {  	v42 =	vpop (erf);
	v0 =	vsub.f32 v0, v20;
	(erf) = vpow2.f32 v21;
	v21 =	vmul.f32 v19, v24  }
0x5d: {  	(erf) = vpow2.f32 v22;
	v22 =	vmul.f32 $1.442695020e+00, v23;
	v23 =	vsub.f32 v25, v38  }
0x5e: {  	v0 =	vmul.f32 v0, v0;
	v21 =	vmul.f32 $1.442695020e+00, v21  }
0x5f: {  	v43 =	vpop (erf);
	(erf) = vpow2.f32 v22;
	v22 =	vmul.f32 v23, v23;
	v23 =	vsub.f32 v25, v2  }
0x60: {  	v44 =	vpop (erf);
	v0 =	vmul.f32 v19, v0;
	(erf) = vpow2.f32 v21;
	v21 =	vsub.f32 v25, v3  }
0x61: {  	v22 =	vmul.f32 v19, v22;
	v23 =	vmul.f32 v23, v23  }
0x62: {  	v0 =	vmul.f32 $1.442695020e+00, v0;
	v21 =	vmul.f32 v21, v21  }
0x63: {  	v47 =	vpop (erf);
	v22 =	vmul.f32 $1.442695020e+00, v22;
	v23 =	vmul.f32 v19, v23  }
0x64: {  	v45 =	vpop (erf);
	(erf) = vpow2.f32 v0;
	v0 =	vmul.f32 v19, v21;
	v21 =	vsub.f32 v25, v4  }
0x65: {  	(erf) = vpow2.f32 v22;
	v22 =	vmul.f32 $1.442695020e+00, v23;
	v23 =	vsub.f32 v25, v61  }
0x66: {  	v30 =	vpop (erf);
	v0 =	vmul.f32 $1.442695020e+00, v0;
	v21 =	vmul.f32 v21, v21  }
0x67: {  	v46 =	vpop (erf);
	(erf) = vpow2.f32 v22;
	v22 =	vmul.f32 v23, v23;
	v23 =	vsub.f32 v25, v6  }
0x68: {  	(erf) = vpow2.f32 v0;
	v0 =	vmul.f32 v19, v21;
	v21 =	vsub.f32 v25, v7  }
0x69: {  	v22 =	vmul.f32 v19, v22;
	v23 =	vmul.f32 v23, v23  }
0x6a: {  	v0 =	vmul.f32 $1.442695020e+00, v0;
	v21 =	vmul.f32 v21, v21  }
0x6b: {  	v22 =	vmul.f32 $1.442695020e+00, v22;
	v23 =	vmul.f32 v19, v23  }
0x6c: {  	v49 =	vpop (erf);
	(erf) = vpow2.f32 v0;
	v0 =	vmul.f32 v19, v21;
	v21 =	vsub.f32 v25, v8  }
0x6d: {  	v48 =	vpop (erf);
	(erf) = vpow2.f32 v22;
	v22 =	vmul.f32 $1.442695020e+00, v23;
	v23 =	vsub.f32 v25, v9  }
0x6e: {  	v50 =	vpop (erf);
	v0 =	vmul.f32 $1.442695020e+00, v0;
	v21 =	vmul.f32 v21, v21  }
0x6f: {  	v51 =	vpop (erf);
	(erf) = vpow2.f32 v22;
	v22 =	vmul.f32 v23, v23;
	v23 =	vsub.f32 v25, v10  }
0x70: {  	(erf) = vpow2.f32 v0;
	v0 =	vmul.f32 v19, v21;
	v21 =	vsub.f32 v25, v11  }
0x71: {  	v22 =	vmul.f32 v19, v22;
	v23 =	vmul.f32 v23, v23  }
0x72: {  	v0 =	vmul.f32 $1.442695020e+00, v0;
	v21 =	vmul.f32 v21, v21  }
0x73: {  	v22 =	vmul.f32 $1.442695020e+00, v22;
	v23 =	vmul.f32 v19, v23  }
0x74: {  	v53 =	vpop (erf);
	(erf) = vpow2.f32 v0;
	v0 =	vmul.f32 v19, v21;
	v21 =	vsub.f32 v25, v12  }
0x75: {  	v52 =	vpop (erf);
	(erf) = vpow2.f32 v22;
	v22 =	vmul.f32 $1.442695020e+00, v23;
	v23 =	vsub.f32 v25, v13  }
0x76: {  	v0 =	vmul.f32 $1.442695020e+00, v0;
	v21 =	vmul.f32 v21, v21  }
0x77: {  	v55 =	vpop (erf);
	(erf) = vpow2.f32 v22;
	v22 =	vmul.f32 v23, v23;
	v23 =	vsub.f32 v25, v14  }
0x78: {  	v54 =	vpop (erf);
	(erf) = vpow2.f32 v0;
	v0 =	vmul.f32 v19, v21;
	v21 =	vsub.f32 v25, v15  }
0x79: {  	v22 =	vmul.f32 v19, v22;
	v23 =	vmul.f32 v23, v23  }
0x7a: {  	v0 =	vmul.f32 $1.442695020e+00, v0;
	v21 =	vmul.f32 v21, v21  }
0x7b: {  	v22 =	vmul.f32 $1.442695020e+00, v22;
	v23 =	vmul.f32 v19, v23  }
0x7c: {  	v58 =	vpop (erf);
	(erf) = vpow2.f32 v0;
	v0 =	vmul.f32 v19, v21;
	v21 =	vsub.f32 v25, v16  }
0x7d: {  	v56 =	vpop (erf);
	(erf) = vpow2.f32 v22;
	v22 =	vmul.f32 $1.442695020e+00, v23;
	v23 =	vsub.f32 v25, v17  }
0x7e: {  	v5 =	vpop (erf);
	v0 =	vmul.f32 $1.442695020e+00, v0;
	v21 =	vmul.f32 v21, v21  }
0x7f: {  	[tilespmem:$0x1FCC0] =	vst v5;
	v5 =	vpop (erf);
	(erf) = vpow2.f32 v22;
	v22 =	vmul.f32 v23, v23;
	v23 =	vsub.f32 v25, v18  }
0x80: {  	(erf) = vpow2.f32 v0;
	v0 =	vmul.f32 v19, v21  }
0x81: {  	v21 =	vmul.f32 v19, v22;
	v22 =	vmul.f32 v23, v23  }
0x82: {  	v41 =	vbroadcast v29, $0x2;
	v23 =	vsub.f32 v25, v20;
	v0 =	vmul.f32 $1.442695020e+00, v0  }
0x83: {  	v21 =	vmul.f32 $1.442695020e+00, v21;
	v22 =	vmul.f32 v19, v22  }
0x84: {  	[tilespmem:$0x1FCD0] =	vst v5;
	v5 =	vpop (erf);
	(erf) = vpow2.f32 v0;
	v0 =	vmul.f32 v23, v23;
	v23 =	vsub.f32 v41, v38  }
0x85: {  	[tilespmem:$0x1FCE0] =	vst v5;
	v5 =	vpop (erf);
	(erf) = vpow2.f32 v21;
	v21 =	vmul.f32 $1.442695020e+00, v22;
	v22 =	vsub.f32 v41, v2  }
0x86: {  	v0 =	vmul.f32 v19, v0;
	v23 =	vmul.f32 v23, v23  }
0x87: {  	[tilespmem:$0x1FCF0] =	vst v5;
	v5 =	vpop (erf);
	(erf) = vpow2.f32 v21;
	v21 =	vmul.f32 v22, v22;
	v22 =	vsub.f32 v41, v3  }
0x88: {  	v0 =	vmul.f32 $1.442695020e+00, v0;
	v23 =	vmul.f32 v19, v23  }
0x89: {  	v21 =	vmul.f32 v19, v21;
	v22 =	vmul.f32 v22, v22  }
0x8a: {  	[tilespmem:$0x1FD00] =	vst v5;
	v5 =	vpop (erf);
	(erf) = vpow2.f32 v0;
	v0 =	vmul.f32 $1.442695020e+00, v23;
	v23 =	vsub.f32 v41, v4  }
0x8b: {  	v21 =	vmul.f32 $1.442695020e+00, v21;
	v22 =	vmul.f32 v19, v22  }
0x8c: {  	[tilespmem:$0x1FD10] =	vst v5;
	v5 =	vpop (erf);
	(erf) = vpow2.f32 v0;
	v0 =	vmul.f32 v23, v23;
	v23 =	vsub.f32 v41, v61  }
0x8d: {  	[tilespmem:$0x1FD20] =	vst v5;
	v5 =	vpop (erf);
	(erf) = vpow2.f32 v21;
	v21 =	vmul.f32 $1.442695020e+00, v22;
	v22 =	vsub.f32 v41, v6  }
0x8e: {  	v0 =	vmul.f32 v19, v0;
	v23 =	vmul.f32 v23, v23  }
0x8f: {  	[tilespmem:$0x1FD30] =	vst v5;
	v5 =	vpop (erf);
	(erf) = vpow2.f32 v21;
	v21 =	vmul.f32 v22, v22;
	v22 =	vsub.f32 v41, v7  }
0x90: {  	v0 =	vmul.f32 $1.442695020e+00, v0;
	v23 =	vmul.f32 v19, v23  }
0x91: {  	v21 =	vmul.f32 v19, v21;
	v22 =	vmul.f32 v22, v22  }
0x92: {  	[tilespmem:$0x1FD40] =	vst v5;
	v5 =	vpop (erf);
	(erf) = vpow2.f32 v0;
	v0 =	vmul.f32 $1.442695020e+00, v23;
	v23 =	vsub.f32 v41, v8  }
0x93: {  	v21 =	vmul.f32 $1.442695020e+00, v21;
	v22 =	vmul.f32 v19, v22  }
0x94: {  	[tilespmem:$0x1FD50] =	vst v5;
	v5 =	vpop (erf);
	(erf) = vpow2.f32 v0;
	v0 =	vmul.f32 v23, v23;
	v23 =	vsub.f32 v41, v9  }
0x95: {  	[tilespmem:$0x1FD60] =	vst v5;
	v5 =	vpop (erf);
	(erf) = vpow2.f32 v21;
	v21 =	vmul.f32 $1.442695020e+00, v22;
	v22 =	vsub.f32 v41, v10  }
0x96: {  	v0 =	vmul.f32 v19, v0;
	v23 =	vmul.f32 v23, v23  }
0x97: {  	[tilespmem:$0x1FD70] =	vst v5;
	v5 =	vpop (erf);
	(erf) = vpow2.f32 v21;
	v21 =	vmul.f32 v22, v22;
	v22 =	vsub.f32 v41, v11  }
0x98: {  	v0 =	vmul.f32 $1.442695020e+00, v0;
	v23 =	vmul.f32 v19, v23  }
0x99: {  	v21 =	vmul.f32 v19, v21;
	v22 =	vmul.f32 v22, v22  }
0x9a: {  	[tilespmem:$0x1FD80] =	vst v5;
	v5 =	vpop (erf);
	(erf) = vpow2.f32 v0;
	v0 =	vmul.f32 $1.442695020e+00, v23;
	v23 =	vsub.f32 v41, v12  }
0x9b: {  	v21 =	vmul.f32 $1.442695020e+00, v21;
	v22 =	vmul.f32 v19, v22  }
0x9c: {  	[tilespmem:$0x1FD90] =	vst v5;
	v5 =	vpop (erf);
	(erf) = vpow2.f32 v0;
	v0 =	vmul.f32 v23, v23;
	v23 =	vsub.f32 v41, v13  }
0x9d: {  	[tilespmem:$0x1FDA0] =	vst v5;
	v5 =	vpop (erf);
	(erf) = vpow2.f32 v21;
	v21 =	vmul.f32 $1.442695020e+00, v22;
	v22 =	vsub.f32 v41, v14  }
0x9e: {  	v0 =	vmul.f32 v19, v0;
	v23 =	vmul.f32 v23, v23  }
0x9f: {  	[tilespmem:$0x1FDB0] =	vst v5;
	v5 =	vpop (erf);
	(erf) = vpow2.f32 v21;
	v21 =	vmul.f32 v22, v22;
	v22 =	vsub.f32 v41, v15  }
0xa0: {  	v0 =	vmul.f32 $1.442695020e+00, v0;
	v23 =	vmul.f32 v19, v23  }
0xa1: {  	v21 =	vmul.f32 v19, v21;
	v22 =	vmul.f32 v22, v22  }
0xa2: {  	[tilespmem:$0x1FDC0] =	vst v5;
	v5 =	vpop (erf);
	(erf) = vpow2.f32 v0;
	v0 =	vmul.f32 $1.442695020e+00, v23;
	v23 =	vsub.f32 v41, v16  }
0xa3: {  	v21 =	vmul.f32 $1.442695020e+00, v21;
	v22 =	vmul.f32 v19, v22  }
0xa4: {  	[tilespmem:$0x1FDD0] =	vst v5;
	v5 =	vpop (erf);
	(erf) = vpow2.f32 v0;
	v0 =	vmul.f32 v23, v23;
	v23 =	vsub.f32 v41, v17  }
0xa5: {  	[tilespmem:$0x1FDE0] =	vst v5;
	v5 =	vpop (erf);
	(erf) = vpow2.f32 v21;
	v21 =	vmul.f32 $1.442695020e+00, v22;
	v22 =	vsub.f32 v41, v18  }
0xa6: {  	v0 =	vmul.f32 v19, v0;
	v23 =	vmul.f32 v23, v23  }
0xa7: {  	[tilespmem:$0x1FDF0] =	vst v5;
	v5 =	vpop (erf);
	(erf) = vpow2.f32 v21;
	v21 =	vmul.f32 v22, v22  }
0xa8: {  	v57 =	vbroadcast v29, $0x3;
	v22 =	vmul.f32 v19, v23;
	v23 =	vsub.f32 v41, v20  }
0xa9: {  	v0 =	vmul.f32 $1.442695020e+00, v0;
	v21 =	vmul.f32 v19, v21  }
0xaa: {  	[tilespmem:$0x1FE00] =	vst v5;
	v5 =	vpop (erf);
	v22 =	vmul.f32 $1.442695020e+00, v22;
	v23 =	vmul.f32 v23, v23  }
0xab: {  	[tilespmem:$0x1FE10] =	vst v5;
	v5 =	vpop (erf);
	(erf) = vpow2.f32 v0;
	v0 =	vmul.f32 $1.442695020e+00, v21;
	v21 =	vsub.f32 v57, v38  }
0xac: {  	[tilespmem:$0x1FE20] =	vst v5;
	v5 =	vpop (erf);
	(erf) = vpow2.f32 v22;
	v22 =	vmul.f32 v19, v23;
	v23 =	vsub.f32 v57, v2  }
0xad: {  	(erf) = vpow2.f32 v0;
	v0 =	vmul.f32 v21, v21;
	v21 =	vsub.f32 v57, v3  }
0xae: {  	v22 =	vmul.f32 $1.442695020e+00, v22;
	v23 =	vmul.f32 v23, v23  }
0xaf: {  	v0 =	vmul.f32 v19, v0;
	v21 =	vmul.f32 v21, v21  }
0xb0: {  	[tilespmem:$0x1FE30] =	vst v5;
	v5 =	vpop (erf);
	(erf) = vpow2.f32 v22;
	v22 =	vmul.f32 v19, v23;
	v23 =	vsub.f32 v57, v4  }
0xb1: {  	v0 =	vmul.f32 $1.442695020e+00, v0;
	v21 =	vmul.f32 v19, v21  }
0xb2: {  	[tilespmem:$0x1FE40] =	vst v5;
	v5 =	vpop (erf);
	v22 =	vmul.f32 $1.442695020e+00, v22;
	v23 =	vmul.f32 v23, v23  }
0xb3: {  	[tilespmem:$0x1FE50] =	vst v5;
	v5 =	vpop (erf);
	(erf) = vpow2.f32 v0;
	v0 =	vmul.f32 $1.442695020e+00, v21;
	v21 =	vsub.f32 v57, v61  }
0xb4: {  	(erf) = vpow2.f32 v22;
	v22 =	vmul.f32 v19, v23;
	v23 =	vsub.f32 v57, v6  }
0xb5: {  	[tilespmem:$0x1FE60] =	vst v5;
	v5 =	vpop (erf);
	(erf) = vpow2.f32 v0;
	v0 =	vmul.f32 v21, v21;
	v21 =	vsub.f32 v57, v7  }
0xb6: {  	v22 =	vmul.f32 $1.442695020e+00, v22;
	v23 =	vmul.f32 v23, v23  }
0xb7: {  	v0 =	vmul.f32 v19, v0;
	v21 =	vmul.f32 v21, v21  }
0xb8: {  	[tilespmem:$0x1FE70] =	vst v5;
	v5 =	vpop (erf);
	(erf) = vpow2.f32 v22;
	v22 =	vmul.f32 v19, v23;
	v23 =	vsub.f32 v57, v8  }
0xb9: {  	v0 =	vmul.f32 $1.442695020e+00, v0;
	v21 =	vmul.f32 v19, v21  }
0xba: {  	v22 =	vmul.f32 $1.442695020e+00, v22;
	v23 =	vmul.f32 v23, v23  }
0xbb: {  	[tilespmem:$0x1FE80] =	vst v5;
	v5 =	vpop (erf);
	(erf) = vpow2.f32 v0;
	v0 =	vmul.f32 $1.442695020e+00, v21;
	v21 =	vsub.f32 v57, v9  }
0xbc: {  	[tilespmem:$0x1FE90] =	vst v5;
	v5 =	vpop (erf);
	(erf) = vpow2.f32 v22;
	v22 =	vmul.f32 v19, v23;
	v23 =	vsub.f32 v57, v10  }
0xbd: {  	[tilespmem:$0x1FEA0] =	vst v5;
	v5 =	vpop (erf);
	(erf) = vpow2.f32 v0;
	v0 =	vmul.f32 v21, v21;
	v21 =	vsub.f32 v57, v11  }
0xbe: {  	v22 =	vmul.f32 $1.442695020e+00, v22;
	v23 =	vmul.f32 v23, v23  }
0xbf: {  	v0 =	vmul.f32 v19, v0;
	v21 =	vmul.f32 v21, v21  }
0xc0: {  	[tilespmem:$0x1FEB0] =	vst v5;
	v5 =	vpop (erf);
	(erf) = vpow2.f32 v22;
	v22 =	vmul.f32 v19, v23  }
0xc1: {  	v0 =	vmul.f32 $1.442695020e+00, v0;
	v21 =	vmul.f32 v19, v21  }
0xc2: {  	v23 =	vsub.f32 v57, v12;
	v22 =	vmul.f32 $1.442695020e+00, v22  }
0xc3: {  	v37 =	vpop (erf);
	(erf) = vpow2.f32 v0;
	v0 =	vmul.f32 $1.442695020e+00, v21;
	v21 =	vsub.f32 v57, v13  }
0xc4: {  	[tilespmem:$0x1FEC0] =	vst v5;
	v5 =	vpop (erf);
	v23 =	vmul.f32 v23, v23;
	(erf) = vpow2.f32 v22  }
0xc5: {  	[tilespmem:$0x1FED0] =	vst v5;
	v5 =	vpop (erf);
	(erf) = vpow2.f32 v0;
	v0 =	vmul.f32 v21, v21  }
0xc6: {  	v22 =	vmul.f32 v19, v23;
	v23 =	vsub.f32 v57, v14  }
0xc7: {  	v21 =	vsub.f32 v57, v15;
	v0 =	vmul.f32 v19, v0  }
0xc8: {  	v22 =	vmul.f32 $1.442695020e+00, v22;
	v23 =	vmul.f32 v23, v23  }
0xc9: {  	v21 =	vmul.f32 v21, v21;
	v0 =	vmul.f32 $1.442695020e+00, v0  }
0xca: {  	[tilespmem:$0x1FEE0] =	vst v5;
	v5 =	vpop (erf);
	(erf) = vpow2.f32 v22;
	v22 =	vmul.f32 v19, v23  }
0xcb: {  	v23 =	vsub.f32 v57, v16  }
0xcc: {  	[tilespmem:$0x1FEF0] =	vst v5;
	v5 =	vpop (erf);
	v21 =	vmul.f32 v19, v21;
	v22 =	vmul.f32 $1.442695020e+00, v22  }
0xcd: {  	v23 =	vmul.f32 v23, v23;
	(erf) = vpow2.f32 v0;
	v0 =	vpop (erf)  }
0xce: {  	[tilespmem:$0x1FF10] =	vst v0;
	v0 =	vmul.f32 $1.442695020e+00, v21;
	v21 =	vsub.f32 v57, v17  }
0xcf: {  	(erf) = vpow2.f32 v22;
	v22 =	vmul.f32 v19, v23  }
0xd0: {  	v36 =	vpop (erf);
	(erf) = vpow2.f32 v0;
	v0 =	vmul.f32 v21, v21;
	v21 =	vsub.f32 v57, v18  }
0xd1: {  	v34 =	vbroadcast v29, $0x4;
	v23 =	vsub.f32 v57, v20;
	v22 =	vmul.f32 $1.442695020e+00, v22  }
0xd2: {  	v0 =	vmul.f32 v19, v0;
	v21 =	vmul.f32 v21, v21  }
0xd3: {  	v35 =	vpop (erf);
	(erf) = vpow2.f32 v22;
	v22 =	vmul.f32 v23, v23;
	v23 =	vsub.f32 v34, v38  }
0xd4: {  	v0 =	vmul.f32 $1.442695020e+00, v0;
	v21 =	vmul.f32 v19, v21  }
0xd5: {  	v22 =	vmul.f32 v19, v22;
	v23 =	vmul.f32 v23, v23  }
0xd6: {  	v33 =	vpop (erf);
	(erf) = vpow2.f32 v0;
	v0 =	vmul.f32 $1.442695020e+00, v21;
	v21 =	vsub.f32 v34, v2  }
0xd7: {  	v22 =	vmul.f32 $1.442695020e+00, v22;
	v23 =	vmul.f32 v19, v23  }
0xd8: {  	[tilespmem:$0x1FF00] =	vst v5;
	v5 =	vpop (erf);
	(erf) = vpow2.f32 v0;
	v0 =	vmul.f32 v21, v21;
	v21 =	vsub.f32 v34, v3  }
0xd9: {  	[tilespmem:$0x1FF20] =	vst v5;
	v5 =	vpop (erf);
	(erf) = vpow2.f32 v22;
	v22 =	vmul.f32 $1.442695020e+00, v23;
	v23 =	vsub.f32 v34, v4  }
0xda: {  	v0 =	vmul.f32 v19, v0;
	v21 =	vmul.f32 v21, v21  }
0xdb: {  	[tilespmem:$0x1FF30] =	vst v5;
	v5 =	vpop (erf);
	(erf) = vpow2.f32 v22;
	v22 =	vmul.f32 v23, v23;
	v23 =	vsub.f32 v34, v61  }
0xdc: {  	v0 =	vmul.f32 $1.442695020e+00, v0;
	v21 =	vmul.f32 v19, v21  }
0xdd: {  	v22 =	vmul.f32 v19, v22;
	v23 =	vmul.f32 v23, v23  }
0xde: {  	[tilespmem:$0x1FF40] =	vst v5;
	v5 =	vpop (erf);
	(erf) = vpow2.f32 v0;
	v0 =	vmul.f32 $1.442695020e+00, v21;
	v21 =	vsub.f32 v34, v6  }
0xdf: {  	v22 =	vmul.f32 $1.442695020e+00, v22;
	v23 =	vmul.f32 v19, v23  }
0xe0: {  	v25 =	vpop (erf);
	(erf) = vpow2.f32 v0;
	v0 =	vmul.f32 v21, v21;
	v21 =	vsub.f32 v34, v7  }
0xe1: {  	v27 =	vpop (erf);
	(erf) = vpow2.f32 v22;
	v22 =	vmul.f32 $1.442695020e+00, v23;
	v23 =	vsub.f32 v34, v8  }
0xe2: {  	v0 =	vmul.f32 v19, v0;
	v21 =	vmul.f32 v21, v21  }
0xe3: {  	v26 =	vpop (erf);
	(erf) = vpow2.f32 v22;
	v22 =	vmul.f32 v23, v23;
	v23 =	vsub.f32 v34, v9;
	_ =	sdelay $0x1  }
0xe4: {  	v0 =	vmul.f32 $1.442695020e+00, v0;
	v21 =	vmul.f32 v19, v21  }
0xe5: {  	v59 =	vmul.f32 v23, v23  }
0xe6: {  	v23 =	vpop (erf);
	(erf) = vpow2.f32 v0;
	v0 =	vmul.f32 $1.442695020e+00, v21;
	v21 =	vsub.f32 v34, v10;
	_ =	sdelay $0x2  }
0xe7: {  	v22 =	vmul.f32 v19, v22;
	v39 =	vmul.f32 v19, v59;
	v24 =	vpop (erf)  }
0xe8: {  	(erf) = vpow2.f32 v0;
	v0 =	vmul.f32 v21, v21;
	v21 =	vpop (erf)  }
0xe9: {  	[tilespmem:$0x1FF60] =	vst v21;
	v21 =	vsub.f32 v34, v11  }
0xea: {  	[tilespmem:s21+$0xFFFFFA30] =	vst v31;
	v62 =	vmul.f32 $1.442695020e+00, v39  }
0xeb: {  	[tilespmem:s21+$0xFFFFFA40] =	vst v1;
	v60 =	vmul.f32 $1.442695020e+00, v22;
	v0 =	vmul.f32 v19, v0  }
0xec: {  	[tilespmem:s21+$0xFFFFFA50] =	vst v32;
	v22 =	vpop (erf)  }
0xed: {  	[tilespmem:s21+$0xFFFFFA60] =	vst v42;
	(erf) = vpow2.f32 v60;
	v40 =	vmul.f32 v21, v21;
	v21 =	vpop (erf)  }
0xee: {  	[tilespmem:s21+$0xFFFFFA70] =	vst v43;
	(erf) = vpow2.f32 v62;
	v62 =	vpop (erf)  }
0xef: {  	[tilespmem:s21+$0xFFFFFA80] =	vst v44;
	v41 =	vmul.f32 $1.442695020e+00, v0;
	v0 =	vpop (erf)  }
0xf0: {  	[tilespmem:$0x1FF70] =	vst v0;
	v0 =	vld [tilespmem:$0x1FF80]  }
0xf1: {  	[tilespmem:s21+$0xFFFFFA90] =	vst v47;
	v60 =	vmov s22  }
0xf2: {  	[tilespmem:s21+$0xFFFFFAA0] =	vst v45;
	v43 =	vshrl.u32 v60, $0x3  }
0xf3: {  	[tilespmem:s21+$0xFFFFFE30] =	vst v30;
	v30 =	vmul.u32 $0xC00, v43  }
0xf4: {  	[tilespmem:s21+$0xFFFFFE40] =	vst v46  }
0xf5: {  	[tilespmem:s21+$0xFFFFFE50] =	vst v49;
	v47 =	vadd.s32 v30, v0  }
0xf6: {  	[tilespmem:s21+$0xFFFFFE60] =	vst v48;
	(erf) = vpow2.f32 v41;
	v41 =	vbroadcast v47, $0x0  }
0xf7: {  	[tilespmem:s21+$0xFFFFFE70] =	vst v50  }
0xf8: {  	[tilespmem:s21+$0xFFFFFE80] =	vst v51;
	v41 =	vor.u32 v28, v41  }
0xf9: {  	[tilespmem:s21+$0xFFFFFE90] =	vst v53;
	v0 =	vld [tilespmem:$0x1FCC0]  }
0xfa: {  	[tilespmem:s21+$0xFFFFFEA0] =	vst v52  }
0xfb: {  	[tilespmem:s21+$0x230] =	vst v55  }
0xfc: {  	[tilespmem:s21+$0x240] =	vst v54  }
0xfd: {  	[tilespmem:v41+s10+$0x0] =	vst.idx.msk $0xfff, v58  }
0xfe: {  	[tilespmem:s21+$0xFFFFFAC0] =	vst v0;
	v0 =	vld [tilespmem:$0x1FCD0];
	_ =	sdelay $0x4  }
0xff: {  	[tilespmem:s21+$0xFFFFFAD0] =	vst v0;
	v0 =	vld [tilespmem:$0x1FCE0];
	_ =	sdelay $0x4  }
0x100: {  	[tilespmem:s21+$0xFFFFFAE0] =	vst v0;
	v0 =	vld [tilespmem:$0x1FCF0];
	_ =	sdelay $0x1  }
0x101: {  	v63 =	vsub.f32 v34, v12;
	_ =	sdelay $0x1  }
0x102: {  	v57 =	vmul.f32 v63, v63  }
0x103: {  	v63 =	vsub.f32 v34, v14;
	v40 =	vmul.f32 v19, v40;
	[tilespmem:s21+$0xFFFFFAF0] =	vst v0;
	v0 =	vld [tilespmem:$0x1FF90]  }
0x104: {  	[tilespmem:$0x1FF50] =	vst v5;
	v5 =	vmovc v4;
	v4 =	vmovc v3;
	v3 =	vmov v2;
	v2 =	vmov v38;
	v38 =	vmul.f32 v19, v57  }
0x105: {  	v40 =	vmul.f32 $1.442695020e+00, v40  }
0x106: {  	v44 =	vmul.f32 v63, v63;
	v38 =	vmul.f32 $1.442695020e+00, v38  }
0x107: {  	(erf) = vpow2.f32 v40  }
0x108: {  	(erf) = vpow2.f32 v38;
	v38 =	vmul.f32 v19, v44;
	v44 =	vadd.s32 v30, v0;
	v0 =	vld [tilespmem:$0x1FD00];
	_ =	sdelay $0x4  }
0x109: {  	[tilespmem:s21+$0xFFFFFB00] =	vst v0;
	v0 =	vld [tilespmem:$0x1FD10];
	_ =	sdelay $0x4  }
0x10a: {  	[tilespmem:s21+$0xFFFFFB10] =	vst v0;
	v0 =	vld [tilespmem:$0x1FFA0];
	_ =	sdelay $0x2  }
0x10b: {  	v45 =	vsub.f32 v34, v15;
	_ =	sdelay $0x1  }
0x10c: {  	v40 =	vmul.f32 v45, v45;
	v45 =	vadd.s32 v30, v0;
	v0 =	vld [tilespmem:$0x1FD20];
	_ =	sdelay $0x4  }
0x10d: {  	[tilespmem:s21+$0xFFFFFB20] =	vst v0;
	v0 =	vld [tilespmem:$0x1FD30];
	_ =	sdelay $0x4  }
0x10e: {  	[tilespmem:s21+$0xFFFFFEB0] =	vst v0;
	v0 =	vld [tilespmem:$0x1FFB0];
	_ =	sdelay $0x4  }
0x10f: {  	v47 =	vadd.s32 v30, v0;
	v0 =	vld [tilespmem:$0x1FD40];
	_ =	sdelay $0x4  }
0x110: {  	v59 =	vsub.f32 v34, v13;
	[tilespmem:s21+$0xFFFFFEC0] =	vst v0;
	v0 =	vld [tilespmem:$0x1FD50];
	_ =	sdelay $0x1  }
0x111: {  	v39 =	vmul.f32 v59, v59;
	_ =	sdelay $0x1  }
0x112: {  	v39 =	vmul.f32 v19, v39  }
0x113: {  	[tilespmem:s21+$0xFFFFFED0] =	vst v0;
	v0 =	vld [tilespmem:$0x1FFC0]  }
0x114: {  	v39 =	vmul.f32 $1.442695020e+00, v39;
	v40 =	vmul.f32 v19, v40  }
0x115: {  	v38 =	vmul.f32 $1.442695020e+00, v38  }
0x116: {  	v63 =	vpop (erf);
	(erf) = vpow2.f32 v39;
	v49 =	vmul.f32 $1.442695020e+00, v40  }
0x117: {  	v60 =	vpop (erf);
	(erf) = vpow2.f32 v38  }
0x118: {  	v59 =	vpop (erf);
	(erf) = vpow2.f32 v49;
	v49 =	vadd.s32 v30, v0;
	v0 =	vld [tilespmem:$0x1FD60];
	_ =	sdelay $0x4  }
0x119: {  	[tilespmem:s21+$0xFFFFFEE0] =	vst v0;
	v0 =	vld [tilespmem:$0x1FD70];
	_ =	sdelay $0x4  }
0x11a: {  	[tilespmem:s21+$0xFFFFFEF0] =	vst v0;
	v0 =	vld [tilespmem:$0x1FD80];
	_ =	sdelay $0x4  }
0x11b: {  	[tilespmem:s21+$0xFFFFFF00] =	vst v0;
	v0 =	vld [tilespmem:$0x1FD90];
	_ =	sdelay $0x4  }
0x11c: {  	[tilespmem:s21+$0xFFFFFF10] =	vst v0;
	v0 =	vld [tilespmem:$0x1FDA0]  }
0x11d: {  	v46 =	vsub.f32 v34, v16;
	_ =	sdelay $0x1  }
0x11e: {  	v39 =	vmul.f32 v46, v46;
	_ =	sdelay $0x1  }
0x11f: {  	v39 =	vmul.f32 v19, v39;
	[tilespmem:s21+$0xFFFFFF20] =	vst v0;
	v0 =	vld [tilespmem:$0x1FDB0];
	_ =	sdelay $0x1  }
0x120: {  	v51 =	vmul.f32 $1.442695020e+00, v39;
	v39 =	vbroadcast v29, $0x5;
	_ =	sdelay $0x1  }
0x121: {  	v53 =	vsub.f32 v39, v2  }
0x122: {  	[tilespmem:s21+$0x2B0] =	vst v0;
	v0 =	vld [tilespmem:$0x1FDC0]  }
0x123: {  	v41 =	vmul.f32 v53, v53;
	_ =	sdelay $0x1  }
0x124: {  	v55 =	vmul.f32 v19, v41;
	v41 =	vbroadcast v44, $0x0;
	_ =	sdelay $0x1  }
0x125: {  	v41 =	vor.u32 v28, v41;
	[tilespmem:s21+$0x2C0] =	vst v0;
	v0 =	vld [tilespmem:$0x1FDD0];
	_ =	sdelay $0x3  }
0x126: {  	[tilespmem:s21+$0xFFFFFAB0] =	vst v56  }
0x127: {  	[tilespmem:v41+s10+$0x0] =	vst.idx.msk $0xfff, v0;
	v0 =	vld [tilespmem:$0x1FDE0];
	_ =	sdelay $0x4  }
0x128: {  	[tilespmem:s21+$0xFFFFFB30] =	vst v0;
	v0 =	vld [tilespmem:$0x1FDF0];
	_ =	sdelay $0x4  }
0x129: {  	[tilespmem:s21+$0xFFFFFB40] =	vst v0;
	v0 =	vld [tilespmem:$0x1FE00];
	_ =	sdelay $0x4  }
0x12a: {  	[tilespmem:s21+$0xFFFFFB50] =	vst v0;
	v0 =	vld [tilespmem:$0x1FE10];
	_ =	sdelay $0x4  }
0x12b: {  	[tilespmem:s21+$0xFFFFFB60] =	vst v0;
	v0 =	vld [tilespmem:$0x1FE20];
	_ =	sdelay $0x4  }
0x12c: {  	[tilespmem:s21+$0xFFFFFB70] =	vst v0;
	v0 =	vld [tilespmem:$0x1FE30];
	_ =	sdelay $0x4  }
0x12d: {  	[tilespmem:s21+$0xFFFFFB80] =	vst v0;
	v0 =	vld [tilespmem:$0x1FE40];
	_ =	sdelay $0x4  }
0x12e: {  	[tilespmem:s21+$0xFFFFFB90] =	vst v0;
	v0 =	vld [tilespmem:$0x1FE50]  }
0x12f: {  	v48 =	vsub.f32 v34, v17  }
0x130: {  	v50 =	vsub.f32 v34, v18;
	v34 =	vsub.f32 v34, v20  }
0x131: {  	v42 =	vmul.f32 v48, v48  }
0x132: {  	v34 =	vmul.f32 v34, v34  }
0x133: {  	v42 =	vmul.f32 v19, v42;
	v40 =	vmul.f32 v50, v50;
	[tilespmem:s21+$0xFFFFFBA0] =	vst v0;
	v0 =	vld [tilespmem:$0x1FE60]  }
0x134: {  	v34 =	vmul.f32 v19, v34;
	v54 =	vsub.f32 v39, v3  }
0x135: {  	v52 =	vmul.f32 $1.442695020e+00, v42;
	v40 =	vmul.f32 v19, v40  }
0x136: {  	v34 =	vmul.f32 $1.442695020e+00, v34;
	v38 =	vmul.f32 v54, v54  }
0x137: {  	v57 =	vpop (erf);
	(erf) = vpow2.f32 v51;
	v40 =	vmul.f32 $1.442695020e+00, v40  }
0x138: {  	v58 =	vpop (erf);
	(erf) = vpow2.f32 v52;
	v38 =	vmul.f32 v19, v38;
	[tilespmem:s21+$0xFFFFFF30] =	vst v0;
	v0 =	vld [tilespmem:$0x1FE70]  }
0x139: {  	v46 =	vsub.f32 v39, v4;
	v56 =	vpop (erf);
	(erf) = vpow2.f32 v40;
	v40 =	vmul.f32 $1.442695020e+00, v55  }
0x13a: {  	v48 =	vsub.f32 v39, v5;
	v54 =	vpop (erf);
	(erf) = vpow2.f32 v34;
	v38 =	vmul.f32 $1.442695020e+00, v38  }
0x13b: {  	v51 =	vsub.f32 v39, v6;
	v52 =	vpop (erf);
	(erf) = vpow2.f32 v40;
	v40 =	vmul.f32 v46, v46  }
0x13c: {  	v50 =	vsub.f32 v39, v61;
	v53 =	vpop (erf);
	(erf) = vpow2.f32 v38;
	v38 =	vmul.f32 v48, v48  }
0x13d: {  	v32 =	vsub.f32 v39, v8;
	v43 =	vmul.f32 v51, v51;
	v40 =	vmul.f32 v19, v40;
	[tilespmem:s21+$0xFFFFFF40] =	vst v0;
	v0 =	vld [tilespmem:$0x1FE80]  }
0x13e: {  	v38 =	vmul.f32 v19, v38;
	v44 =	vmul.f32 v50, v50  }
0x13f: {  	v32 =	vmul.f32 v32, v32;
	v40 =	vmul.f32 $1.442695020e+00, v40  }
0x140: {  	v38 =	vmul.f32 $1.442695020e+00, v38;
	v44 =	vmul.f32 v19, v44  }
0x141: {  	v42 =	vbroadcast v45, $0x0;
	v55 =	vbroadcast v49, $0x0  }
0x142: {  	v49 =	vpop (erf);
	(erf) = vpow2.f32 v40;
	v40 =	vmul.f32 v19, v43;
	v43 =	vsub.f32 v39, v7;
	[tilespmem:s21+$0xFFFFFF50] =	vst v0;
	v0 =	vld [tilespmem:$0x1FE90]  }
0x143: {  	v51 =	vpop (erf);
	(erf) = vpow2.f32 v38;
	v38 =	vmul.f32 $1.442695020e+00, v44  }
0x144: {  	v34 =	vbroadcast v47, $0x0;
	v43 =	vmul.f32 v43, v43  }
0x145: {  	v45 =	vsub.f32 v39, v9;
	v50 =	vpop (erf);
	v40 =	vmul.f32 $1.442695020e+00, v40;
	(erf) = vpow2.f32 v38  }
0x146: {  	v47 =	vsub.f32 v39, v10;
	v38 =	vmul.f32 v19, v32;
	v46 =	vmul.f32 v19, v43  }
0x147: {  	v48 =	vpop (erf);
	(erf) = vpow2.f32 v40;
	v41 =	vmul.f32 v45, v45;
	[tilespmem:s21+$0xFFFFFF60] =	vst v0;
	v0 =	vld [tilespmem:$0x1FEA0]  }
0x148: {  	v43 =	vmul.f32 v47, v47;
	v40 =	vmul.f32 $1.442695020e+00, v46  }
0x149: {  	v38 =	vmul.f32 $1.442695020e+00, v38;
	[tilespmem:s21+$0xFFFFFFA0] =	vst v37;
	v37 =	vld [tilespmem:$0x1FED0];
	v41 =	vmul.f32 v19, v41  }
0x14a: {  	v47 =	vpop (erf);
	(erf) = vpow2.f32 v40;
	v40 =	vmul.f32 v19, v43;
	v43 =	vsub.f32 v39, v11  }
0x14b: {  	v32 =	vsub.f32 v39, v12;
	v46 =	vpop (erf);
	(erf) = vpow2.f32 v38;
	v38 =	vmul.f32 $1.442695020e+00, v41  }
0x14c: {  	v40 =	vmul.f32 $1.442695020e+00, v40;
	v43 =	vmul.f32 v43, v43;
	[tilespmem:s21+$0xFFFFFF70] =	vst v0;
	v0 =	vld [tilespmem:$0x1FEB0]  }
0x14d: {  	v44 =	vpop (erf);
	(erf) = vpow2.f32 v38;
	v38 =	vmul.f32 v32, v32;
	v32 =	vsub.f32 v39, v13  }
0x14e: {  	v45 =	vpop (erf);
	[tilespmem:s21+$0x330] =	vst v37;
	v37 =	vld [tilespmem:$0x1FEE0];
	(erf) = vpow2.f32 v40;
	v40 =	vmul.f32 v19, v43;
	v43 =	vsub.f32 v39, v14  }
0x14f: {  	v38 =	vmul.f32 v19, v38;
	v32 =	vmul.f32 v32, v32  }
0x150: {  	v40 =	vmul.f32 $1.442695020e+00, v40;
	v31 =	vmul.f32 v43, v43  }
0x151: {  	v38 =	vmul.f32 $1.442695020e+00, v38;
	v32 =	vmul.f32 v19, v32;
	[tilespmem:s21+$0xFFFFFF80] =	vst v0;
	v0 =	vld [tilespmem:$0x1FEC0]  }
0x152: {  	v41 =	vpop (erf);
	(erf) = vpow2.f32 v40;
	v31 =	vmul.f32 v19, v31;
	v40 =	vsub.f32 v39, v15  }
0x153: {  	v1 =	vmov v28;
	v28 =	vor.u32 v28, v42;
	[tilespmem:s21+$0x340] =	vst v37;
	v37 =	vld [tilespmem:$0x1FEF0];
	v32 =	vmul.f32 $1.442695020e+00, v32  }
0x154: {  	v43 =	vpop (erf);
	(erf) = vpow2.f32 v38;
	v31 =	vmul.f32 $1.442695020e+00, v31  }
0x155: {  	v42 =	vpop (erf);
	(erf) = vpow2.f32 v32  }
0x156: {  	[tilespmem:s21+$0xFFFFFF90] =	vst v0;
	v0 =	vmul.f32 v40, v40;
	v40 =	vpop (erf);
	(erf) = vpow2.f32 v31;
	v31 =	vsub.f32 v39, v18  }
0x157: {  	v38 =	vsub.f32 v39, v16  }
0x158: {  	[tilespmem:v28+s10+$0x0] =	vst.idx.msk $0xfff, v37;
	v28 =	vmul.f32 v31, v31;
	v31 =	vld [tilespmem:$0x1FF00]  }
0x159: {  	v32 =	vmul.f32 v38, v38;
	v38 =	vsub.f32 v39, v17  }
0x15a: {  	v37 =	vld [tilespmem:$0x1FF10];
	v0 =	vmul.f32 v19, v0  }
0x15b: {  	v32 =	vmul.f32 v19, v32;
	v38 =	vmul.f32 v38, v38  }
0x15c: {  	v0 =	vmul.f32 $1.442695020e+00, v0  }
0x15d: {  	[tilespmem:s21+$0xFFFFFBB0] =	vst v31;
	v31 =	vmul.f32 $1.442695020e+00, v32;
	v32 =	vmul.f32 v19, v38;
	_ =	sdelay $0x1  }
0x15e: {  	v39 =	vsub.f32 v39, v20;
	[tilespmem:s21+$0xFFFFFBC0] =	vst v37;
	v37 =	vpop (erf);
	(erf) = vpow2.f32 v0;
	v0 =	vmul.f32 $1.442695020e+00, v32  }
0x15f: {  	[tilespmem:s21+$0xFFFFFBD0] =	vst v36;
	v36 =	vpop (erf);
	(erf) = vpow2.f32 v31  }
0x160: {  	[tilespmem:s21+$0xFFFFFBE0] =	vst v35;
	v35 =	vpop (erf);
	(erf) = vpow2.f32 v0;
	v0 =	vmul.f32 v39, v39;
	v39 =	vld [tilespmem:$0x1FF20];
	_ =	sdelay $0x4  }
0x161: {  	[tilespmem:s21+$0xFFFFFC00] =	vst v39;
	v39 =	vld [tilespmem:$0x1FF30];
	_ =	sdelay $0x3  }
0x162: {  	v28 =	vmul.f32 v19, v28;
	v38 =	vbroadcast v29, $0x6  }
0x163: {  	[tilespmem:s21+$0xFFFFFC10] =	vst v39;
	v39 =	vld [tilespmem:$0x1FF40]  }
0x164: {  	v28 =	vmul.f32 $1.442695020e+00, v28;
	v31 =	vsub.f32 v38, v2;
	_ =	sdelay $0x1  }
0x165: {  	[tilespmem:s21+$0xFFFFFBF0] =	vst v33;
	v33 =	vpop (erf);
	v32 =	vsub.f32 v38, v3;
	(erf) = vpow2.f32 v28;
	v28 =	vmul.f32 v31, v31  }
0x166: {  	v31 =	vsub.f32 v38, v4;
	v0 =	vmul.f32 v19, v0  }
0x167: {  	v32 =	vmul.f32 v32, v32;
	v28 =	vmul.f32 v19, v28;
	[tilespmem:s21+$0xFFFFFC20] =	vst v39;
	v39 =	vld [tilespmem:$0x1FF50]  }
0x168: {  	v31 =	vmul.f32 v31, v31;
	v0 =	vmul.f32 $1.442695020e+00, v0  }
0x169: {  	[tilespmem:s21+$0xFFFFFFC0] =	vst v25;
	v25 =	vpop (erf);
	v32 =	vmul.f32 v19, v32;
	v28 =	vmul.f32 $1.442695020e+00, v28  }
0x16a: {  	[tilespmem:s21+$0xFFFFFFD0] =	vst v27;
	v27 =	vpop (erf);
	v31 =	vmul.f32 v19, v31;
	(erf) = vpow2.f32 v0  }
0x16b: {  	[tilespmem:s21+$0xFFFFFFE0] =	vst v26;
	v26 =	vpop (erf);
	v0 =	vmul.f32 $1.442695020e+00, v32;
	(erf) = vpow2.f32 v28  }
0x16c: {  	v28 =	vmul.f32 $1.442695020e+00, v31;
	v31 =	vsub.f32 v38, v61;
	[tilespmem:s21+$0xFFFFFFB0] =	vst v39;
	v39 =	vsub.f32 v38, v5  }
0x16d: {  	(erf) = vpow2.f32 v0  }
0x16e: {  	v0 =	vmul.f32 v39, v39;
	v39 =	vmul.f32 v31, v31;
	v31 =	vld [tilespmem:$0x1FF60];
	_ =	sdelay $0x2  }
0x16f: {  	v32 =	vsub.f32 v38, v6;
	_ =	sdelay $0x1  }
0x170: {  	[tilespmem:s21+$0x10] =	vst v31;
	v31 =	vmul.f32 v32, v32;
	_ =	sdelay $0x1  }
0x171: {  	v34 =	vor.u32 v1, v34;
	[tilespmem:s21+$0x3B0] =	vst v21;
	v21 =	vmul.f32 v19, v31;
	v31 =	vld [tilespmem:$0x1FF70]  }
0x172: {  	[tilespmem:s21+$0xFFFFFFF0] =	vst v23  }
0x173: {  	[tilespmem:s21+$0x0] =	vst v24  }
0x174: {  	[tilespmem:s21+$0x20] =	vst v22  }
0x175: {  	[tilespmem:s21+$0x3C0] =	vst v62  }
0x176: {  	[tilespmem:v34+s10+$0x0] =	vst.idx.msk $0xfff, v31  }
0x177: {  	[tilespmem:s21+$0xFFFFFC30] =	vst v63  }
0x178: {  	v23 =	vpop (erf);
	(erf) = vpow2.f32 v28;
	v28 =	vsub.f32 v38, v7;
	[tilespmem:s21+$0xFFFFFC40] =	vst v60  }
0x179: {  	v0 =	vmul.f32 v19, v0;
	[tilespmem:s21+$0xFFFFFC50] =	vst v59  }
0x17a: {  	v22 =	vmul.f32 v19, v39;
	v32 =	vmul.f32 v28, v28;
	[tilespmem:s21+$0xFFFFFC60] =	vst v57  }
0x17b: {  	v0 =	vmul.f32 $1.442695020e+00, v0;
	[tilespmem:s21+$0xFFFFFC70] =	vst v58  }
0x17c: {  	v22 =	vmul.f32 $1.442695020e+00, v22;
	v24 =	vmul.f32 v19, v32;
	[tilespmem:s21+$0xFFFFFC80] =	vst v56  }
0x17d: {  	v28 =	vpop (erf);
	(erf) = vpow2.f32 v0;
	v0 =	vmul.f32 $1.442695020e+00, v21;
	v21 =	vsub.f32 v38, v8;
	[tilespmem:s21+$0xFFFFFC90] =	vst v54  }
0x17e: {  	v39 =	vsub.f32 v38, v9;
	v31 =	vpop (erf);
	(erf) = vpow2.f32 v22;
	v22 =	vmul.f32 $1.442695020e+00, v24;
	[tilespmem:s21+$0xFFFFFCA0] =	vst v52  }
0x17f: {  	v32 =	vpop (erf);
	(erf) = vpow2.f32 v0;
	v0 =	vmul.f32 v21, v21;
	v21 =	vsub.f32 v38, v10;
	[tilespmem:s21+$0x30] =	vst v53  }
0x180: {  	v59 =	vsub.f32 v38, v11;
	[tilespmem:s21+$0x40] =	vst v49;
	v34 =	vpop (erf);
	(erf) = vpow2.f32 v22;
	v22 =	vmul.f32 v39, v39  }
0x181: {  	[tilespmem:s21+$0x50] =	vst v51;
	v0 =	vmul.f32 v19, v0;
	v21 =	vmul.f32 v21, v21  }
0x182: {  	[tilespmem:s21+$0x60] =	vst v50;
	v24 =	vmul.f32 v59, v59;
	v22 =	vmul.f32 v19, v22  }
0x183: {  	[tilespmem:s21+$0x70] =	vst v48;
	v0 =	vmul.f32 $1.442695020e+00, v0;
	v21 =	vmul.f32 v19, v21  }
0x184: {  	[tilespmem:s21+$0x80] =	vst v47;
	v63 =	vor.u32 v1, v55;
	v24 =	vmul.f32 v19, v24;
	v22 =	vmul.f32 $1.442695020e+00, v22  }
0x185: {  	[tilespmem:s21+$0x90] =	vst v46;
	v39 =	vpop (erf);
	(erf) = vpow2.f32 v0;
	v0 =	vmul.f32 $1.442695020e+00, v21;
	v21 =	vsub.f32 v38, v12  }
0x186: {  	v60 =	vsub.f32 v38, v13;
	[tilespmem:s21+$0xA0] =	vst v44;
	v52 =	vpop (erf);
	(erf) = vpow2.f32 v22;
	v22 =	vmul.f32 $1.442695020e+00, v24  }
0x187: {  	[tilespmem:s21+$0x430] =	vst v45;
	v53 =	vpop (erf);
	(erf) = vpow2.f32 v0;
	v0 =	vmul.f32 v21, v21  }
0x188: {  	[tilespmem:s21+$0x440] =	vst v41;
	v49 =	vpop (erf);
	v21 =	vsub.f32 v38, v14;
	(erf) = vpow2.f32 v22;
	v22 =	vmul.f32 v60, v60  }
0x189: {  	v62 =	vsub.f32 v38, v15;
	[tilespmem:v63+s10+$0x0] =	vst.idx.msk $0xfff, v43;
	v0 =	vmul.f32 v19, v0  }
0x18a: {  	v48 =	vld [tilespmem:$0x1FFD0];
	[tilespmem:s21+$0xFFFFFCB0] =	vst v42;
	v21 =	vmul.f32 v21, v21;
	v22 =	vmul.f32 v19, v22  }
0x18b: {  	[tilespmem:s21+$0xFFFFFCC0] =	vst v40;
	v24 =	vmul.f32 v62, v62;
	v0 =	vmul.f32 $1.442695020e+00, v0  }
0x18c: {  	[tilespmem:s21+$0xFFFFFCD0] =	vst v37;
	v21 =	vmul.f32 v19, v21;
	v22 =	vmul.f32 $1.442695020e+00, v22  }
0x18d: {  	[tilespmem:s21+$0xFFFFFCE0] =	vst v36;
	v24 =	vmul.f32 v19, v24  }
0x18e: {  	v46 =	vpop (erf);
	[tilespmem:s21+$0xFFFFFCF0] =	vst v35;
	(erf) = vpow2.f32 v0;
	v0 =	vmul.f32 $1.442695020e+00, v21;
	v21 =	vsub.f32 v38, v16  }
0x18f: {  	v43 =	vadd.s32 v30, v48;
	[tilespmem:s21+$0xFFFFFD00] =	vst v33;
	v44 =	vpop (erf);
	v24 =	vmul.f32 $1.442695020e+00, v24;
	(erf) = vpow2.f32 v22  }
0x190: {  	[tilespmem:s21+$0xFFFFFD10] =	vst v25;
	v22 =	vpop (erf);
	(erf) = vpow2.f32 v0;
	v0 =	vmul.f32 v21, v21;
	v21 =	vsub.f32 v38, v17  }
0x191: {  	v47 =	vsub.f32 v38, v18;
	v50 =	vbroadcast v43, $0x0;
	[tilespmem:s21+$0xFFFFFD20] =	vst v27  }
0x192: {  	[tilespmem:s21+$0xB0] =	vst v26;
	v38 =	vsub.f32 v38, v20;
	v41 =	vpop (erf);
	(erf) = vpow2.f32 v24;
	v21 =	vmul.f32 v21, v21  }
0x193: {  	[tilespmem:s21+$0xC0] =	vst v23;
	v24 =	vmul.f32 v47, v47;
	v0 =	vmul.f32 v19, v0  }
0x194: {  	[tilespmem:s21+$0xD0] =	vst v28;
	v54 =	vmul.f32 v38, v38;
	v21 =	vmul.f32 v19, v21  }
0x195: {  	[tilespmem:s21+$0xE0] =	vst v31;
	v23 =	vor.u32 v1, v50;
	v51 =	vmul.f32 $1.442695020e+00, v0;
	v0 =	vbroadcast v29, $0x7  }
0x196: {  	[tilespmem:s21+$0xF0] =	vst v32;
	v24 =	vmul.f32 v19, v24;
	v29 =	vpop (erf);
	v38 =	vmov v2;
	v21 =	vmul.f32 $1.442695020e+00, v21  }
0x197: {  	[tilespmem:s21+$0x100] =	vst v34;
	v2 =	vmov v3;
	v55 =	vpop (erf);
	(erf) = vpow2.f32 v51;
	v56 =	vsub.f32 v0, v38  }
0x198: {  	[tilespmem:s21+$0x110] =	vst v39;
	v57 =	vpop (erf);
	v58 =	vsub.f32 v0, v2;
	(erf) = vpow2.f32 v21;
	v21 =	vmul.f32 v19, v54  }
0x199: {  	[tilespmem:s21+$0x120] =	vst v52;
	v24 =	vmul.f32 $1.442695020e+00, v24;
	v59 =	vmul.f32 v56, v56  }
0x19a: {  	[tilespmem:s21+$0x4B0] =	vst v53;
	v3 =	vmov v4;
	v27 =	vmul.f32 v58, v58;
	v21 =	vmul.f32 $1.442695020e+00, v21  }
0x19b: {  	[tilespmem:s21+$0x4C0] =	vst v49;
	v60 =	vsub.f32 v0, v3;
	(erf) = vpow2.f32 v24;
	v24 =	vmul.f32 v19, v59  }
0x19c: {  	[tilespmem:v23+s10+$0x0] =	vst.idx.msk $0xfff, v46;
	v37 =	vsub.f32 v0, v61;
	v62 =	vpop (erf);
	(erf) = vpow2.f32 v21;
	v21 =	vmul.f32 v19, v27  }
0x19d: {  	v4 =	vmovc v5;
	v46 =	vsub.f32 v0, v9;
	v25 =	vmul.f32 v60, v60;
	v24 =	vmul.f32 $1.442695020e+00, v24  }
0x19e: {  	v31 =	vsub.f32 v0, v4;
	v28 =	vpop (erf);
	v42 =	vmul.f32 v37, v37;
	v21 =	vmul.f32 $1.442695020e+00, v21  }
0x19f: {  	v53 =	vsub.f32 v0, v13;
	v48 =	vmul.f32 v46, v46;
	v63 =	vpop (erf);
	(erf) = vpow2.f32 v24  }
0x1a0: {  	v40 =	vpop (erf);
	(erf) = vpow2.f32 v21;
	v21 =	vmul.f32 v31, v31;
	v31 =	vsub.f32 v0, v6  }
0x1a1: {  	[tilespmem:s21+$0xFFFFFD70] =	vst v55;
	v55 =	vmul.f32 v53, v53;
	v25 =	vmul.f32 v19, v25  }
0x1a2: {  	v21 =	vmul.f32 v19, v21;
	v31 =	vmul.f32 v31, v31  }
0x1a3: {  	v36 =	vmul.f32 $1.442695020e+00, v25;
	v24 =	vmul.f32 v19, v42  }
0x1a4: {  	v21 =	vmul.f32 $1.442695020e+00, v21;
	v31 =	vmul.f32 v19, v31  }
0x1a5: {  	v43 =	vsub.f32 v0, v7;
	v23 =	vpop (erf);
	v24 =	vmul.f32 $1.442695020e+00, v24;
	(erf) = vpow2.f32 v36  }
0x1a6: {  	[tilespmem:s21+$0xFFFFFD30] =	vst v44;
	v44 =	vpop (erf);
	(erf) = vpow2.f32 v21;
	v21 =	vmul.f32 $1.442695020e+00, v31;
	v31 =	vsub.f32 v0, v8  }
0x1a7: {  	[tilespmem:s21+$0xFFFFFD40] =	vst v22;
	v54 =	vsub.f32 v0, v14;
	v25 =	vmul.f32 v43, v43;
	v22 =	vpop (erf);
	(erf) = vpow2.f32 v24  }
0x1a8: {  	(erf) = vpow2.f32 v21;
	v21 =	vmul.f32 v31, v31;
	v31 =	vsub.f32 v0, v10  }
0x1a9: {  	v25 =	vmul.f32 v19, v25;
	[tilespmem:s21+$0x170] =	vst v22;
	v22 =	vmul.f32 v54, v54  }
0x1aa: {  	[tilespmem:s21+$0xFFFFFD60] =	vst v29;
	v21 =	vmul.f32 v19, v21;
	v29 =	vmul.f32 v31, v31  }
0x1ab: {  	v5 =	vld [tilespmem:$0x1FFE0];
	v45 =	vmul.f32 $1.442695020e+00, v25;
	v24 =	vmul.f32 v19, v48  }
0x1ac: {  	v47 =	vpop (erf);
	v21 =	vmul.f32 $1.442695020e+00, v21;
	v50 =	vmul.f32 v19, v29  }
0x1ad: {  	v49 =	vsub.f32 v0, v11;
	[tilespmem:s21+$0xFFFFFDA0] =	vst v28;
	v28 =	vpop (erf);
	(erf) = vpow2.f32 v45;
	v24 =	vmul.f32 $1.442695020e+00, v24  }
0x1ae: {  	v51 =	vsub.f32 v0, v12;
	v29 =	vpop (erf);
	(erf) = vpow2.f32 v21;
	v21 =	vmul.f32 $1.442695020e+00, v50  }
0x1af: {  	[tilespmem:s21+$0xFFFFFD50] =	vst v41;
	v25 =	vmul.f32 v49, v49;
	v31 =	vpop (erf);
	(erf) = vpow2.f32 v24  }
0x1b0: {  	v27 =	vadd.s32 v30, v5;
	[tilespmem:s21+$0x150] =	vst v23;
	v23 =	vpop (erf);
	(erf) = vpow2.f32 v21;
	v21 =	vmul.f32 v51, v51  }
0x1b1: {  	[tilespmem:s21+$0xFFFFFD80] =	vst v57;
	v27 =	vbroadcast v27, $0x0;
	v25 =	vmul.f32 v19, v25  }
0x1b2: {  	[tilespmem:s21+$0xFFFFFD90] =	vst v62;
	v56 =	vsub.f32 v0, v15;
	v22 =	vmul.f32 v19, v22;
	v21 =	vmul.f32 v19, v21  }
0x1b3: {  	[tilespmem:s21+$0x130] =	vst v63;
	v52 =	vmul.f32 $1.442695020e+00, v25;
	v24 =	vmul.f32 v19, v55  }
0x1b4: {  	[tilespmem:s21+$0x140] =	vst v40;
	v25 =	vmul.f32 v56, v56;
	v21 =	vmul.f32 $1.442695020e+00, v21  }
0x1b5: {  	[tilespmem:s21+$0x160] =	vst v44;
	v57 =	vor.u32 v1, v27;
	(erf) = vpow2.f32 v52;
	v27 =	vpop (erf);
	v24 =	vmul.f32 $1.442695020e+00, v24  }
0x1b6: {  	[tilespmem:s21+$0x190] =	vst v28;
	v28 =	vpop (erf);
	(erf) = vpow2.f32 v21;
	v21 =	vmul.f32 $1.442695020e+00, v22;
	v22 =	vsub.f32 v0, v16  }
0x1b7: {  	v59 =	vsub.f32 v0, v17;
	v25 =	vmul.f32 v19, v25;
	[tilespmem:s21+$0x540] =	vst v23;
	v23 =	vpop (erf);
	(erf) = vpow2.f32 v24  }
0x1b8: {  	[tilespmem:s21+$0x180] =	vst v47;
	v60 =	vpop (erf);
	(erf) = vpow2.f32 v21;
	v21 =	vmul.f32 v22, v22;
	v22 =	vsub.f32 v0, v18  }
0x1b9: {  	v62 =	vmul.f32 v59, v59;
	v58 =	vmul.f32 $1.442695020e+00, v25;
	[tilespmem:s21+$0x1A0] =	vst v29;
	v0 =	vsub.f32 v0, v20  }
0x1ba: {  	[tilespmem:s21+$0x530] =	vst v31;
	v21 =	vmul.f32 v19, v21;
	v22 =	vmul.f32 v22, v22  }
0x1bb: {  	[tilespmem:v57+s10+$0x0] =	vst.idx.msk $0xfff, v27;
	v24 =	vmul.f32 v19, v62;
	v0 =	vmul.f32 v0, v0  }
0x1bc: {  	[tilespmem:s21+$0xFFFFFDC0] =	vst v23;
	v23 =	vpop (erf);
	v21 =	vmul.f32 $1.442695020e+00, v21;
	v22 =	vmul.f32 v19, v22  }
0x1bd: {  	v63 =	vpop (erf);
	(erf) = vpow2.f32 v58;
	v0 =	vmul.f32 v19, v0  }
0x1be: {  	[tilespmem:s21+$0xFFFFFDE0] =	vst v23;
	v23 =	vpop (erf);
	(erf) = vpow2.f32 v21;
	v21 =	vmul.f32 $1.442695020e+00, v22  }
0x1bf: {  	[tilespmem:s21+$0xFFFFFE00] =	vst v23;
	v23 =	vpop (erf);
	v24 =	vmul.f32 $1.442695020e+00, v24;
	v0 =	vmul.f32 $1.442695020e+00, v0  }
0x1c0: {  	v22 =	vpop (erf)  }
0x1c1: {  	(erf) = vpow2.f32 v24;
	[tilespmem:s21+$0xFFFFFE20] =	vst v22;
	v22 =	vpop (erf)  }
0x1c2: {  	(erf) = vpow2.f32 v21;
	v21 =	vpop (erf)  }
0x1c3: {  	[tilespmem:s21+$0xFFFFFDB0] =	vst v28;
	(erf) = vpow2.f32 v0;
	v0 =	vpop (erf)  }
0x1c4: {  	[tilespmem:s21+$0x1D0] =	vst v0;
	v0 =	vld [tilespmem:$0x1FFF0]  }
0x1c5: {  	[tilespmem:s21+$0xFFFFFDD0] =	vst v60  }
0x1c6: {  	[tilespmem:s21+$0xFFFFFDF0] =	vst v63  }
0x1c7: {  	[tilespmem:s21+$0xFFFFFE10] =	vst v23  }
0x1c8: {  	[tilespmem:s21+$0x1B0] =	vst v22  }
0x1c9: {  	[tilespmem:s21+$0x1C0] =	vst v21;
	v21 =	vpop (erf);
	v0 =	vadd.s32 v30, v0  }
0x1ca: {  	v22 =	vpop (erf);
	[tilespmem:s21+$0x1E0] =	vst v21;
	v0 =	vbroadcast v0, $0x0  }
0x1cb: {  	v21 =	vpop (erf);
	[tilespmem:s21+$0x1F0] =	vst v22  }
0x1cc: {  	p0 =	sne.s32 s22, $0x20;
	v22 =	vpop (erf);
	[tilespmem:s21+$0x200] =	vst v21;
	v0 =	vor.u32 v1, v0  }
.Ltmp0:
0x1cd: {  	v21 =	vpop (erf);
	[tilespmem:s21+$0x210] =	vst v22;
	(pc) =	sbr.rel @p0 .LBB2_3-.Ltmp0, $4  }
0x1ce: {  	v22 =	vpop (erf);
	[tilespmem:s21+$0x220] =	vst v21  }
0x1cf: {  	v21 =	vpop (erf);
	[tilespmem:s21+$0x5B0] =	vst v22  }
0x1d0: {  	[tilespmem:s21+$0x5C0] =	vst v21;
	v21 =	vpop (erf)  }
0x1d1: {  	s23 =	sadd.s32 $0x8, s23;
	s22 =	sadd.s32 $0x8, s22;
	v28 =	vmov v1;
	s21 =	sadd.s32 $0xC00, s21;
	[tilespmem:v0+s10+$0x0] =	vst.idx.msk $0xfff, v21  }
0x1d2: {  	s21 =	smul.u32 $0x28, s18  }
0x1d3: {  	s18 =	sadd.s32 $0x1, s18  }
0x1d4: {  	p0 =	sne.s32 s18, $0x7D;
	s21 =	sadd.s32 s4, s21  }
.Ltmp1:
0x1d5: {  	s21 =	sshrl.u32 s21, $0x3;
	(pc) =	sbr.rel @p0 .LBB2_2-.Ltmp1, $4  }
0x1d6: {  	s21 =	smul.u32 $0x180, s21  }
0x1d7: {  	s19 =	sadd.s32 $0x1, s19  }
0x1d8: {  	s17 =	sadd.s32 $0x28, s17;
	s16 =	sadd.s32 $0x1, s16;
	s21 =	sadd.s32 s5, s21  }
0x1d9: {  	[hbm4b:s21+s3] =	stream.linear.scatter [tilespmem:s20], [sflag:s19], $0x3C00, $0x38;
	[tilespmem:$0x10580] =	vst v63  }
0x1da: {  	_ =	swait.ge [sflag:s11], $0x3C00  }
0x1db: {  	[sflag:s11] =	ssyncset.done $0x0  }
0x1dc: {  	[sflag:s11] =	ssyncadd.s32 $0xFFFFC400  }
0x1dd: {  	_ =	swait.ge [sflag:s12], $0x3C00  }
0x1de: {  	[sflag:s12] =	ssyncset.done $0x0  }
0x1df: {  	s15 =	sadd.s32 $0x1, s15;
	[sflag:s12] =	ssyncadd.s32 $0xFFFFC400  }
0x1e0: {  	p0 =	sne.s32 s15, s7;
	_ =	swait.ge [sflag:s13], $0x3C00  }
.Ltmp2:
0x1e1: {  	[sflag:s13] =	ssyncset.done $0x0;
	(pc) =	sbr.rel @p0 .LBB2_1-.Ltmp2, $4  }
0x1e2: {  	[sflag:s13] =	ssyncadd.s32 $0xFFFFC400  }
0x1e3: {  	_ =	swait.ge [sflag:s14], $0x3C00  }
0x1e4: {  	[sflag:s14] =	ssyncset.done $0x0  }
0x1e5: {  	[sflag:s14] =	ssyncadd.s32 $0xFFFFC400  }
0x1e6: {  	_ =	sfence.sel $0x180000  }
0x1e7: {  	[bflag:$0x0] =	sbarrier.arrive $0xFFFF  }
0x1e8: {  	p0 =	sne.s32 s0, $0x0;
	_ =	strace $0x90000047  }
0x1e9: {  	s0 =	sadd.s32 @!p0 $0x100000, s1;
	[bflag:$0x2] =	sbarrier.arrive $0xFFFF  }
0x1ea: {  	[sflag:s0] =	ssyncadd.tile.s32 @!p0 $0x1;
	_ =	shalt  }
.Lfunc_end2:
_tile_overlayer_lowered:
.L_overlay_start_2:
0x1eb: {  	(tag) =	ssettag $0x2  }
0x1ec: {  	s0 =	rddreg [dreg:$0x0];
	s2 =	stileid.u32  }
0x1ed: {  	s1 =	rddreg [dreg:$0x1];
	p0 =	sne.s32 s2, $0x0  }
0x1ee: {  	s3 =	rddreg [dreg:$0x2];
	[bflag:$0x3] =	sbarrier.arrive $0xFFFF;
	s2 =	simm.s32 @!p0 $0x1C05  }
0x1ef: {  	[timem:s3], [sflag:s2] =	dma.local @!p0 [hbm:s0], s1  }
0x1f0: {  	s0 =	simm.s32 @!p0 $0x5  }
0x1f1: {  	_ =	swait.ge @!p0 [sflag:s0], s1  }
0x1f2: {  	s1 =	ssub.s32 @!p0 $0x0, s1;
	[sflag:s0] =	ssyncset.done @!p0 $0x0  }
0x1f3: {  	[sflag:s0] =	ssyncadd.s32 @!p0 s1  }
0x1f4: {  	[bflag:$0x3] =	sbarrier.arrive $0xFFFF  }
0x1f5: {  	_ =	shalt  }

</sc_bundles>
